<compile_context>
chip_gen: v7x
topology: tpu7x:2x2x1
jax: 0.10.2.dev20260603
libtpu: 0.0.44.dev20260713+nightly
codegen_flags: <defaults>
</compile_context>

<pallas_src>
import functools
import math

import jax
import jax.numpy as jnp
from jax import lax
from jax.experimental import pallas as pl
from jax.experimental.pallas import tpu as pltpu
from jax.experimental.pallas import tpu_sc as plsc

N = 10000
E = 320000
D = 128
L = 4
ALPHA = 0.1
THETA = 0.5

NP = 10240
NTILES = 32
CH = 128
CPT = 80
CPT_A = 56
CPT_B = 104
CPT_MAX = max(CPT_A, CPT_B)
TOTAL_CHUNKS = 16 * (CPT_A + CPT_B)
E_PAD = TOTAL_CHUNKS * CH
ROWS_PER_TILE = NP // 16
NCOPY = ROWS_PER_TILE // CH
BR = 1024

_mesh = plsc.VectorSubcoreMesh(core_axis_name="c", subcore_axis_name="s")


@functools.partial(
    pl.kernel,
    out_type=jax.ShapeDtypeStruct((2, NP, D), jnp.float32),
    mesh=_mesh,
    scratch_types=[
        pltpu.VMEM((CPT, CH), jnp.int32),
        pltpu.VMEM((CH, D), jnp.float32),
        pltpu.VMEM((CH, D), jnp.float32),
        pltpu.VMEM_SHARED((NP, D), jnp.float32),
    ],
)
def _sc_degree(dst_hbm, ones_hbm, zeros_hbm, out_hbm, dst_v, ones_v, zeros_v,
               acc_sh):
    c = lax.axis_index("c")
    sid = lax.axis_index("s")
    w = c * 16 + sid
    base = sid * ROWS_PER_TILE

    pltpu.sync_copy(ones_hbm, ones_v)
    pltpu.sync_copy(zeros_hbm, zeros_v)

    @pl.loop(0, NCOPY)
    def _(j):
        pltpu.sync_copy(zeros_v, acc_sh.at[pl.ds(base + j * CH, CH)])

    pltpu.sync_copy(dst_hbm.at[pl.ds(w * CPT, CPT)], dst_v)
    plsc.subcore_barrier()

    @pl.loop(0, CPT)
    def _(j):
        pltpu.sync_copy(ones_v, acc_sh.at[dst_v.at[j]], add=True)

    plsc.subcore_barrier()

    @pl.loop(0, NCOPY)
    def _(j):
        pltpu.sync_copy(acc_sh.at[pl.ds(base + j * CH, CH)],
                        out_hbm.at[c].at[pl.ds(base + j * CH, CH)])


@functools.partial(
    pl.kernel,
    out_type=jax.ShapeDtypeStruct((2, NP, D), jnp.float32),
    mesh=_mesh,
    scratch_types=[
        pltpu.VMEM((CPT_MAX, CH), jnp.int32),
        pltpu.VMEM((CPT_MAX, CH), jnp.int32),
        pltpu.VMEM((CH, D), jnp.float32),
        pltpu.VMEM_SHARED((NP, D), jnp.float32),
    ],
)
def _sc_propagate(g_hbm, src_hbm, dst_hbm, zeros_hbm, out_hbm, src_v, dst_v,
                  rows_v, acc_sh):
    c = lax.axis_index("c")
    sid = lax.axis_index("s")
    base = sid * ROWS_PER_TILE

    pltpu.sync_copy(zeros_hbm, rows_v)

    @pl.loop(0, NCOPY)
    def _(j):
        pltpu.sync_copy(rows_v, acc_sh.at[pl.ds(base + j * CH, CH)])

    @pl.when(c == 0)
    def _():
        s0 = sid * CPT_A
        pltpu.sync_copy(src_hbm.at[pl.ds(s0, CPT_A)],
                        src_v.at[pl.ds(0, CPT_A)])
        pltpu.sync_copy(dst_hbm.at[pl.ds(s0, CPT_A)],
                        dst_v.at[pl.ds(0, CPT_A)])

    @pl.when(c == 1)
    def _():
        s1 = 16 * CPT_A + sid * CPT_B
        pltpu.sync_copy(src_hbm.at[pl.ds(s1, CPT_B)],
                        src_v.at[pl.ds(0, CPT_B)])
        pltpu.sync_copy(dst_hbm.at[pl.ds(s1, CPT_B)],
                        dst_v.at[pl.ds(0, CPT_B)])

    plsc.subcore_barrier()

    @pl.when(c == 0)
    def _():
        @pl.loop(0, CPT_A)
        def _(j):
            pltpu.sync_copy(g_hbm.at[src_v.at[j]], rows_v)
            pltpu.sync_copy(rows_v, acc_sh.at[dst_v.at[j]], add=True)

    @pl.when(c == 1)
    def _():
        @pl.loop(0, CPT_B)
        def _(j):
            pltpu.sync_copy(g_hbm.at[src_v.at[j]], rows_v)
            pltpu.sync_copy(rows_v, acc_sh.at[dst_v.at[j]], add=True)

    plsc.subcore_barrier()

    @pl.loop(0, NCOPY)
    def _(j):
        pltpu.sync_copy(acc_sh.at[pl.ds(base + j * CH, CH)],
                        out_hbm.at[c].at[pl.ds(base + j * CH, CH)])


def _dinv_from_deg(deg_ref):
    deg = deg_ref[0, :, 0:1] + deg_ref[1, :, 0:1] + 1.0
    dinv = lax.rsqrt(deg)
    return dinv, 1.0 / deg


def _proj_body(x_ref, w_ref, b_ref, deg_ref, x0_ref, g_ref):
    x0 = jnp.dot(x_ref[...], w_ref[...],
                 preferred_element_type=jnp.float32,
                 precision=lax.Precision.HIGHEST) + b_ref[...]
    dinv, _ = _dinv_from_deg(deg_ref)
    x0_ref[...] = x0
    g_ref[...] = dinv * x0


def _tc_proj(xp, Wp, bp, degp):
    return pl.pallas_call(
        _proj_body,
        grid=(NP // BR,),
        in_specs=[
            pl.BlockSpec((BR, D), lambda i: (i, 0)),
            pl.BlockSpec((D, D), lambda i: (0, 0)),
            pl.BlockSpec((1, D), lambda i: (0, 0)),
            pl.BlockSpec((2, BR, D), lambda i: (0, i, 0)),
        ],
        out_specs=[pl.BlockSpec((BR, D), lambda i: (i, 0))] * 2,
        out_shape=[jax.ShapeDtypeStruct((NP, D), jnp.float32)] * 2,
    )(xp, Wp, bp.reshape(1, D), degp)


def _make_dense_body(beta, last):
    def body(acc_ref, h_ref, x0_ref, deg_ref, w_ref, *out_refs):
        dinv, dinv2 = _dinv_from_deg(deg_ref)
        h = h_ref[...]
        s = acc_ref[0, :, :] + acc_ref[1, :, :]
        hp = dinv * s + dinv2 * h
        xp = (1.0 - ALPHA) * hp + ALPHA * x0_ref[...]
        raw = (1.0 - beta) * xp + beta * jnp.dot(
            xp, w_ref[...], preferred_element_type=jnp.float32,
            precision=lax.Precision.HIGHEST)
        hn = raw + h
        if last:
            out_refs[0][...] = hn
        else:
            hn = jnp.maximum(hn, 0.0)
            out_refs[0][...] = hn
            out_refs[1][...] = dinv * hn
    return body


def _tc_dense(acc, h, x0p, degp, W, beta, last):
    n_out = 1 if last else 2
    return pl.pallas_call(
        _make_dense_body(beta, last),
        grid=(NP // BR,),
        in_specs=[
            pl.BlockSpec((2, BR, D), lambda i: (0, i, 0)),
            pl.BlockSpec((BR, D), lambda i: (i, 0)),
            pl.BlockSpec((BR, D), lambda i: (i, 0)),
            pl.BlockSpec((2, BR, D), lambda i: (0, i, 0)),
            pl.BlockSpec((D, D), lambda i: (0, 0)),
        ],
        out_specs=[pl.BlockSpec((BR, D), lambda i: (i, 0))] * n_out,
        out_shape=[jax.ShapeDtypeStruct((NP, D), jnp.float32)] * n_out,
    )(acc, h, x0p, degp, W)


def kernel(x, edge_index, Wp, bp, W_convs):
    src = edge_index[0].astype(jnp.int32)
    dst = edge_index[1].astype(jnp.int32)
    pad = jnp.full((E_PAD - E,), N, dtype=jnp.int32)
    srcp = jnp.concatenate([src, pad]).reshape(TOTAL_CHUNKS, CH)
    dstp = jnp.concatenate([dst, pad]).reshape(TOTAL_CHUNKS, CH)
    xp = jnp.pad(x, ((0, NP - N), (0, 0)))
    onesD = jnp.ones((CH, D), jnp.float32)
    zerosD = jnp.zeros((CH, D), jnp.float32)

    degp = _sc_degree(dstp, onesD, zerosD)
    x0p, g = _tc_proj(xp, Wp, bp, degp)

    h = x0p
    for i in range(L):
        beta = float(math.log(THETA / (i + 1) + 1.0))
        acc = _sc_propagate(g, srcp, dstp, zerosD)
        if i != L - 1:
            h, g = _tc_dense(acc, h, x0p, degp, W_convs[i], beta, False)
        else:
            (h,) = _tc_dense(acc, h, x0p, degp, W_convs[i], beta, True)
    return h[:N]

# --- scband reference (transcript-rebuilt; emitter-appended) ---
"""Pipeline reference for scband-srr-40080634806832 (READ-ONLY COPY).

The authoritative reference and input builder live on the scoring server;
editing this copy changes nothing except your own understanding.
"""

import jax, jax.numpy as jnp
import numpy as np

N = 10000
E = 320000
D = 128
L = 4
ALPHA = 0.1
THETA = 0.5


def setup_inputs(seed: int = 0) -> dict:
    key = jax.random.key(seed)
    ks = jax.random.split(key, 4 + L)
    x = jax.random.normal(ks[0], (N, D), dtype=jnp.float32)
    edge_index = jax.random.randint(ks[1], (2, E), 0, N)
    Wp = jax.random.normal(ks[2], (D, D), dtype=jnp.float32) * 0.05
    bp = jnp.zeros((D,), dtype=jnp.float32)
    W_convs = jnp.stack([jax.random.normal(ks[3 + i], (D, D), dtype=jnp.float32) * 0.05 for i in range(L)])
    return {"x": x, "edge_index": edge_index, "Wp": Wp, "bp": bp, "W_convs": W_convs}


def reference(x, edge_index, Wp, bp, W_convs):
    # inference-mode SRR forward (reservoir injection disabled outside training)
    src = edge_index[0]
    dst = edge_index[1]
    loop = jnp.arange(N, dtype=src.dtype)
    src2 = jnp.concatenate([src, loop])
    dst2 = jnp.concatenate([dst, loop])
    # GCN normalization with added self loops (deg over dst, like PyG gcn_norm)
    deg = jax.ops.segment_sum(jnp.ones_like(src2, dtype=jnp.float32), dst2, num_segments=N)
    dinv = jnp.where(deg > 0, deg ** -0.5, 0.0)
    norm = dinv[src2] * dinv[dst2]

    x0 = x @ Wp + bp  # proj
    h = x0
    for i in range(L):
        beta = float(np.log(THETA / (i + 1) + 1.0))
        # propagate: out[dst] += norm * h[src]  (gather + scatter-add)
        msg = norm[:, None] * jnp.take(h, src2, axis=0)
        hp = jax.ops.segment_sum(msg, dst2, num_segments=N)
        # GCN2Conv with shared weights: initial residual + identity mapping
        xp = (1.0 - ALPHA) * hp + ALPHA * x0
        raw = (1.0 - beta) * xp + beta * (xp @ W_convs[i])
        h = raw + h  # outer residual in SRR.forward
        if i != L - 1:
            h = jax.nn.relu(h)
    return h

if __name__ == "__main__":
    import jax
    _d = setup_inputs()
    print(jax.jit(kernel)(*tuple(_d.values())))

</pallas_src>

<mosaic_0001>
#map = affine_map<(d0, d1) -> (0, 0)>
#map1 = affine_map<(d0, d1) -> (0, 0, 0)>
module attributes {stable_mosaic.version = 14 : i64} {
  func.func @_sc_degree(%arg0: i32, %arg1: i32, %arg2: memref<2560x128xi32, #tpu.memory_space<hbm>>, %arg3: memref<128x128xf32, #tpu.memory_space<hbm>>, %arg4: memref<128x128xf32, #tpu.memory_space<hbm>>, %arg5: memref<2x10240x128xf32, #tpu.memory_space<hbm>>, %arg6: memref<80x128xi32, #tpu.memory_space<vmem>>, %arg7: memref<128x128xf32, #tpu.memory_space<vmem>>, %arg8: memref<128x128xf32, #tpu.memory_space<vmem>>, %arg9: memref<10240x128xf32, #tpu.memory_space<vmem_shared>>) attributes {dimension_semantics = [#tpu.dimension_semantics<core_parallel>, #tpu.dimension_semantics<subcore_parallel>], iteration_bounds = array<i64: 2, 16>, scalar_prefetch = 0 : i64, scratch_operands = 4 : i64, tpu.core_type = #tpu.core_type<sc_vector_subcore>, window_params = [{transform_indices = #map}, {transform_indices = #map}, {transform_indices = #map}, {transform_indices = #map1}]} {
    %mul3A = arith.constant 16 : i32
    %mul3A_0 = arith.muli %arg0, %mul3A : i32
    %add3A = arith.addi %mul3A_0, %arg1 : i32
    %mul3A_1 = arith.constant 640 : i32
    %mul3A_2 = arith.muli %arg1, %mul3A_1 : i32
    "tpu.region"() ({
      %run_scoped3A = tpu.sem_alloc : memref<!tpu.dma_semaphore, #tpu.memory_space<semaphore_mem>>
      tpu.enqueue_dma source(%arg3 : memref<128x128xf32, #tpu.memory_space<hbm>>) target(%arg7 : memref<128x128xf32, #tpu.memory_space<vmem>>) target_semaphore(%run_scoped3A : memref<!tpu.dma_semaphore, #tpu.memory_space<semaphore_mem>>)
      tpu.wait_dma2 semaphore(%run_scoped3A : memref<!tpu.dma_semaphore, #tpu.memory_space<semaphore_mem>>) src(%arg3 : memref<128x128xf32, #tpu.memory_space<hbm>>) dst(%arg7 : memref<128x128xf32, #tpu.memory_space<vmem>>)
      tpu.yield
    }) : () -> ()
    "tpu.region"() ({
      %run_scoped3A = tpu.sem_alloc : memref<!tpu.dma_semaphore, #tpu.memory_space<semaphore_mem>>
      tpu.enqueue_dma source(%arg4 : memref<128x128xf32, #tpu.memory_space<hbm>>) target(%arg8 : memref<128x128xf32, #tpu.memory_space<vmem>>) target_semaphore(%run_scoped3A : memref<!tpu.dma_semaphore, #tpu.memory_space<semaphore_mem>>)
      tpu.wait_dma2 semaphore(%run_scoped3A : memref<!tpu.dma_semaphore, #tpu.memory_space<semaphore_mem>>) src(%arg4 : memref<128x128xf32, #tpu.memory_space<hbm>>) dst(%arg8 : memref<128x128xf32, #tpu.memory_space<vmem>>)
      tpu.yield
    }) : () -> ()
    %scan3A = arith.constant 0 : i32
    %scan3A_3 = arith.constant 5 : i32
    %scan3A_4 = arith.addi %scan3A, %scan3A_3 : i32
    %scan3A_5 = arith.constant 1 : i32
    scf.for %scan3A_20 = %scan3A to %scan3A_4 step %scan3A_5  : i32 {
      %mul3A_21 = arith.constant 1 : i32
      %mul3A_22 = arith.muli %scan3A_20, %mul3A_21 : i32
      %add3A_23 = arith.constant 0 : i32
      %add3A_24 = arith.addi %add3A_23, %mul3A_22 : i32
      %mul3A_25 = arith.constant 128 : i32
      %mul3A_26 = arith.muli %add3A_24, %mul3A_25 : i32
      %add3A_27 = arith.addi %mul3A_2, %mul3A_26 : i32
      "tpu.region"() ({
        %run_scoped3A = tpu.sem_alloc : memref<!tpu.dma_semaphore, #tpu.memory_space<semaphore_mem>>
        %dma_start3A = arith.constant 0 : i32
        %dma_start3A_28 = tpu.memref_slice %arg9[%add3A_27, %dma_start3A] : memref<10240x128xf32, #tpu.memory_space<vmem_shared>> -> memref<128x128xf32, #tpu.memory_space<vmem_shared>>
        %dma_start3A_29 = arith.constant 0 : i32
        %dma_start3A_30 = tpu.memref_slice %arg9[%add3A_27, %dma_start3A_29] : memref<10240x128xf32, #tpu.memory_space<vmem_shared>> -> memref<128x128xf32, #tpu.memory_space<vmem_shared>>
        tpu.enqueue_dma source(%arg8 : memref<128x128xf32, #tpu.memory_space<vmem>>) target(%dma_start3A_30 : memref<128x128xf32, #tpu.memory_space<vmem_shared>>) target_semaphore(%run_scoped3A : memref<!tpu.dma_semaphore, #tpu.memory_space<semaphore_mem>>)
        %dma_wait3A = arith.constant 0 : i32
        %dma_wait3A_31 = tpu.memref_slice %arg9[%add3A_27, %dma_wait3A] : memref<10240x128xf32, #tpu.memory_space<vmem_shared>> -> memref<128x128xf32, #tpu.memory_space<vmem_shared>>
        %dma_wait3A_32 = arith.constant 0 : i32
        %dma_wait3A_33 = tpu.memref_slice %arg9[%add3A_27, %dma_wait3A_32] : memref<10240x128xf32, #tpu.memory_space<vmem_shared>> -> memref<128x128xf32, #tpu.memory_space<vmem_shared>>
        tpu.wait_dma2 semaphore(%run_scoped3A : memref<!tpu.dma_semaphore, #tpu.memory_space<semaphore_mem>>) src(%arg8 : memref<128x128xf32, #tpu.memory_space<vmem>>) dst(%dma_wait3A_33 : memref<128x128xf32, #tpu.memory_space<vmem_shared>>)
        tpu.yield
      }) : () -> ()
    }
    %scan3A_6 = arith.constant 5 : i32
    %mul3A_7 = arith.constant 80 : i32
    %mul3A_8 = arith.muli %add3A, %mul3A_7 : i32
    "tpu.region"() ({
      %run_scoped3A = tpu.sem_alloc : memref<!tpu.dma_semaphore, #tpu.memory_space<semaphore_mem>>
      %dma_start3A = arith.constant 0 : i32
      %dma_start3A_20 = tpu.memref_slice %arg2[%mul3A_8, %dma_start3A] : memref<2560x128xi32, #tpu.memory_space<hbm>> -> memref<80x128xi32, #tpu.memory_space<hbm>>
      %dma_start3A_21 = arith.constant 0 : i32
      %dma_start3A_22 = tpu.memref_slice %arg2[%mul3A_8, %dma_start3A_21] : memref<2560x128xi32, #tpu.memory_space<hbm>> -> memref<80x128xi32, #tpu.memory_space<hbm>>
      tpu.enqueue_dma source(%dma_start3A_22 : memref<80x128xi32, #tpu.memory_space<hbm>>) target(%arg6 : memref<80x128xi32, #tpu.memory_space<vmem>>) target_semaphore(%run_scoped3A : memref<!tpu.dma_semaphore, #tpu.memory_space<semaphore_mem>>)
      %dma_wait3A = arith.constant 0 : i32
      %dma_wait3A_23 = tpu.memref_slice %arg2[%mul3A_8, %dma_wait3A] : memref<2560x128xi32, #tpu.memory_space<hbm>> -> memref<80x128xi32, #tpu.memory_space<hbm>>
      %dma_wait3A_24 = arith.constant 0 : i32
      %dma_wait3A_25 = tpu.memref_slice %arg2[%mul3A_8, %dma_wait3A_24] : memref<2560x128xi32, #tpu.memory_space<hbm>> -> memref<80x128xi32, #tpu.memory_space<hbm>>
      tpu.wait_dma2 semaphore(%run_scoped3A : memref<!tpu.dma_semaphore, #tpu.memory_space<semaphore_mem>>) src(%dma_wait3A_25 : memref<80x128xi32, #tpu.memory_space<hbm>>) dst(%arg6 : memref<80x128xi32, #tpu.memory_space<vmem>>)
      tpu.yield
    }) : () -> ()
    %barrier3A = arith.constant 0 : index
    tpu.barrier barrier_id(%barrier3A)
    %scan3A_9 = arith.constant 0 : i32
    %scan3A_10 = arith.constant 80 : i32
    %scan3A_11 = arith.addi %scan3A_9, %scan3A_10 : i32
    %scan3A_12 = arith.constant 1 : i32
    scf.for %scan3A_20 = %scan3A_9 to %scan3A_11 step %scan3A_12  : i32 {
      %mul3A_21 = arith.constant 1 : i32
      %mul3A_22 = arith.muli %scan3A_20, %mul3A_21 : i32
      %add3A_23 = arith.constant 0 : i32
      %add3A_24 = arith.addi %add3A_23, %mul3A_22 : i32
      "tpu.region"() ({
        %run_scoped3A = tpu.sem_alloc : memref<!tpu.dma_semaphore, #tpu.memory_space<semaphore_mem>>
        %dma_start3A = arith.constant 0 : i32
        %dma_start3A_25 = tpu.memref_slice %arg6[%add3A_24, %dma_start3A] : memref<80x128xi32, #tpu.memory_space<vmem>> -> memref<1x128xi32, #tpu.memory_space<vmem>>
        %dma_start3A_26 = tpu.memref_squeeze %dma_start3A_25 : memref<1x128xi32, #tpu.memory_space<vmem>> -> memref<128xi32, #tpu.memory_space<vmem>>
        %dma_start3A_27 = arith.constant 0 : i32
        %dma_start3A_28 = arith.constant 0 : i32
        %dma_start3A_29 = tpu.memref_slice %arg9[%dma_start3A_27, %dma_start3A_28] : memref<10240x128xf32, #tpu.memory_space<vmem_shared>> -> memref<10240x128xf32, #tpu.memory_space<vmem_shared>>
        tpu.enqueue_indirect_dma source(%arg7 : memref<128x128xf32, #tpu.memory_space<vmem>>) target(%dma_start3A_29 : memref<10240x128xf32, #tpu.memory_space<vmem_shared>>) offsets(%dma_start3A_26 : memref<128xi32, #tpu.memory_space<vmem>>) semaphore(%run_scoped3A : memref<!tpu.dma_semaphore, #tpu.memory_space<semaphore_mem>>) {add = true}
        %dma_wait3A = arith.constant 0 : i32
        %dma_wait3A_30 = tpu.memref_slice %arg6[%add3A_24, %dma_wait3A] : memref<80x128xi32, #tpu.memory_space<vmem>> -> memref<1x128xi32, #tpu.memory_space<vmem>>
        %dma_wait3A_31 = tpu.memref_squeeze %dma_wait3A_30 : memref<1x128xi32, #tpu.memory_space<vmem>> -> memref<128xi32, #tpu.memory_space<vmem>>
        %dma_wait3A_32 = arith.constant 0 : i32
        %dma_wait3A_33 = arith.constant 0 : i32
        %dma_wait3A_34 = tpu.memref_slice %arg9[%dma_wait3A_32, %dma_wait3A_33] : memref<10240x128xf32, #tpu.memory_space<vmem_shared>> -> memref<10240x128xf32, #tpu.memory_space<vmem_shared>>
        tpu.wait_indirect_dma semaphore(%run_scoped3A : memref<!tpu.dma_semaphore, #tpu.memory_space<semaphore_mem>>) src(%arg7 : memref<128x128xf32, #tpu.memory_space<vmem>>) dst(%dma_wait3A_34 : memref<10240x128xf32, #tpu.memory_space<vmem_shared>>)
        tpu.yield
      }) : () -> ()
    }
    %scan3A_13 = arith.constant 80 : i32
    %barrier3A_14 = arith.constant 0 : index
    tpu.barrier barrier_id(%barrier3A_14)
    %scan3A_15 = arith.constant 0 : i32
    %scan3A_16 = arith.constant 5 : i32
    %scan3A_17 = arith.addi %scan3A_15, %scan3A_16 : i32
    %scan3A_18 = arith.constant 1 : i32
    scf.for %scan3A_20 = %scan3A_15 to %scan3A_17 step %scan3A_18  : i32 {
      %mul3A_21 = arith.constant 1 : i32
      %mul3A_22 = arith.muli %scan3A_20, %mul3A_21 : i32
      %add3A_23 = arith.constant 0 : i32
      %add3A_24 = arith.addi %add3A_23, %mul3A_22 : i32
      %mul3A_25 = arith.constant 128 : i32
      %mul3A_26 = arith.muli %add3A_24, %mul3A_25 : i32
      %add3A_27 = arith.addi %mul3A_2, %mul3A_26 : i32
      %mul3A_28 = arith.constant 128 : i32
      %mul3A_29 = arith.muli %add3A_24, %mul3A_28 : i32
      %add3A_30 = arith.addi %mul3A_2, %mul3A_29 : i32
      "tpu.region"() ({
        %run_scoped3A = tpu.sem_alloc : memref<!tpu.dma_semaphore, #tpu.memory_space<semaphore_mem>>
        %dma_start3A = arith.constant 0 : i32
        %dma_start3A_31 = arith.constant 0 : i32
        %dma_start3A_32 = tpu.memref_slice %arg5[%arg0, %dma_start3A, %dma_start3A_31] : memref<2x10240x128xf32, #tpu.memory_space<hbm>> -> memref<1x10240x128xf32, #tpu.memory_space<hbm>>
        %dma_start3A_33 = tpu.memref_squeeze %dma_start3A_32 : memref<1x10240x128xf32, #tpu.memory_space<hbm>> -> memref<10240x128xf32, #tpu.memory_space<hbm>>
        %dma_start3A_34 = arith.constant 0 : i32
        %dma_start3A_35 = tpu.memref_slice %dma_start3A_33[%add3A_30, %dma_start3A_34] : memref<10240x128xf32, #tpu.memory_space<hbm>> -> memref<128x128xf32, #tpu.memory_space<hbm>>
        %dma_start3A_36 = arith.constant 0 : i32
        %dma_start3A_37 = tpu.memref_slice %arg9[%add3A_27, %dma_start3A_36] : memref<10240x128xf32, #tpu.memory_space<vmem_shared>> -> memref<128x128xf32, #tpu.memory_space<vmem_shared>>
        tpu.enqueue_dma source(%dma_start3A_37 : memref<128x128xf32, #tpu.memory_space<vmem_shared>>) target(%dma_start3A_35 : memref<128x128xf32, #tpu.memory_space<hbm>>) target_semaphore(%run_scoped3A : memref<!tpu.dma_semaphore, #tpu.memory_space<semaphore_mem>>)
        %dma_wait3A = arith.constant 0 : i32
        %dma_wait3A_38 = arith.constant 0 : i32
        %dma_wait3A_39 = tpu.memref_slice %arg5[%arg0, %dma_wait3A, %dma_wait3A_38] : memref<2x10240x128xf32, #tpu.memory_space<hbm>> -> memref<1x10240x128xf32, #tpu.memory_space<hbm>>
        %dma_wait3A_40 = tpu.memref_squeeze %dma_wait3A_39 : memref<1x10240x128xf32, #tpu.memory_space<hbm>> -> memref<10240x128xf32, #tpu.memory_space<hbm>>
        %dma_wait3A_41 = arith.constant 0 : i32
        %dma_wait3A_42 = tpu.memref_slice %dma_wait3A_40[%add3A_30, %dma_wait3A_41] : memref<10240x128xf32, #tpu.memory_space<hbm>> -> memref<128x128xf32, #tpu.memory_space<hbm>>
        %dma_wait3A_43 = arith.constant 0 : i32
        %dma_wait3A_44 = tpu.memref_slice %arg9[%add3A_27, %dma_wait3A_43] : memref<10240x128xf32, #tpu.memory_space<vmem_shared>> -> memref<128x128xf32, #tpu.memory_space<vmem_shared>>
        tpu.wait_dma2 semaphore(%run_scoped3A : memref<!tpu.dma_semaphore, #tpu.memory_space<semaphore_mem>>) src(%dma_wait3A_44 : memref<128x128xf32, #tpu.memory_space<vmem_shared>>) dst(%dma_wait3A_42 : memref<128x128xf32, #tpu.memory_space<hbm>>)
        tpu.yield
      }) : () -> ()
    }
    %scan3A_19 = arith.constant 5 : i32
    return
  }
}

#map = affine_map<(d0, d1) -> (0, 0)>
#map1 = affine_map<(d0, d1) -> (0, 0, 0)>
module attributes {stable_mosaic.version = 14 : i64} {
  func.func @_sc_propagate(%arg0: i32, %arg1: i32, %arg2: memref<10240x128xf32, #tpu.memory_space<hbm>>, %arg3: memref<2560x128xi32, #tpu.memory_space<hbm>>, %arg4: memref<2560x128xi32, #tpu.memory_space<hbm>>, %arg5: memref<128x128xf32, #tpu.memory_space<hbm>>, %arg6: memref<2x10240x128xf32, #tpu.memory_space<hbm>>, %arg7: memref<104x128xi32, #tpu.memory_space<vmem>>, %arg8: memref<104x128xi32, #tpu.memory_space<vmem>>, %arg9: memref<128x128xf32, #tpu.memory_space<vmem>>, %arg10: memref<10240x128xf32, #tpu.memory_space<vmem_shared>>) attributes {dimension_semantics = [#tpu.dimension_semantics<core_parallel>, #tpu.dimension_semantics<subcore_parallel>], iteration_bounds = array<i64: 2, 16>, scalar_prefetch = 0 : i64, scratch_operands = 4 : i64, tpu.core_type = #tpu.core_type<sc_vector_subcore>, window_params = [{transform_indices = #map}, {transform_indices = #map}, {transform_indices = #map}, {transform_indices = #map}, {transform_indices = #map1}]} {
    %mul3A = arith.constant 640 : i32
    %mul3A_0 = arith.muli %arg1, %mul3A : i32
    "tpu.region"() ({
      %run_scoped3A = tpu.sem_alloc : memref<!tpu.dma_semaphore, #tpu.memory_space<semaphore_mem>>
      tpu.enqueue_dma source(%arg5 : memref<128x128xf32, #tpu.memory_space<hbm>>) target(%arg9 : memref<128x128xf32, #tpu.memory_space<vmem>>) target_semaphore(%run_scoped3A : memref<!tpu.dma_semaphore, #tpu.memory_space<semaphore_mem>>)
      tpu.wait_dma2 semaphore(%run_scoped3A : memref<!tpu.dma_semaphore, #tpu.memory_space<semaphore_mem>>) src(%arg5 : memref<128x128xf32, #tpu.memory_space<hbm>>) dst(%arg9 : memref<128x128xf32, #tpu.memory_space<vmem>>)
      tpu.yield
    }) : () -> ()
    %scan3A = arith.constant 0 : i32
    %scan3A_1 = arith.constant 5 : i32
    %scan3A_2 = arith.addi %scan3A, %scan3A_1 : i32
    %scan3A_3 = arith.constant 1 : i32
    scf.for %scan3A_28 = %scan3A to %scan3A_2 step %scan3A_3  : i32 {
      %mul3A_29 = arith.constant 1 : i32
      %mul3A_30 = arith.muli %scan3A_28, %mul3A_29 : i32
      %add3A = arith.constant 0 : i32
      %add3A_31 = arith.addi %add3A, %mul3A_30 : i32
      %mul3A_32 = arith.constant 128 : i32
      %mul3A_33 = arith.muli %add3A_31, %mul3A_32 : i32
      %add3A_34 = arith.addi %mul3A_0, %mul3A_33 : i32
      "tpu.region"() ({
        %run_scoped3A = tpu.sem_alloc : memref<!tpu.dma_semaphore, #tpu.memory_space<semaphore_mem>>
        %dma_start3A = arith.constant 0 : i32
        %dma_start3A_35 = tpu.memref_slice %arg10[%add3A_34, %dma_start3A] : memref<10240x128xf32, #tpu.memory_space<vmem_shared>> -> memref<128x128xf32, #tpu.memory_space<vmem_shared>>
        %dma_start3A_36 = arith.constant 0 : i32
        %dma_start3A_37 = tpu.memref_slice %arg10[%add3A_34, %dma_start3A_36] : memref<10240x128xf32, #tpu.memory_space<vmem_shared>> -> memref<128x128xf32, #tpu.memory_space<vmem_shared>>
        tpu.enqueue_dma source(%arg9 : memref<128x128xf32, #tpu.memory_space<vmem>>) target(%dma_start3A_37 : memref<128x128xf32, #tpu.memory_space<vmem_shared>>) target_semaphore(%run_scoped3A : memref<!tpu.dma_semaphore, #tpu.memory_space<semaphore_mem>>)
        %dma_wait3A = arith.constant 0 : i32
        %dma_wait3A_38 = tpu.memref_slice %arg10[%add3A_34, %dma_wait3A] : memref<10240x128xf32, #tpu.memory_space<vmem_shared>> -> memref<128x128xf32, #tpu.memory_space<vmem_shared>>
        %dma_wait3A_39 = arith.constant 0 : i32
        %dma_wait3A_40 = tpu.memref_slice %arg10[%add3A_34, %dma_wait3A_39] : memref<10240x128xf32, #tpu.memory_space<vmem_shared>> -> memref<128x128xf32, #tpu.memory_space<vmem_shared>>
        tpu.wait_dma2 semaphore(%run_scoped3A : memref<!tpu.dma_semaphore, #tpu.memory_space<semaphore_mem>>) src(%arg9 : memref<128x128xf32, #tpu.memory_space<vmem>>) dst(%dma_wait3A_40 : memref<128x128xf32, #tpu.memory_space<vmem_shared>>)
        tpu.yield
      }) : () -> ()
    }
    %scan3A_4 = arith.constant 5 : i32
    %eq3A = arith.constant 0 : i32
    %eq3A_5 = arith.cmpi eq, %arg0, %eq3A : i32
    %convert_element_type3A = arith.extui %eq3A_5 : i1 to i32
    %cond3A = arith.constant 0 : i32
    %cond3A_6 = arith.cmpi ne, %convert_element_type3A, %cond3A : i32
    scf.if %cond3A_6 {
      %mul3A_28 = arith.constant 56 : i32
      %mul3A_29 = arith.muli %arg1, %mul3A_28 : i32
      "tpu.region"() ({
        %run_scoped3A = tpu.sem_alloc : memref<!tpu.dma_semaphore, #tpu.memory_space<semaphore_mem>>
        %dma_start3A = arith.constant 0 : i32
        %dma_start3A_30 = arith.constant 0 : i32
        %dma_start3A_31 = tpu.memref_slice %arg7[%dma_start3A, %dma_start3A_30] : memref<104x128xi32, #tpu.memory_space<vmem>> -> memref<56x128xi32, #tpu.memory_space<vmem>>
        %dma_start3A_32 = arith.constant 0 : i32
        %dma_start3A_33 = tpu.memref_slice %arg3[%mul3A_29, %dma_start3A_32] : memref<2560x128xi32, #tpu.memory_space<hbm>> -> memref<56x128xi32, #tpu.memory_space<hbm>>
        %dma_start3A_34 = arith.constant 0 : i32
        %dma_start3A_35 = arith.constant 0 : i32
        %dma_start3A_36 = tpu.memref_slice %arg7[%dma_start3A_34, %dma_start3A_35] : memref<104x128xi32, #tpu.memory_space<vmem>> -> memref<56x128xi32, #tpu.memory_space<vmem>>
        %dma_start3A_37 = arith.constant 0 : i32
        %dma_start3A_38 = tpu.memref_slice %arg3[%mul3A_29, %dma_start3A_37] : memref<2560x128xi32, #tpu.memory_space<hbm>> -> memref<56x128xi32, #tpu.memory_space<hbm>>
        tpu.enqueue_dma source(%dma_start3A_38 : memref<56x128xi32, #tpu.memory_space<hbm>>) target(%dma_start3A_36 : memref<56x128xi32, #tpu.memory_space<vmem>>) target_semaphore(%run_scoped3A : memref<!tpu.dma_semaphore, #tpu.memory_space<semaphore_mem>>)
        %dma_wait3A = arith.constant 0 : i32
        %dma_wait3A_39 = arith.constant 0 : i32
        %dma_wait3A_40 = tpu.memref_slice %arg7[%dma_wait3A, %dma_wait3A_39] : memref<104x128xi32, #tpu.memory_space<vmem>> -> memref<56x128xi32, #tpu.memory_space<vmem>>
        %dma_wait3A_41 = arith.constant 0 : i32
        %dma_wait3A_42 = tpu.memref_slice %arg3[%mul3A_29, %dma_wait3A_41] : memref<2560x128xi32, #tpu.memory_space<hbm>> -> memref<56x128xi32, #tpu.memory_space<hbm>>
        %dma_wait3A_43 = arith.constant 0 : i32
        %dma_wait3A_44 = arith.constant 0 : i32
        %dma_wait3A_45 = tpu.memref_slice %arg7[%dma_wait3A_43, %dma_wait3A_44] : memref<104x128xi32, #tpu.memory_space<vmem>> -> memref<56x128xi32, #tpu.memory_space<vmem>>
        %dma_wait3A_46 = arith.constant 0 : i32
        %dma_wait3A_47 = tpu.memref_slice %arg3[%mul3A_29, %dma_wait3A_46] : memref<2560x128xi32, #tpu.memory_space<hbm>> -> memref<56x128xi32, #tpu.memory_space<hbm>>
        tpu.wait_dma2 semaphore(%run_scoped3A : memref<!tpu.dma_semaphore, #tpu.memory_space<semaphore_mem>>) src(%dma_wait3A_47 : memref<56x128xi32, #tpu.memory_space<hbm>>) dst(%dma_wait3A_45 : memref<56x128xi32, #tpu.memory_space<vmem>>)
        tpu.yield
      }) : () -> ()
      "tpu.region"() ({
        %run_scoped3A = tpu.sem_alloc : memref<!tpu.dma_semaphore, #tpu.memory_space<semaphore_mem>>
        %dma_start3A = arith.constant 0 : i32
        %dma_start3A_30 = arith.constant 0 : i32
        %dma_start3A_31 = tpu.memref_slice %arg8[%dma_start3A, %dma_start3A_30] : memref<104x128xi32, #tpu.memory_space<vmem>> -> memref<56x128xi32, #tpu.memory_space<vmem>>
        %dma_start3A_32 = arith.constant 0 : i32
        %dma_start3A_33 = tpu.memref_slice %arg4[%mul3A_29, %dma_start3A_32] : memref<2560x128xi32, #tpu.memory_space<hbm>> -> memref<56x128xi32, #tpu.memory_space<hbm>>
        %dma_start3A_34 = arith.constant 0 : i32
        %dma_start3A_35 = arith.constant 0 : i32
        %dma_start3A_36 = tpu.memref_slice %arg8[%dma_start3A_34, %dma_start3A_35] : memref<104x128xi32, #tpu.memory_space<vmem>> -> memref<56x128xi32, #tpu.memory_space<vmem>>
        %dma_start3A_37 = arith.constant 0 : i32
        %dma_start3A_38 = tpu.memref_slice %arg4[%mul3A_29, %dma_start3A_37] : memref<2560x128xi32, #tpu.memory_space<hbm>> -> memref<56x128xi32, #tpu.memory_space<hbm>>
        tpu.enqueue_dma source(%dma_start3A_38 : memref<56x128xi32, #tpu.memory_space<hbm>>) target(%dma_start3A_36 : memref<56x128xi32, #tpu.memory_space<vmem>>) target_semaphore(%run_scoped3A : memref<!tpu.dma_semaphore, #tpu.memory_space<semaphore_mem>>)
        %dma_wait3A = arith.constant 0 : i32
        %dma_wait3A_39 = arith.constant 0 : i32
        %dma_wait3A_40 = tpu.memref_slice %arg8[%dma_wait3A, %dma_wait3A_39] : memref<104x128xi32, #tpu.memory_space<vmem>> -> memref<56x128xi32, #tpu.memory_space<vmem>>
        %dma_wait3A_41 = arith.constant 0 : i32
        %dma_wait3A_42 = tpu.memref_slice %arg4[%mul3A_29, %dma_wait3A_41] : memref<2560x128xi32, #tpu.memory_space<hbm>> -> memref<56x128xi32, #tpu.memory_space<hbm>>
        %dma_wait3A_43 = arith.constant 0 : i32
        %dma_wait3A_44 = arith.constant 0 : i32
        %dma_wait3A_45 = tpu.memref_slice %arg8[%dma_wait3A_43, %dma_wait3A_44] : memref<104x128xi32, #tpu.memory_space<vmem>> -> memref<56x128xi32, #tpu.memory_space<vmem>>
        %dma_wait3A_46 = arith.constant 0 : i32
        %dma_wait3A_47 = tpu.memref_slice %arg4[%mul3A_29, %dma_wait3A_46] : memref<2560x128xi32, #tpu.memory_space<hbm>> -> memref<56x128xi32, #tpu.memory_space<hbm>>
        tpu.wait_dma2 semaphore(%run_scoped3A : memref<!tpu.dma_semaphore, #tpu.memory_space<semaphore_mem>>) src(%dma_wait3A_47 : memref<56x128xi32, #tpu.memory_space<hbm>>) dst(%dma_wait3A_45 : memref<56x128xi32, #tpu.memory_space<vmem>>)
        tpu.yield
      }) : () -> ()
    } else {
    }
    %eq3A_7 = arith.constant 1 : i32
    %eq3A_8 = arith.cmpi eq, %arg0, %eq3A_7 : i32
    %convert_element_type3A_9 = arith.extui %eq3A_8 : i1 to i32
    %cond3A_10 = arith.constant 0 : i32
    %cond3A_11 = arith.cmpi ne, %convert_element_type3A_9, %cond3A_10 : i32
    scf.if %cond3A_11 {
      %mul3A_28 = arith.constant 104 : i32
      %mul3A_29 = arith.muli %arg1, %mul3A_28 : i32
      %add3A = arith.constant 896 : i32
      %add3A_30 = arith.addi %add3A, %mul3A_29 : i32
      "tpu.region"() ({
        %run_scoped3A = tpu.sem_alloc : memref<!tpu.dma_semaphore, #tpu.memory_space<semaphore_mem>>
        %dma_start3A = arith.constant 0 : i32
        %dma_start3A_31 = arith.constant 0 : i32
        %dma_start3A_32 = tpu.memref_slice %arg7[%dma_start3A, %dma_start3A_31] : memref<104x128xi32, #tpu.memory_space<vmem>> -> memref<104x128xi32, #tpu.memory_space<vmem>>
        %dma_start3A_33 = arith.constant 0 : i32
        %dma_start3A_34 = tpu.memref_slice %arg3[%add3A_30, %dma_start3A_33] : memref<2560x128xi32, #tpu.memory_space<hbm>> -> memref<104x128xi32, #tpu.memory_space<hbm>>
        %dma_start3A_35 = arith.constant 0 : i32
        %dma_start3A_36 = arith.constant 0 : i32
        %dma_start3A_37 = tpu.memref_slice %arg7[%dma_start3A_35, %dma_start3A_36] : memref<104x128xi32, #tpu.memory_space<vmem>> -> memref<104x128xi32, #tpu.memory_space<vmem>>
        %dma_start3A_38 = arith.constant 0 : i32
        %dma_start3A_39 = tpu.memref_slice %arg3[%add3A_30, %dma_start3A_38] : memref<2560x128xi32, #tpu.memory_space<hbm>> -> memref<104x128xi32, #tpu.memory_space<hbm>>
        tpu.enqueue_dma source(%dma_start3A_39 : memref<104x128xi32, #tpu.memory_space<hbm>>) target(%dma_start3A_37 : memref<104x128xi32, #tpu.memory_space<vmem>>) target_semaphore(%run_scoped3A : memref<!tpu.dma_semaphore, #tpu.memory_space<semaphore_mem>>)
        %dma_wait3A = arith.constant 0 : i32
        %dma_wait3A_40 = arith.constant 0 : i32
        %dma_wait3A_41 = tpu.memref_slice %arg7[%dma_wait3A, %dma_wait3A_40] : memref<104x128xi32, #tpu.memory_space<vmem>> -> memref<104x128xi32, #tpu.memory_space<vmem>>
        %dma_wait3A_42 = arith.constant 0 : i32
        %dma_wait3A_43 = tpu.memref_slice %arg3[%add3A_30, %dma_wait3A_42] : memref<2560x128xi32, #tpu.memory_space<hbm>> -> memref<104x128xi32, #tpu.memory_space<hbm>>
        %dma_wait3A_44 = arith.constant 0 : i32
        %dma_wait3A_45 = arith.constant 0 : i32
        %dma_wait3A_46 = tpu.memref_slice %arg7[%dma_wait3A_44, %dma_wait3A_45] : memref<104x128xi32, #tpu.memory_space<vmem>> -> memref<104x128xi32, #tpu.memory_space<vmem>>
        %dma_wait3A_47 = arith.constant 0 : i32
        %dma_wait3A_48 = tpu.memref_slice %arg3[%add3A_30, %dma_wait3A_47] : memref<2560x128xi32, #tpu.memory_space<hbm>> -> memref<104x128xi32, #tpu.memory_space<hbm>>
        tpu.wait_dma2 semaphore(%run_scoped3A : memref<!tpu.dma_semaphore, #tpu.memory_space<semaphore_mem>>) src(%dma_wait3A_48 : memref<104x128xi32, #tpu.memory_space<hbm>>) dst(%dma_wait3A_46 : memref<104x128xi32, #tpu.memory_space<vmem>>)
        tpu.yield
      }) : () -> ()
      "tpu.region"() ({
        %run_scoped3A = tpu.sem_alloc : memref<!tpu.dma_semaphore, #tpu.memory_space<semaphore_mem>>
        %dma_start3A = arith.constant 0 : i32
        %dma_start3A_31 = arith.constant 0 : i32
        %dma_start3A_32 = tpu.memref_slice %arg8[%dma_start3A, %dma_start3A_31] : memref<104x128xi32, #tpu.memory_space<vmem>> -> memref<104x128xi32, #tpu.memory_space<vmem>>
        %dma_start3A_33 = arith.constant 0 : i32
        %dma_start3A_34 = tpu.memref_slice %arg4[%add3A_30, %dma_start3A_33] : memref<2560x128xi32, #tpu.memory_space<hbm>> -> memref<104x128xi32, #tpu.memory_space<hbm>>
        %dma_start3A_35 = arith.constant 0 : i32
        %dma_start3A_36 = arith.constant 0 : i32
        %dma_start3A_37 = tpu.memref_slice %arg8[%dma_start3A_35, %dma_start3A_36] : memref<104x128xi32, #tpu.memory_space<vmem>> -> memref<104x128xi32, #tpu.memory_space<vmem>>
        %dma_start3A_38 = arith.constant 0 : i32
        %dma_start3A_39 = tpu.memref_slice %arg4[%add3A_30, %dma_start3A_38] : memref<2560x128xi32, #tpu.memory_space<hbm>> -> memref<104x128xi32, #tpu.memory_space<hbm>>
        tpu.enqueue_dma source(%dma_start3A_39 : memref<104x128xi32, #tpu.memory_space<hbm>>) target(%dma_start3A_37 : memref<104x128xi32, #tpu.memory_space<vmem>>) target_semaphore(%run_scoped3A : memref<!tpu.dma_semaphore, #tpu.memory_space<semaphore_mem>>)
        %dma_wait3A = arith.constant 0 : i32
        %dma_wait3A_40 = arith.constant 0 : i32
        %dma_wait3A_41 = tpu.memref_slice %arg8[%dma_wait3A, %dma_wait3A_40] : memref<104x128xi32, #tpu.memory_space<vmem>> -> memref<104x128xi32, #tpu.memory_space<vmem>>
        %dma_wait3A_42 = arith.constant 0 : i32
        %dma_wait3A_43 = tpu.memref_slice %arg4[%add3A_30, %dma_wait3A_42] : memref<2560x128xi32, #tpu.memory_space<hbm>> -> memref<104x128xi32, #tpu.memory_space<hbm>>
        %dma_wait3A_44 = arith.constant 0 : i32
        %dma_wait3A_45 = arith.constant 0 : i32
        %dma_wait3A_46 = tpu.memref_slice %arg8[%dma_wait3A_44, %dma_wait3A_45] : memref<104x128xi32, #tpu.memory_space<vmem>> -> memref<104x128xi32, #tpu.memory_space<vmem>>
        %dma_wait3A_47 = arith.constant 0 : i32
        %dma_wait3A_48 = tpu.memref_slice %arg4[%add3A_30, %dma_wait3A_47] : memref<2560x128xi32, #tpu.memory_space<hbm>> -> memref<104x128xi32, #tpu.memory_space<hbm>>
        tpu.wait_dma2 semaphore(%run_scoped3A : memref<!tpu.dma_semaphore, #tpu.memory_space<semaphore_mem>>) src(%dma_wait3A_48 : memref<104x128xi32, #tpu.memory_space<hbm>>) dst(%dma_wait3A_46 : memref<104x128xi32, #tpu.memory_space<vmem>>)
        tpu.yield
      }) : () -> ()
    } else {
    }
    %barrier3A = arith.constant 0 : index
    tpu.barrier barrier_id(%barrier3A)
    %eq3A_12 = arith.constant 0 : i32
    %eq3A_13 = arith.cmpi eq, %arg0, %eq3A_12 : i32
    %convert_element_type3A_14 = arith.extui %eq3A_13 : i1 to i32
    %cond3A_15 = arith.constant 0 : i32
    %cond3A_16 = arith.cmpi ne, %convert_element_type3A_14, %cond3A_15 : i32
    scf.if %cond3A_16 {
      %scan3A_28 = arith.constant 0 : i32
      %scan3A_29 = arith.constant 56 : i32
      %scan3A_30 = arith.addi %scan3A_28, %scan3A_29 : i32
      %scan3A_31 = arith.constant 1 : i32
      scf.for %scan3A_33 = %scan3A_28 to %scan3A_30 step %scan3A_31  : i32 {
        %mul3A_34 = arith.constant 1 : i32
        %mul3A_35 = arith.muli %scan3A_33, %mul3A_34 : i32
        %add3A = arith.constant 0 : i32
        %add3A_36 = arith.addi %add3A, %mul3A_35 : i32
        "tpu.region"() ({
          %run_scoped3A = tpu.sem_alloc : memref<!tpu.dma_semaphore, #tpu.memory_space<semaphore_mem>>
          %dma_start3A = arith.constant 0 : i32
          %dma_start3A_37 = tpu.memref_slice %arg7[%add3A_36, %dma_start3A] : memref<104x128xi32, #tpu.memory_space<vmem>> -> memref<1x128xi32, #tpu.memory_space<vmem>>
          %dma_start3A_38 = tpu.memref_squeeze %dma_start3A_37 : memref<1x128xi32, #tpu.memory_space<vmem>> -> memref<128xi32, #tpu.memory_space<vmem>>
          %dma_start3A_39 = arith.constant 0 : i32
          %dma_start3A_40 = arith.constant 0 : i32
          %dma_start3A_41 = tpu.memref_slice %arg2[%dma_start3A_39, %dma_start3A_40] : memref<10240x128xf32, #tpu.memory_space<hbm>> -> memref<10240x128xf32, #tpu.memory_space<hbm>>
          tpu.enqueue_indirect_dma source(%dma_start3A_41 : memref<10240x128xf32, #tpu.memory_space<hbm>>) target(%arg9 : memref<128x128xf32, #tpu.memory_space<vmem>>) offsets(%dma_start3A_38 : memref<128xi32, #tpu.memory_space<vmem>>) semaphore(%run_scoped3A : memref<!tpu.dma_semaphore, #tpu.memory_space<semaphore_mem>>)
          %dma_wait3A = arith.constant 0 : i32
          %dma_wait3A_42 = tpu.memref_slice %arg7[%add3A_36, %dma_wait3A] : memref<104x128xi32, #tpu.memory_space<vmem>> -> memref<1x128xi32, #tpu.memory_space<vmem>>
          %dma_wait3A_43 = tpu.memref_squeeze %dma_wait3A_42 : memref<1x128xi32, #tpu.memory_space<vmem>> -> memref<128xi32, #tpu.memory_space<vmem>>
          %dma_wait3A_44 = arith.constant 0 : i32
          %dma_wait3A_45 = arith.constant 0 : i32
          %dma_wait3A_46 = tpu.memref_slice %arg2[%dma_wait3A_44, %dma_wait3A_45] : memref<10240x128xf32, #tpu.memory_space<hbm>> -> memref<10240x128xf32, #tpu.memory_space<hbm>>
          tpu.wait_indirect_dma semaphore(%run_scoped3A : memref<!tpu.dma_semaphore, #tpu.memory_space<semaphore_mem>>) src(%dma_wait3A_46 : memref<10240x128xf32, #tpu.memory_space<hbm>>) dst(%arg9 : memref<128x128xf32, #tpu.memory_space<vmem>>)
          tpu.yield
        }) : () -> ()
        "tpu.region"() ({
          %run_scoped3A = tpu.sem_alloc : memref<!tpu.dma_semaphore, #tpu.memory_space<semaphore_mem>>
          %dma_start3A = arith.constant 0 : i32
          %dma_start3A_37 = tpu.memref_slice %arg8[%add3A_36, %dma_start3A] : memref<104x128xi32, #tpu.memory_space<vmem>> -> memref<1x128xi32, #tpu.memory_space<vmem>>
          %dma_start3A_38 = tpu.memref_squeeze %dma_start3A_37 : memref<1x128xi32, #tpu.memory_space<vmem>> -> memref<128xi32, #tpu.memory_space<vmem>>
          %dma_start3A_39 = arith.constant 0 : i32
          %dma_start3A_40 = arith.constant 0 : i32
          %dma_start3A_41 = tpu.memref_slice %arg10[%dma_start3A_39, %dma_start3A_40] : memref<10240x128xf32, #tpu.memory_space<vmem_shared>> -> memref<10240x128xf32, #tpu.memory_space<vmem_shared>>
          tpu.enqueue_indirect_dma source(%arg9 : memref<128x128xf32, #tpu.memory_space<vmem>>) target(%dma_start3A_41 : memref<10240x128xf32, #tpu.memory_space<vmem_shared>>) offsets(%dma_start3A_38 : memref<128xi32, #tpu.memory_space<vmem>>) semaphore(%run_scoped3A : memref<!tpu.dma_semaphore, #tpu.memory_space<semaphore_mem>>) {add = true}
          %dma_wait3A = arith.constant 0 : i32
          %dma_wait3A_42 = tpu.memref_slice %arg8[%add3A_36, %dma_wait3A] : memref<104x128xi32, #tpu.memory_space<vmem>> -> memref<1x128xi32, #tpu.memory_space<vmem>>
          %dma_wait3A_43 = tpu.memref_squeeze %dma_wait3A_42 : memref<1x128xi32, #tpu.memory_space<vmem>> -> memref<128xi32, #tpu.memory_space<vmem>>
          %dma_wait3A_44 = arith.constant 0 : i32
          %dma_wait3A_45 = arith.constant 0 : i32
          %dma_wait3A_46 = tpu.memref_slice %arg10[%dma_wait3A_44, %dma_wait3A_45] : memref<10240x128xf32, #tpu.memory_space<vmem_shared>> -> memref<10240x128xf32, #tpu.memory_space<vmem_shared>>
          tpu.wait_indirect_dma semaphore(%run_scoped3A : memref<!tpu.dma_semaphore, #tpu.memory_space<semaphore_mem>>) src(%arg9 : memref<128x128xf32, #tpu.memory_space<vmem>>) dst(%dma_wait3A_46 : memref<10240x128xf32, #tpu.memory_space<vmem_shared>>)
          tpu.yield
        }) : () -> ()
      }
      %scan3A_32 = arith.constant 56 : i32
    } else {
    }
    %eq3A_17 = arith.constant 1 : i32
    %eq3A_18 = arith.cmpi eq, %arg0, %eq3A_17 : i32
    %convert_element_type3A_19 = arith.extui %eq3A_18 : i1 to i32
    %cond3A_20 = arith.constant 0 : i32
    %cond3A_21 = arith.cmpi ne, %convert_element_type3A_19, %cond3A_20 : i32
    scf.if %cond3A_21 {
      %scan3A_28 = arith.constant 0 : i32
      %scan3A_29 = arith.constant 104 : i32
      %scan3A_30 = arith.addi %scan3A_28, %scan3A_29 : i32
      %scan3A_31 = arith.constant 1 : i32
      scf.for %scan3A_33 = %scan3A_28 to %scan3A_30 step %scan3A_31  : i32 {
        %mul3A_34 = arith.constant 1 : i32
        %mul3A_35 = arith.muli %scan3A_33, %mul3A_34 : i32
        %add3A = arith.constant 0 : i32
        %add3A_36 = arith.addi %add3A, %mul3A_35 : i32
        "tpu.region"() ({
          %run_scoped3A = tpu.sem_alloc : memref<!tpu.dma_semaphore, #tpu.memory_space<semaphore_mem>>
          %dma_start3A = arith.constant 0 : i32
          %dma_start3A_37 = tpu.memref_slice %arg7[%add3A_36, %dma_start3A] : memref<104x128xi32, #tpu.memory_space<vmem>> -> memref<1x128xi32, #tpu.memory_space<vmem>>
          %dma_start3A_38 = tpu.memref_squeeze %dma_start3A_37 : memref<1x128xi32, #tpu.memory_space<vmem>> -> memref<128xi32, #tpu.memory_space<vmem>>
          %dma_start3A_39 = arith.constant 0 : i32
          %dma_start3A_40 = arith.constant 0 : i32
          %dma_start3A_41 = tpu.memref_slice %arg2[%dma_start3A_39, %dma_start3A_40] : memref<10240x128xf32, #tpu.memory_space<hbm>> -> memref<10240x128xf32, #tpu.memory_space<hbm>>
          tpu.enqueue_indirect_dma source(%dma_start3A_41 : memref<10240x128xf32, #tpu.memory_space<hbm>>) target(%arg9 : memref<128x128xf32, #tpu.memory_space<vmem>>) offsets(%dma_start3A_38 : memref<128xi32, #tpu.memory_space<vmem>>) semaphore(%run_scoped3A : memref<!tpu.dma_semaphore, #tpu.memory_space<semaphore_mem>>)
          %dma_wait3A = arith.constant 0 : i32
          %dma_wait3A_42 = tpu.memref_slice %arg7[%add3A_36, %dma_wait3A] : memref<104x128xi32, #tpu.memory_space<vmem>> -> memref<1x128xi32, #tpu.memory_space<vmem>>
          %dma_wait3A_43 = tpu.memref_squeeze %dma_wait3A_42 : memref<1x128xi32, #tpu.memory_space<vmem>> -> memref<128xi32, #tpu.memory_space<vmem>>
          %dma_wait3A_44 = arith.constant 0 : i32
          %dma_wait3A_45 = arith.constant 0 : i32
          %dma_wait3A_46 = tpu.memref_slice %arg2[%dma_wait3A_44, %dma_wait3A_45] : memref<10240x128xf32, #tpu.memory_space<hbm>> -> memref<10240x128xf32, #tpu.memory_space<hbm>>
          tpu.wait_indirect_dma semaphore(%run_scoped3A : memref<!tpu.dma_semaphore, #tpu.memory_space<semaphore_mem>>) src(%dma_wait3A_46 : memref<10240x128xf32, #tpu.memory_space<hbm>>) dst(%arg9 : memref<128x128xf32, #tpu.memory_space<vmem>>)
          tpu.yield
        }) : () -> ()
        "tpu.region"() ({
          %run_scoped3A = tpu.sem_alloc : memref<!tpu.dma_semaphore, #tpu.memory_space<semaphore_mem>>
          %dma_start3A = arith.constant 0 : i32
          %dma_start3A_37 = tpu.memref_slice %arg8[%add3A_36, %dma_start3A] : memref<104x128xi32, #tpu.memory_space<vmem>> -> memref<1x128xi32, #tpu.memory_space<vmem>>
          %dma_start3A_38 = tpu.memref_squeeze %dma_start3A_37 : memref<1x128xi32, #tpu.memory_space<vmem>> -> memref<128xi32, #tpu.memory_space<vmem>>
          %dma_start3A_39 = arith.constant 0 : i32
          %dma_start3A_40 = arith.constant 0 : i32
          %dma_start3A_41 = tpu.memref_slice %arg10[%dma_start3A_39, %dma_start3A_40] : memref<10240x128xf32, #tpu.memory_space<vmem_shared>> -> memref<10240x128xf32, #tpu.memory_space<vmem_shared>>
          tpu.enqueue_indirect_dma source(%arg9 : memref<128x128xf32, #tpu.memory_space<vmem>>) target(%dma_start3A_41 : memref<10240x128xf32, #tpu.memory_space<vmem_shared>>) offsets(%dma_start3A_38 : memref<128xi32, #tpu.memory_space<vmem>>) semaphore(%run_scoped3A : memref<!tpu.dma_semaphore, #tpu.memory_space<semaphore_mem>>) {add = true}
          %dma_wait3A = arith.constant 0 : i32
          %dma_wait3A_42 = tpu.memref_slice %arg8[%add3A_36, %dma_wait3A] : memref<104x128xi32, #tpu.memory_space<vmem>> -> memref<1x128xi32, #tpu.memory_space<vmem>>
          %dma_wait3A_43 = tpu.memref_squeeze %dma_wait3A_42 : memref<1x128xi32, #tpu.memory_space<vmem>> -> memref<128xi32, #tpu.memory_space<vmem>>
          %dma_wait3A_44 = arith.constant 0 : i32
          %dma_wait3A_45 = arith.constant 0 : i32
          %dma_wait3A_46 = tpu.memref_slice %arg10[%dma_wait3A_44, %dma_wait3A_45] : memref<10240x128xf32, #tpu.memory_space<vmem_shared>> -> memref<10240x128xf32, #tpu.memory_space<vmem_shared>>
          tpu.wait_indirect_dma semaphore(%run_scoped3A : memref<!tpu.dma_semaphore, #tpu.memory_space<semaphore_mem>>) src(%arg9 : memref<128x128xf32, #tpu.memory_space<vmem>>) dst(%dma_wait3A_46 : memref<10240x128xf32, #tpu.memory_space<vmem_shared>>)
          tpu.yield
        }) : () -> ()
      }
      %scan3A_32 = arith.constant 104 : i32
    } else {
    }
    %barrier3A_22 = arith.constant 0 : index
    tpu.barrier barrier_id(%barrier3A_22)
    %scan3A_23 = arith.constant 0 : i32
    %scan3A_24 = arith.constant 5 : i32
    %scan3A_25 = arith.addi %scan3A_23, %scan3A_24 : i32
    %scan3A_26 = arith.constant 1 : i32
    scf.for %scan3A_28 = %scan3A_23 to %scan3A_25 step %scan3A_26  : i32 {
      %mul3A_29 = arith.constant 1 : i32
      %mul3A_30 = arith.muli %scan3A_28, %mul3A_29 : i32
      %add3A = arith.constant 0 : i32
      %add3A_31 = arith.addi %add3A, %mul3A_30 : i32
      %mul3A_32 = arith.constant 128 : i32
      %mul3A_33 = arith.muli %add3A_31, %mul3A_32 : i32
      %add3A_34 = arith.addi %mul3A_0, %mul3A_33 : i32
      %mul3A_35 = arith.constant 128 : i32
      %mul3A_36 = arith.muli %add3A_31, %mul3A_35 : i32
      %add3A_37 = arith.addi %mul3A_0, %mul3A_36 : i32
      "tpu.region"() ({
        %run_scoped3A = tpu.sem_alloc : memref<!tpu.dma_semaphore, #tpu.memory_space<semaphore_mem>>
        %dma_start3A = arith.constant 0 : i32
        %dma_start3A_38 = arith.constant 0 : i32
        %dma_start3A_39 = tpu.memref_slice %arg6[%arg0, %dma_start3A, %dma_start3A_38] : memref<2x10240x128xf32, #tpu.memory_space<hbm>> -> memref<1x10240x128xf32, #tpu.memory_space<hbm>>
        %dma_start3A_40 = tpu.memref_squeeze %dma_start3A_39 : memref<1x10240x128xf32, #tpu.memory_space<hbm>> -> memref<10240x128xf32, #tpu.memory_space<hbm>>
        %dma_start3A_41 = arith.constant 0 : i32
        %dma_start3A_42 = tpu.memref_slice %dma_start3A_40[%add3A_37, %dma_start3A_41] : memref<10240x128xf32, #tpu.memory_space<hbm>> -> memref<128x128xf32, #tpu.memory_space<hbm>>
        %dma_start3A_43 = arith.constant 0 : i32
        %dma_start3A_44 = tpu.memref_slice %arg10[%add3A_34, %dma_start3A_43] : memref<10240x128xf32, #tpu.memory_space<vmem_shared>> -> memref<128x128xf32, #tpu.memory_space<vmem_shared>>
        tpu.enqueue_dma source(%dma_start3A_44 : memref<128x128xf32, #tpu.memory_space<vmem_shared>>) target(%dma_start3A_42 : memref<128x128xf32, #tpu.memory_space<hbm>>) target_semaphore(%run_scoped3A : memref<!tpu.dma_semaphore, #tpu.memory_space<semaphore_mem>>)
        %dma_wait3A = arith.constant 0 : i32
        %dma_wait3A_45 = arith.constant 0 : i32
        %dma_wait3A_46 = tpu.memref_slice %arg6[%arg0, %dma_wait3A, %dma_wait3A_45] : memref<2x10240x128xf32, #tpu.memory_space<hbm>> -> memref<1x10240x128xf32, #tpu.memory_space<hbm>>
        %dma_wait3A_47 = tpu.memref_squeeze %dma_wait3A_46 : memref<1x10240x128xf32, #tpu.memory_space<hbm>> -> memref<10240x128xf32, #tpu.memory_space<hbm>>
        %dma_wait3A_48 = arith.constant 0 : i32
        %dma_wait3A_49 = tpu.memref_slice %dma_wait3A_47[%add3A_37, %dma_wait3A_48] : memref<10240x128xf32, #tpu.memory_space<hbm>> -> memref<128x128xf32, #tpu.memory_space<hbm>>
        %dma_wait3A_50 = arith.constant 0 : i32
        %dma_wait3A_51 = tpu.memref_slice %arg10[%add3A_34, %dma_wait3A_50] : memref<10240x128xf32, #tpu.memory_space<vmem_shared>> -> memref<128x128xf32, #tpu.memory_space<vmem_shared>>
        tpu.wait_dma2 semaphore(%run_scoped3A : memref<!tpu.dma_semaphore, #tpu.memory_space<semaphore_mem>>) src(%dma_wait3A_51 : memref<128x128xf32, #tpu.memory_space<vmem_shared>>) dst(%dma_wait3A_49 : memref<128x128xf32, #tpu.memory_space<hbm>>)
        tpu.yield
      }) : () -> ()
    }
    %scan3A_27 = arith.constant 5 : i32
    return
  }
}

#map = affine_map<(d0, d1) -> (0, 0)>
#map1 = affine_map<(d0, d1) -> (0, 0, 0)>
module attributes {stable_mosaic.version = 14 : i64} {
  func.func @_sc_propagate(%arg0: i32, %arg1: i32, %arg2: memref<10240x128xf32, #tpu.memory_space<hbm>>, %arg3: memref<2560x128xi32, #tpu.memory_space<hbm>>, %arg4: memref<2560x128xi32, #tpu.memory_space<hbm>>, %arg5: memref<128x128xf32, #tpu.memory_space<hbm>>, %arg6: memref<2x10240x128xf32, #tpu.memory_space<hbm>>, %arg7: memref<104x128xi32, #tpu.memory_space<vmem>>, %arg8: memref<104x128xi32, #tpu.memory_space<vmem>>, %arg9: memref<128x128xf32, #tpu.memory_space<vmem>>, %arg10: memref<10240x128xf32, #tpu.memory_space<vmem_shared>>) attributes {dimension_semantics = [#tpu.dimension_semantics<core_parallel>, #tpu.dimension_semantics<subcore_parallel>], iteration_bounds = array<i64: 2, 16>, scalar_prefetch = 0 : i64, scratch_operands = 4 : i64, tpu.core_type = #tpu.core_type<sc_vector_subcore>, window_params = [{transform_indices = #map}, {transform_indices = #map}, {transform_indices = #map}, {transform_indices = #map}, {transform_indices = #map1}]} {
    %mul3A = arith.constant 640 : i32
    %mul3A_0 = arith.muli %arg1, %mul3A : i32
    "tpu.region"() ({
      %run_scoped3A = tpu.sem_alloc : memref<!tpu.dma_semaphore, #tpu.memory_space<semaphore_mem>>
      tpu.enqueue_dma source(%arg5 : memref<128x128xf32, #tpu.memory_space<hbm>>) target(%arg9 : memref<128x128xf32, #tpu.memory_space<vmem>>) target_semaphore(%run_scoped3A : memref<!tpu.dma_semaphore, #tpu.memory_space<semaphore_mem>>)
      tpu.wait_dma2 semaphore(%run_scoped3A : memref<!tpu.dma_semaphore, #tpu.memory_space<semaphore_mem>>) src(%arg5 : memref<128x128xf32, #tpu.memory_space<hbm>>) dst(%arg9 : memref<128x128xf32, #tpu.memory_space<vmem>>)
      tpu.yield
    }) : () -> ()
    %scan3A = arith.constant 0 : i32
    %scan3A_1 = arith.constant 5 : i32
    %scan3A_2 = arith.addi %scan3A, %scan3A_1 : i32
    %scan3A_3 = arith.constant 1 : i32
    scf.for %scan3A_28 = %scan3A to %scan3A_2 step %scan3A_3  : i32 {
      %mul3A_29 = arith.constant 1 : i32
      %mul3A_30 = arith.muli %scan3A_28, %mul3A_29 : i32
      %add3A = arith.constant 0 : i32
      %add3A_31 = arith.addi %add3A, %mul3A_30 : i32
      %mul3A_32 = arith.constant 128 : i32
      %mul3A_33 = arith.muli %add3A_31, %mul3A_32 : i32
      %add3A_34 = arith.addi %mul3A_0, %mul3A_33 : i32
      "tpu.region"() ({
        %run_scoped3A = tpu.sem_alloc : memref<!tpu.dma_semaphore, #tpu.memory_space<semaphore_mem>>
        %dma_start3A = arith.constant 0 : i32
        %dma_start3A_35 = tpu.memref_slice %arg10[%add3A_34, %dma_start3A] : memref<10240x128xf32, #tpu.memory_space<vmem_shared>> -> memref<128x128xf32, #tpu.memory_space<vmem_shared>>
        %dma_start3A_36 = arith.constant 0 : i32
        %dma_start3A_37 = tpu.memref_slice %arg10[%add3A_34, %dma_start3A_36] : memref<10240x128xf32, #tpu.memory_space<vmem_shared>> -> memref<128x128xf32, #tpu.memory_space<vmem_shared>>
        tpu.enqueue_dma source(%arg9 : memref<128x128xf32, #tpu.memory_space<vmem>>) target(%dma_start3A_37 : memref<128x128xf32, #tpu.memory_space<vmem_shared>>) target_semaphore(%run_scoped3A : memref<!tpu.dma_semaphore, #tpu.memory_space<semaphore_mem>>)
        %dma_wait3A = arith.constant 0 : i32
        %dma_wait3A_38 = tpu.memref_slice %arg10[%add3A_34, %dma_wait3A] : memref<10240x128xf32, #tpu.memory_space<vmem_shared>> -> memref<128x128xf32, #tpu.memory_space<vmem_shared>>
        %dma_wait3A_39 = arith.constant 0 : i32
        %dma_wait3A_40 = tpu.memref_slice %arg10[%add3A_34, %dma_wait3A_39] : memref<10240x128xf32, #tpu.memory_space<vmem_shared>> -> memref<128x128xf32, #tpu.memory_space<vmem_shared>>
        tpu.wait_dma2 semaphore(%run_scoped3A : memref<!tpu.dma_semaphore, #tpu.memory_space<semaphore_mem>>) src(%arg9 : memref<128x128xf32, #tpu.memory_space<vmem>>) dst(%dma_wait3A_40 : memref<128x128xf32, #tpu.memory_space<vmem_shared>>)
        tpu.yield
      }) : () -> ()
    }
    %scan3A_4 = arith.constant 5 : i32
    %eq3A = arith.constant 0 : i32
    %eq3A_5 = arith.cmpi eq, %arg0, %eq3A : i32
    %convert_element_type3A = arith.extui %eq3A_5 : i1 to i32
    %cond3A = arith.constant 0 : i32
    %cond3A_6 = arith.cmpi ne, %convert_element_type3A, %cond3A : i32
    scf.if %cond3A_6 {
      %mul3A_28 = arith.constant 56 : i32
      %mul3A_29 = arith.muli %arg1, %mul3A_28 : i32
      "tpu.region"() ({
        %run_scoped3A = tpu.sem_alloc : memref<!tpu.dma_semaphore, #tpu.memory_space<semaphore_mem>>
        %dma_start3A = arith.constant 0 : i32
        %dma_start3A_30 = arith.constant 0 : i32
        %dma_start3A_31 = tpu.memref_slice %arg7[%dma_start3A, %dma_start3A_30] : memref<104x128xi32, #tpu.memory_space<vmem>> -> memref<56x128xi32, #tpu.memory_space<vmem>>
        %dma_start3A_32 = arith.constant 0 : i32
        %dma_start3A_33 = tpu.memref_slice %arg3[%mul3A_29, %dma_start3A_32] : memref<2560x128xi32, #tpu.memory_space<hbm>> -> memref<56x128xi32, #tpu.memory_space<hbm>>
        %dma_start3A_34 = arith.constant 0 : i32
        %dma_start3A_35 = arith.constant 0 : i32
        %dma_start3A_36 = tpu.memref_slice %arg7[%dma_start3A_34, %dma_start3A_35] : memref<104x128xi32, #tpu.memory_space<vmem>> -> memref<56x128xi32, #tpu.memory_space<vmem>>
        %dma_start3A_37 = arith.constant 0 : i32
        %dma_start3A_38 = tpu.memref_slice %arg3[%mul3A_29, %dma_start3A_37] : memref<2560x128xi32, #tpu.memory_space<hbm>> -> memref<56x128xi32, #tpu.memory_space<hbm>>
        tpu.enqueue_dma source(%dma_start3A_38 : memref<56x128xi32, #tpu.memory_space<hbm>>) target(%dma_start3A_36 : memref<56x128xi32, #tpu.memory_space<vmem>>) target_semaphore(%run_scoped3A : memref<!tpu.dma_semaphore, #tpu.memory_space<semaphore_mem>>)
        %dma_wait3A = arith.constant 0 : i32
        %dma_wait3A_39 = arith.constant 0 : i32
        %dma_wait3A_40 = tpu.memref_slice %arg7[%dma_wait3A, %dma_wait3A_39] : memref<104x128xi32, #tpu.memory_space<vmem>> -> memref<56x128xi32, #tpu.memory_space<vmem>>
        %dma_wait3A_41 = arith.constant 0 : i32
        %dma_wait3A_42 = tpu.memref_slice %arg3[%mul3A_29, %dma_wait3A_41] : memref<2560x128xi32, #tpu.memory_space<hbm>> -> memref<56x128xi32, #tpu.memory_space<hbm>>
        %dma_wait3A_43 = arith.constant 0 : i32
        %dma_wait3A_44 = arith.constant 0 : i32
        %dma_wait3A_45 = tpu.memref_slice %arg7[%dma_wait3A_43, %dma_wait3A_44] : memref<104x128xi32, #tpu.memory_space<vmem>> -> memref<56x128xi32, #tpu.memory_space<vmem>>
        %dma_wait3A_46 = arith.constant 0 : i32
        %dma_wait3A_47 = tpu.memref_slice %arg3[%mul3A_29, %dma_wait3A_46] : memref<2560x128xi32, #tpu.memory_space<hbm>> -> memref<56x128xi32, #tpu.memory_space<hbm>>
        tpu.wait_dma2 semaphore(%run_scoped3A : memref<!tpu.dma_semaphore, #tpu.memory_space<semaphore_mem>>) src(%dma_wait3A_47 : memref<56x128xi32, #tpu.memory_space<hbm>>) dst(%dma_wait3A_45 : memref<56x128xi32, #tpu.memory_space<vmem>>)
        tpu.yield
      }) : () -> ()
      "tpu.region"() ({
        %run_scoped3A = tpu.sem_alloc : memref<!tpu.dma_semaphore, #tpu.memory_space<semaphore_mem>>
        %dma_start3A = arith.constant 0 : i32
        %dma_start3A_30 = arith.constant 0 : i32
        %dma_start3A_31 = tpu.memref_slice %arg8[%dma_start3A, %dma_start3A_30] : memref<104x128xi32, #tpu.memory_space<vmem>> -> memref<56x128xi32, #tpu.memory_space<vmem>>
        %dma_start3A_32 = arith.constant 0 : i32
        %dma_start3A_33 = tpu.memref_slice %arg4[%mul3A_29, %dma_start3A_32] : memref<2560x128xi32, #tpu.memory_space<hbm>> -> memref<56x128xi32, #tpu.memory_space<hbm>>
        %dma_start3A_34 = arith.constant 0 : i32
        %dma_start3A_35 = arith.constant 0 : i32
        %dma_start3A_36 = tpu.memref_slice %arg8[%dma_start3A_34, %dma_start3A_35] : memref<104x128xi32, #tpu.memory_space<vmem>> -> memref<56x128xi32, #tpu.memory_space<vmem>>
        %dma_start3A_37 = arith.constant 0 : i32
        %dma_start3A_38 = tpu.memref_slice %arg4[%mul3A_29, %dma_start3A_37] : memref<2560x128xi32, #tpu.memory_space<hbm>> -> memref<56x128xi32, #tpu.memory_space<hbm>>
        tpu.enqueue_dma source(%dma_start3A_38 : memref<56x128xi32, #tpu.memory_space<hbm>>) target(%dma_start3A_36 : memref<56x128xi32, #tpu.memory_space<vmem>>) target_semaphore(%run_scoped3A : memref<!tpu.dma_semaphore, #tpu.memory_space<semaphore_mem>>)
        %dma_wait3A = arith.constant 0 : i32
        %dma_wait3A_39 = arith.constant 0 : i32
        %dma_wait3A_40 = tpu.memref_slice %arg8[%dma_wait3A, %dma_wait3A_39] : memref<104x128xi32, #tpu.memory_space<vmem>> -> memref<56x128xi32, #tpu.memory_space<vmem>>
        %dma_wait3A_41 = arith.constant 0 : i32
        %dma_wait3A_42 = tpu.memref_slice %arg4[%mul3A_29, %dma_wait3A_41] : memref<2560x128xi32, #tpu.memory_space<hbm>> -> memref<56x128xi32, #tpu.memory_space<hbm>>
        %dma_wait3A_43 = arith.constant 0 : i32
        %dma_wait3A_44 = arith.constant 0 : i32
        %dma_wait3A_45 = tpu.memref_slice %arg8[%dma_wait3A_43, %dma_wait3A_44] : memref<104x128xi32, #tpu.memory_space<vmem>> -> memref<56x128xi32, #tpu.memory_space<vmem>>
        %dma_wait3A_46 = arith.constant 0 : i32
        %dma_wait3A_47 = tpu.memref_slice %arg4[%mul3A_29, %dma_wait3A_46] : memref<2560x128xi32, #tpu.memory_space<hbm>> -> memref<56x128xi32, #tpu.memory_space<hbm>>
        tpu.wait_dma2 semaphore(%run_scoped3A : memref<!tpu.dma_semaphore, #tpu.memory_space<semaphore_mem>>) src(%dma_wait3A_47 : memref<56x128xi32, #tpu.memory_space<hbm>>) dst(%dma_wait3A_45 : memref<56x128xi32, #tpu.memory_space<vmem>>)
        tpu.yield
      }) : () -> ()
    } else {
    }
    %eq3A_7 = arith.constant 1 : i32
    %eq3A_8 = arith.cmpi eq, %arg0, %eq3A_7 : i32
    %convert_element_type3A_9 = arith.extui %eq3A_8 : i1 to i32
    %cond3A_10 = arith.constant 0 : i32
    %cond3A_11 = arith.cmpi ne, %convert_element_type3A_9, %cond3A_10 : i32
    scf.if %cond3A_11 {
      %mul3A_28 = arith.constant 104 : i32
      %mul3A_29 = arith.muli %arg1, %mul3A_28 : i32
      %add3A = arith.constant 896 : i32
      %add3A_30 = arith.addi %add3A, %mul3A_29 : i32
      "tpu.region"() ({
        %run_scoped3A = tpu.sem_alloc : memref<!tpu.dma_semaphore, #tpu.memory_space<semaphore_mem>>
        %dma_start3A = arith.constant 0 : i32
        %dma_start3A_31 = arith.constant 0 : i32
        %dma_start3A_32 = tpu.memref_slice %arg7[%dma_start3A, %dma_start3A_31] : memref<104x128xi32, #tpu.memory_space<vmem>> -> memref<104x128xi32, #tpu.memory_space<vmem>>
        %dma_start3A_33 = arith.constant 0 : i32
        %dma_start3A_34 = tpu.memref_slice %arg3[%add3A_30, %dma_start3A_33] : memref<2560x128xi32, #tpu.memory_space<hbm>> -> memref<104x128xi32, #tpu.memory_space<hbm>>
        %dma_start3A_35 = arith.constant 0 : i32
        %dma_start3A_36 = arith.constant 0 : i32
        %dma_start3A_37 = tpu.memref_slice %arg7[%dma_start3A_35, %dma_start3A_36] : memref<104x128xi32, #tpu.memory_space<vmem>> -> memref<104x128xi32, #tpu.memory_space<vmem>>
        %dma_start3A_38 = arith.constant 0 : i32
        %dma_start3A_39 = tpu.memref_slice %arg3[%add3A_30, %dma_start3A_38] : memref<2560x128xi32, #tpu.memory_space<hbm>> -> memref<104x128xi32, #tpu.memory_space<hbm>>
        tpu.enqueue_dma source(%dma_start3A_39 : memref<104x128xi32, #tpu.memory_space<hbm>>) target(%dma_start3A_37 : memref<104x128xi32, #tpu.memory_space<vmem>>) target_semaphore(%run_scoped3A : memref<!tpu.dma_semaphore, #tpu.memory_space<semaphore_mem>>)
        %dma_wait3A = arith.constant 0 : i32
        %dma_wait3A_40 = arith.constant 0 : i32
        %dma_wait3A_41 = tpu.memref_slice %arg7[%dma_wait3A, %dma_wait3A_40] : memref<104x128xi32, #tpu.memory_space<vmem>> -> memref<104x128xi32, #tpu.memory_space<vmem>>
        %dma_wait3A_42 = arith.constant 0 : i32
        %dma_wait3A_43 = tpu.memref_slice %arg3[%add3A_30, %dma_wait3A_42] : memref<2560x128xi32, #tpu.memory_space<hbm>> -> memref<104x128xi32, #tpu.memory_space<hbm>>
        %dma_wait3A_44 = arith.constant 0 : i32
        %dma_wait3A_45 = arith.constant 0 : i32
        %dma_wait3A_46 = tpu.memref_slice %arg7[%dma_wait3A_44, %dma_wait3A_45] : memref<104x128xi32, #tpu.memory_space<vmem>> -> memref<104x128xi32, #tpu.memory_space<vmem>>
        %dma_wait3A_47 = arith.constant 0 : i32
        %dma_wait3A_48 = tpu.memref_slice %arg3[%add3A_30, %dma_wait3A_47] : memref<2560x128xi32, #tpu.memory_space<hbm>> -> memref<104x128xi32, #tpu.memory_space<hbm>>
        tpu.wait_dma2 semaphore(%run_scoped3A : memref<!tpu.dma_semaphore, #tpu.memory_space<semaphore_mem>>) src(%dma_wait3A_48 : memref<104x128xi32, #tpu.memory_space<hbm>>) dst(%dma_wait3A_46 : memref<104x128xi32, #tpu.memory_space<vmem>>)
        tpu.yield
      }) : () -> ()
      "tpu.region"() ({
        %run_scoped3A = tpu.sem_alloc : memref<!tpu.dma_semaphore, #tpu.memory_space<semaphore_mem>>
        %dma_start3A = arith.constant 0 : i32
        %dma_start3A_31 = arith.constant 0 : i32
        %dma_start3A_32 = tpu.memref_slice %arg8[%dma_start3A, %dma_start3A_31] : memref<104x128xi32, #tpu.memory_space<vmem>> -> memref<104x128xi32, #tpu.memory_space<vmem>>
        %dma_start3A_33 = arith.constant 0 : i32
        %dma_start3A_34 = tpu.memref_slice %arg4[%add3A_30, %dma_start3A_33] : memref<2560x128xi32, #tpu.memory_space<hbm>> -> memref<104x128xi32, #tpu.memory_space<hbm>>
        %dma_start3A_35 = arith.constant 0 : i32
        %dma_start3A_36 = arith.constant 0 : i32
        %dma_start3A_37 = tpu.memref_slice %arg8[%dma_start3A_35, %dma_start3A_36] : memref<104x128xi32, #tpu.memory_space<vmem>> -> memref<104x128xi32, #tpu.memory_space<vmem>>
        %dma_start3A_38 = arith.constant 0 : i32
        %dma_start3A_39 = tpu.memref_slice %arg4[%add3A_30, %dma_start3A_38] : memref<2560x128xi32, #tpu.memory_space<hbm>> -> memref<104x128xi32, #tpu.memory_space<hbm>>
        tpu.enqueue_dma source(%dma_start3A_39 : memref<104x128xi32, #tpu.memory_space<hbm>>) target(%dma_start3A_37 : memref<104x128xi32, #tpu.memory_space<vmem>>) target_semaphore(%run_scoped3A : memref<!tpu.dma_semaphore, #tpu.memory_space<semaphore_mem>>)
        %dma_wait3A = arith.constant 0 : i32
        %dma_wait3A_40 = arith.constant 0 : i32
        %dma_wait3A_41 = tpu.memref_slice %arg8[%dma_wait3A, %dma_wait3A_40] : memref<104x128xi32, #tpu.memory_space<vmem>> -> memref<104x128xi32, #tpu.memory_space<vmem>>
        %dma_wait3A_42 = arith.constant 0 : i32
        %dma_wait3A_43 = tpu.memref_slice %arg4[%add3A_30, %dma_wait3A_42] : memref<2560x128xi32, #tpu.memory_space<hbm>> -> memref<104x128xi32, #tpu.memory_space<hbm>>
        %dma_wait3A_44 = arith.constant 0 : i32
        %dma_wait3A_45 = arith.constant 0 : i32
        %dma_wait3A_46 = tpu.memref_slice %arg8[%dma_wait3A_44, %dma_wait3A_45] : memref<104x128xi32, #tpu.memory_space<vmem>> -> memref<104x128xi32, #tpu.memory_space<vmem>>
        %dma_wait3A_47 = arith.constant 0 : i32
        %dma_wait3A_48 = tpu.memref_slice %arg4[%add3A_30, %dma_wait3A_47] : memref<2560x128xi32, #tpu.memory_space<hbm>> -> memref<104x128xi32, #tpu.memory_space<hbm>>
        tpu.wait_dma2 semaphore(%run_scoped3A : memref<!tpu.dma_semaphore, #tpu.memory_space<semaphore_mem>>) src(%dma_wait3A_48 : memref<104x128xi32, #tpu.memory_space<hbm>>) dst(%dma_wait3A_46 : memref<104x128xi32, #tpu.memory_space<vmem>>)
        tpu.yield
      }) : () -> ()
    } else {
    }
    %barrier3A = arith.constant 0 : index
    tpu.barrier barrier_id(%barrier3A)
    %eq3A_12 = arith.constant 0 : i32
    %eq3A_13 = arith.cmpi eq, %arg0, %eq3A_12 : i32
    %convert_element_type3A_14 = arith.extui %eq3A_13 : i1 to i32
    %cond3A_15 = arith.constant 0 : i32
    %cond3A_16 = arith.cmpi ne, %convert_element_type3A_14, %cond3A_15 : i32
    scf.if %cond3A_16 {
      %scan3A_28 = arith.constant 0 : i32
      %scan3A_29 = arith.constant 56 : i32
      %scan3A_30 = arith.addi %scan3A_28, %scan3A_29 : i32
      %scan3A_31 = arith.constant 1 : i32
      scf.for %scan3A_33 = %scan3A_28 to %scan3A_30 step %scan3A_31  : i32 {
        %mul3A_34 = arith.constant 1 : i32
        %mul3A_35 = arith.muli %scan3A_33, %mul3A_34 : i32
        %add3A = arith.constant 0 : i32
        %add3A_36 = arith.addi %add3A, %mul3A_35 : i32
        "tpu.region"() ({
          %run_scoped3A = tpu.sem_alloc : memref<!tpu.dma_semaphore, #tpu.memory_space<semaphore_mem>>
          %dma_start3A = arith.constant 0 : i32
          %dma_start3A_37 = tpu.memref_slice %arg7[%add3A_36, %dma_start3A] : memref<104x128xi32, #tpu.memory_space<vmem>> -> memref<1x128xi32, #tpu.memory_space<vmem>>
          %dma_start3A_38 = tpu.memref_squeeze %dma_start3A_37 : memref<1x128xi32, #tpu.memory_space<vmem>> -> memref<128xi32, #tpu.memory_space<vmem>>
          %dma_start3A_39 = arith.constant 0 : i32
          %dma_start3A_40 = arith.constant 0 : i32
          %dma_start3A_41 = tpu.memref_slice %arg2[%dma_start3A_39, %dma_start3A_40] : memref<10240x128xf32, #tpu.memory_space<hbm>> -> memref<10240x128xf32, #tpu.memory_space<hbm>>
          tpu.enqueue_indirect_dma source(%dma_start3A_41 : memref<10240x128xf32, #tpu.memory_space<hbm>>) target(%arg9 : memref<128x128xf32, #tpu.memory_space<vmem>>) offsets(%dma_start3A_38 : memref<128xi32, #tpu.memory_space<vmem>>) semaphore(%run_scoped3A : memref<!tpu.dma_semaphore, #tpu.memory_space<semaphore_mem>>)
          %dma_wait3A = arith.constant 0 : i32
          %dma_wait3A_42 = tpu.memref_slice %arg7[%add3A_36, %dma_wait3A] : memref<104x128xi32, #tpu.memory_space<vmem>> -> memref<1x128xi32, #tpu.memory_space<vmem>>
          %dma_wait3A_43 = tpu.memref_squeeze %dma_wait3A_42 : memref<1x128xi32, #tpu.memory_space<vmem>> -> memref<128xi32, #tpu.memory_space<vmem>>
          %dma_wait3A_44 = arith.constant 0 : i32
          %dma_wait3A_45 = arith.constant 0 : i32
          %dma_wait3A_46 = tpu.memref_slice %arg2[%dma_wait3A_44, %dma_wait3A_45] : memref<10240x128xf32, #tpu.memory_space<hbm>> -> memref<10240x128xf32, #tpu.memory_space<hbm>>
          tpu.wait_indirect_dma semaphore(%run_scoped3A : memref<!tpu.dma_semaphore, #tpu.memory_space<semaphore_mem>>) src(%dma_wait3A_46 : memref<10240x128xf32, #tpu.memory_space<hbm>>) dst(%arg9 : memref<128x128xf32, #tpu.memory_space<vmem>>)
          tpu.yield
        }) : () -> ()
        "tpu.region"() ({
          %run_scoped3A = tpu.sem_alloc : memref<!tpu.dma_semaphore, #tpu.memory_space<semaphore_mem>>
          %dma_start3A = arith.constant 0 : i32
          %dma_start3A_37 = tpu.memref_slice %arg8[%add3A_36, %dma_start3A] : memref<104x128xi32, #tpu.memory_space<vmem>> -> memref<1x128xi32, #tpu.memory_space<vmem>>
          %dma_start3A_38 = tpu.memref_squeeze %dma_start3A_37 : memref<1x128xi32, #tpu.memory_space<vmem>> -> memref<128xi32, #tpu.memory_space<vmem>>
          %dma_start3A_39 = arith.constant 0 : i32
          %dma_start3A_40 = arith.constant 0 : i32
          %dma_start3A_41 = tpu.memref_slice %arg10[%dma_start3A_39, %dma_start3A_40] : memref<10240x128xf32, #tpu.memory_space<vmem_shared>> -> memref<10240x128xf32, #tpu.memory_space<vmem_shared>>
          tpu.enqueue_indirect_dma source(%arg9 : memref<128x128xf32, #tpu.memory_space<vmem>>) target(%dma_start3A_41 : memref<10240x128xf32, #tpu.memory_space<vmem_shared>>) offsets(%dma_start3A_38 : memref<128xi32, #tpu.memory_space<vmem>>) semaphore(%run_scoped3A : memref<!tpu.dma_semaphore, #tpu.memory_space<semaphore_mem>>) {add = true}
          %dma_wait3A = arith.constant 0 : i32
          %dma_wait3A_42 = tpu.memref_slice %arg8[%add3A_36, %dma_wait3A] : memref<104x128xi32, #tpu.memory_space<vmem>> -> memref<1x128xi32, #tpu.memory_space<vmem>>
          %dma_wait3A_43 = tpu.memref_squeeze %dma_wait3A_42 : memref<1x128xi32, #tpu.memory_space<vmem>> -> memref<128xi32, #tpu.memory_space<vmem>>
          %dma_wait3A_44 = arith.constant 0 : i32
          %dma_wait3A_45 = arith.constant 0 : i32
          %dma_wait3A_46 = tpu.memref_slice %arg10[%dma_wait3A_44, %dma_wait3A_45] : memref<10240x128xf32, #tpu.memory_space<vmem_shared>> -> memref<10240x128xf32, #tpu.memory_space<vmem_shared>>
          tpu.wait_indirect_dma semaphore(%run_scoped3A : memref<!tpu.dma_semaphore, #tpu.memory_space<semaphore_mem>>) src(%arg9 : memref<128x128xf32, #tpu.memory_space<vmem>>) dst(%dma_wait3A_46 : memref<10240x128xf32, #tpu.memory_space<vmem_shared>>)
          tpu.yield
        }) : () -> ()
      }
      %scan3A_32 = arith.constant 56 : i32
    } else {
    }
    %eq3A_17 = arith.constant 1 : i32
    %eq3A_18 = arith.cmpi eq, %arg0, %eq3A_17 : i32
    %convert_element_type3A_19 = arith.extui %eq3A_18 : i1 to i32
    %cond3A_20 = arith.constant 0 : i32
    %cond3A_21 = arith.cmpi ne, %convert_element_type3A_19, %cond3A_20 : i32
    scf.if %cond3A_21 {
      %scan3A_28 = arith.constant 0 : i32
      %scan3A_29 = arith.constant 104 : i32
      %scan3A_30 = arith.addi %scan3A_28, %scan3A_29 : i32
      %scan3A_31 = arith.constant 1 : i32
      scf.for %scan3A_33 = %scan3A_28 to %scan3A_30 step %scan3A_31  : i32 {
        %mul3A_34 = arith.constant 1 : i32
        %mul3A_35 = arith.muli %scan3A_33, %mul3A_34 : i32
        %add3A = arith.constant 0 : i32
        %add3A_36 = arith.addi %add3A, %mul3A_35 : i32
        "tpu.region"() ({
          %run_scoped3A = tpu.sem_alloc : memref<!tpu.dma_semaphore, #tpu.memory_space<semaphore_mem>>
          %dma_start3A = arith.constant 0 : i32
          %dma_start3A_37 = tpu.memref_slice %arg7[%add3A_36, %dma_start3A] : memref<104x128xi32, #tpu.memory_space<vmem>> -> memref<1x128xi32, #tpu.memory_space<vmem>>
          %dma_start3A_38 = tpu.memref_squeeze %dma_start3A_37 : memref<1x128xi32, #tpu.memory_space<vmem>> -> memref<128xi32, #tpu.memory_space<vmem>>
          %dma_start3A_39 = arith.constant 0 : i32
          %dma_start3A_40 = arith.constant 0 : i32
          %dma_start3A_41 = tpu.memref_slice %arg2[%dma_start3A_39, %dma_start3A_40] : memref<10240x128xf32, #tpu.memory_space<hbm>> -> memref<10240x128xf32, #tpu.memory_space<hbm>>
          tpu.enqueue_indirect_dma source(%dma_start3A_41 : memref<10240x128xf32, #tpu.memory_space<hbm>>) target(%arg9 : memref<128x128xf32, #tpu.memory_space<vmem>>) offsets(%dma_start3A_38 : memref<128xi32, #tpu.memory_space<vmem>>) semaphore(%run_scoped3A : memref<!tpu.dma_semaphore, #tpu.memory_space<semaphore_mem>>)
          %dma_wait3A = arith.constant 0 : i32
          %dma_wait3A_42 = tpu.memref_slice %arg7[%add3A_36, %dma_wait3A] : memref<104x128xi32, #tpu.memory_space<vmem>> -> memref<1x128xi32, #tpu.memory_space<vmem>>
          %dma_wait3A_43 = tpu.memref_squeeze %dma_wait3A_42 : memref<1x128xi32, #tpu.memory_space<vmem>> -> memref<128xi32, #tpu.memory_space<vmem>>
          %dma_wait3A_44 = arith.constant 0 : i32
          %dma_wait3A_45 = arith.constant 0 : i32
          %dma_wait3A_46 = tpu.memref_slice %arg2[%dma_wait3A_44, %dma_wait3A_45] : memref<10240x128xf32, #tpu.memory_space<hbm>> -> memref<10240x128xf32, #tpu.memory_space<hbm>>
          tpu.wait_indirect_dma semaphore(%run_scoped3A : memref<!tpu.dma_semaphore, #tpu.memory_space<semaphore_mem>>) src(%dma_wait3A_46 : memref<10240x128xf32, #tpu.memory_space<hbm>>) dst(%arg9 : memref<128x128xf32, #tpu.memory_space<vmem>>)
          tpu.yield
        }) : () -> ()
        "tpu.region"() ({
          %run_scoped3A = tpu.sem_alloc : memref<!tpu.dma_semaphore, #tpu.memory_space<semaphore_mem>>
          %dma_start3A = arith.constant 0 : i32
          %dma_start3A_37 = tpu.memref_slice %arg8[%add3A_36, %dma_start3A] : memref<104x128xi32, #tpu.memory_space<vmem>> -> memref<1x128xi32, #tpu.memory_space<vmem>>
          %dma_start3A_38 = tpu.memref_squeeze %dma_start3A_37 : memref<1x128xi32, #tpu.memory_space<vmem>> -> memref<128xi32, #tpu.memory_space<vmem>>
          %dma_start3A_39 = arith.constant 0 : i32
          %dma_start3A_40 = arith.constant 0 : i32
          %dma_start3A_41 = tpu.memref_slice %arg10[%dma_start3A_39, %dma_start3A_40] : memref<10240x128xf32, #tpu.memory_space<vmem_shared>> -> memref<10240x128xf32, #tpu.memory_space<vmem_shared>>
          tpu.enqueue_indirect_dma source(%arg9 : memref<128x128xf32, #tpu.memory_space<vmem>>) target(%dma_start3A_41 : memref<10240x128xf32, #tpu.memory_space<vmem_shared>>) offsets(%dma_start3A_38 : memref<128xi32, #tpu.memory_space<vmem>>) semaphore(%run_scoped3A : memref<!tpu.dma_semaphore, #tpu.memory_space<semaphore_mem>>) {add = true}
          %dma_wait3A = arith.constant 0 : i32
          %dma_wait3A_42 = tpu.memref_slice %arg8[%add3A_36, %dma_wait3A] : memref<104x128xi32, #tpu.memory_space<vmem>> -> memref<1x128xi32, #tpu.memory_space<vmem>>
          %dma_wait3A_43 = tpu.memref_squeeze %dma_wait3A_42 : memref<1x128xi32, #tpu.memory_space<vmem>> -> memref<128xi32, #tpu.memory_space<vmem>>
          %dma_wait3A_44 = arith.constant 0 : i32
          %dma_wait3A_45 = arith.constant 0 : i32
          %dma_wait3A_46 = tpu.memref_slice %arg10[%dma_wait3A_44, %dma_wait3A_45] : memref<10240x128xf32, #tpu.memory_space<vmem_shared>> -> memref<10240x128xf32, #tpu.memory_space<vmem_shared>>
          tpu.wait_indirect_dma semaphore(%run_scoped3A : memref<!tpu.dma_semaphore, #tpu.memory_space<semaphore_mem>>) src(%arg9 : memref<128x128xf32, #tpu.memory_space<vmem>>) dst(%dma_wait3A_46 : memref<10240x128xf32, #tpu.memory_space<vmem_shared>>)
          tpu.yield
        }) : () -> ()
      }
      %scan3A_32 = arith.constant 104 : i32
    } else {
    }
    %barrier3A_22 = arith.constant 0 : index
    tpu.barrier barrier_id(%barrier3A_22)
    %scan3A_23 = arith.constant 0 : i32
    %scan3A_24 = arith.constant 5 : i32
    %scan3A_25 = arith.addi %scan3A_23, %scan3A_24 : i32
    %scan3A_26 = arith.constant 1 : i32
    scf.for %scan3A_28 = %scan3A_23 to %scan3A_25 step %scan3A_26  : i32 {
      %mul3A_29 = arith.constant 1 : i32
      %mul3A_30 = arith.muli %scan3A_28, %mul3A_29 : i32
      %add3A = arith.constant 0 : i32
      %add3A_31 = arith.addi %add3A, %mul3A_30 : i32
      %mul3A_32 = arith.constant 128 : i32
      %mul3A_33 = arith.muli %add3A_31, %mul3A_32 : i32
      %add3A_34 = arith.addi %mul3A_0, %mul3A_33 : i32
      %mul3A_35 = arith.constant 128 : i32
      %mul3A_36 = arith.muli %add3A_31, %mul3A_35 : i32
      %add3A_37 = arith.addi %mul3A_0, %mul3A_36 : i32
      "tpu.region"() ({
        %run_scoped3A = tpu.sem_alloc : memref<!tpu.dma_semaphore, #tpu.memory_space<semaphore_mem>>
        %dma_start3A = arith.constant 0 : i32
        %dma_start3A_38 = arith.constant 0 : i32
        %dma_start3A_39 = tpu.memref_slice %arg6[%arg0, %dma_start3A, %dma_start3A_38] : memref<2x10240x128xf32, #tpu.memory_space<hbm>> -> memref<1x10240x128xf32, #tpu.memory_space<hbm>>
        %dma_start3A_40 = tpu.memref_squeeze %dma_start3A_39 : memref<1x10240x128xf32, #tpu.memory_space<hbm>> -> memref<10240x128xf32, #tpu.memory_space<hbm>>
        %dma_start3A_41 = arith.constant 0 : i32
        %dma_start3A_42 = tpu.memref_slice %dma_start3A_40[%add3A_37, %dma_start3A_41] : memref<10240x128xf32, #tpu.memory_space<hbm>> -> memref<128x128xf32, #tpu.memory_space<hbm>>
        %dma_start3A_43 = arith.constant 0 : i32
        %dma_start3A_44 = tpu.memref_slice %arg10[%add3A_34, %dma_start3A_43] : memref<10240x128xf32, #tpu.memory_space<vmem_shared>> -> memref<128x128xf32, #tpu.memory_space<vmem_shared>>
        tpu.enqueue_dma source(%dma_start3A_44 : memref<128x128xf32, #tpu.memory_space<vmem_shared>>) target(%dma_start3A_42 : memref<128x128xf32, #tpu.memory_space<hbm>>) target_semaphore(%run_scoped3A : memref<!tpu.dma_semaphore, #tpu.memory_space<semaphore_mem>>)
        %dma_wait3A = arith.constant 0 : i32
        %dma_wait3A_45 = arith.constant 0 : i32
        %dma_wait3A_46 = tpu.memref_slice %arg6[%arg0, %dma_wait3A, %dma_wait3A_45] : memref<2x10240x128xf32, #tpu.memory_space<hbm>> -> memref<1x10240x128xf32, #tpu.memory_space<hbm>>
        %dma_wait3A_47 = tpu.memref_squeeze %dma_wait3A_46 : memref<1x10240x128xf32, #tpu.memory_space<hbm>> -> memref<10240x128xf32, #tpu.memory_space<hbm>>
        %dma_wait3A_48 = arith.constant 0 : i32
        %dma_wait3A_49 = tpu.memref_slice %dma_wait3A_47[%add3A_37, %dma_wait3A_48] : memref<10240x128xf32, #tpu.memory_space<hbm>> -> memref<128x128xf32, #tpu.memory_space<hbm>>
        %dma_wait3A_50 = arith.constant 0 : i32
        %dma_wait3A_51 = tpu.memref_slice %arg10[%add3A_34, %dma_wait3A_50] : memref<10240x128xf32, #tpu.memory_space<vmem_shared>> -> memref<128x128xf32, #tpu.memory_space<vmem_shared>>
        tpu.wait_dma2 semaphore(%run_scoped3A : memref<!tpu.dma_semaphore, #tpu.memory_space<semaphore_mem>>) src(%dma_wait3A_51 : memref<128x128xf32, #tpu.memory_space<vmem_shared>>) dst(%dma_wait3A_49 : memref<128x128xf32, #tpu.memory_space<hbm>>)
        tpu.yield
      }) : () -> ()
    }
    %scan3A_27 = arith.constant 5 : i32
    return
  }
}

#map = affine_map<(d0, d1) -> (0, 0)>
#map1 = affine_map<(d0, d1) -> (0, 0, 0)>
module attributes {stable_mosaic.version = 14 : i64} {
  func.func @_sc_propagate(%arg0: i32, %arg1: i32, %arg2: memref<10240x128xf32, #tpu.memory_space<hbm>>, %arg3: memref<2560x128xi32, #tpu.memory_space<hbm>>, %arg4: memref<2560x128xi32, #tpu.memory_space<hbm>>, %arg5: memref<128x128xf32, #tpu.memory_space<hbm>>, %arg6: memref<2x10240x128xf32, #tpu.memory_space<hbm>>, %arg7: memref<104x128xi32, #tpu.memory_space<vmem>>, %arg8: memref<104x128xi32, #tpu.memory_space<vmem>>, %arg9: memref<128x128xf32, #tpu.memory_space<vmem>>, %arg10: memref<10240x128xf32, #tpu.memory_space<vmem_shared>>) attributes {dimension_semantics = [#tpu.dimension_semantics<core_parallel>, #tpu.dimension_semantics<subcore_parallel>], iteration_bounds = array<i64: 2, 16>, scalar_prefetch = 0 : i64, scratch_operands = 4 : i64, tpu.core_type = #tpu.core_type<sc_vector_subcore>, window_params = [{transform_indices = #map}, {transform_indices = #map}, {transform_indices = #map}, {transform_indices = #map}, {transform_indices = #map1}]} {
    %mul3A = arith.constant 640 : i32
    %mul3A_0 = arith.muli %arg1, %mul3A : i32
    "tpu.region"() ({
      %run_scoped3A = tpu.sem_alloc : memref<!tpu.dma_semaphore, #tpu.memory_space<semaphore_mem>>
      tpu.enqueue_dma source(%arg5 : memref<128x128xf32, #tpu.memory_space<hbm>>) target(%arg9 : memref<128x128xf32, #tpu.memory_space<vmem>>) target_semaphore(%run_scoped3A : memref<!tpu.dma_semaphore, #tpu.memory_space<semaphore_mem>>)
      tpu.wait_dma2 semaphore(%run_scoped3A : memref<!tpu.dma_semaphore, #tpu.memory_space<semaphore_mem>>) src(%arg5 : memref<128x128xf32, #tpu.memory_space<hbm>>) dst(%arg9 : memref<128x128xf32, #tpu.memory_space<vmem>>)
      tpu.yield
    }) : () -> ()
    %scan3A = arith.constant 0 : i32
    %scan3A_1 = arith.constant 5 : i32
    %scan3A_2 = arith.addi %scan3A, %scan3A_1 : i32
    %scan3A_3 = arith.constant 1 : i32
    scf.for %scan3A_28 = %scan3A to %scan3A_2 step %scan3A_3  : i32 {
      %mul3A_29 = arith.constant 1 : i32
      %mul3A_30 = arith.muli %scan3A_28, %mul3A_29 : i32
      %add3A = arith.constant 0 : i32
      %add3A_31 = arith.addi %add3A, %mul3A_30 : i32
      %mul3A_32 = arith.constant 128 : i32
      %mul3A_33 = arith.muli %add3A_31, %mul3A_32 : i32
      %add3A_34 = arith.addi %mul3A_0, %mul3A_33 : i32
      "tpu.region"() ({
        %run_scoped3A = tpu.sem_alloc : memref<!tpu.dma_semaphore, #tpu.memory_space<semaphore_mem>>
        %dma_start3A = arith.constant 0 : i32
        %dma_start3A_35 = tpu.memref_slice %arg10[%add3A_34, %dma_start3A] : memref<10240x128xf32, #tpu.memory_space<vmem_shared>> -> memref<128x128xf32, #tpu.memory_space<vmem_shared>>
        %dma_start3A_36 = arith.constant 0 : i32
        %dma_start3A_37 = tpu.memref_slice %arg10[%add3A_34, %dma_start3A_36] : memref<10240x128xf32, #tpu.memory_space<vmem_shared>> -> memref<128x128xf32, #tpu.memory_space<vmem_shared>>
        tpu.enqueue_dma source(%arg9 : memref<128x128xf32, #tpu.memory_space<vmem>>) target(%dma_start3A_37 : memref<128x128xf32, #tpu.memory_space<vmem_shared>>) target_semaphore(%run_scoped3A : memref<!tpu.dma_semaphore, #tpu.memory_space<semaphore_mem>>)
        %dma_wait3A = arith.constant 0 : i32
        %dma_wait3A_38 = tpu.memref_slice %arg10[%add3A_34, %dma_wait3A] : memref<10240x128xf32, #tpu.memory_space<vmem_shared>> -> memref<128x128xf32, #tpu.memory_space<vmem_shared>>
        %dma_wait3A_39 = arith.constant 0 : i32
        %dma_wait3A_40 = tpu.memref_slice %arg10[%add3A_34, %dma_wait3A_39] : memref<10240x128xf32, #tpu.memory_space<vmem_shared>> -> memref<128x128xf32, #tpu.memory_space<vmem_shared>>
        tpu.wait_dma2 semaphore(%run_scoped3A : memref<!tpu.dma_semaphore, #tpu.memory_space<semaphore_mem>>) src(%arg9 : memref<128x128xf32, #tpu.memory_space<vmem>>) dst(%dma_wait3A_40 : memref<128x128xf32, #tpu.memory_space<vmem_shared>>)
        tpu.yield
      }) : () -> ()
    }
    %scan3A_4 = arith.constant 5 : i32
    %eq3A = arith.constant 0 : i32
    %eq3A_5 = arith.cmpi eq, %arg0, %eq3A : i32
    %convert_element_type3A = arith.extui %eq3A_5 : i1 to i32
    %cond3A = arith.constant 0 : i32
    %cond3A_6 = arith.cmpi ne, %convert_element_type3A, %cond3A : i32
    scf.if %cond3A_6 {
      %mul3A_28 = arith.constant 56 : i32
      %mul3A_29 = arith.muli %arg1, %mul3A_28 : i32
      "tpu.region"() ({
        %run_scoped3A = tpu.sem_alloc : memref<!tpu.dma_semaphore, #tpu.memory_space<semaphore_mem>>
        %dma_start3A = arith.constant 0 : i32
        %dma_start3A_30 = arith.constant 0 : i32
        %dma_start3A_31 = tpu.memref_slice %arg7[%dma_start3A, %dma_start3A_30] : memref<104x128xi32, #tpu.memory_space<vmem>> -> memref<56x128xi32, #tpu.memory_space<vmem>>
        %dma_start3A_32 = arith.constant 0 : i32
        %dma_start3A_33 = tpu.memref_slice %arg3[%mul3A_29, %dma_start3A_32] : memref<2560x128xi32, #tpu.memory_space<hbm>> -> memref<56x128xi32, #tpu.memory_space<hbm>>
        %dma_start3A_34 = arith.constant 0 : i32
        %dma_start3A_35 = arith.constant 0 : i32
        %dma_start3A_36 = tpu.memref_slice %arg7[%dma_start3A_34, %dma_start3A_35] : memref<104x128xi32, #tpu.memory_space<vmem>> -> memref<56x128xi32, #tpu.memory_space<vmem>>
        %dma_start3A_37 = arith.constant 0 : i32
        %dma_start3A_38 = tpu.memref_slice %arg3[%mul3A_29, %dma_start3A_37] : memref<2560x128xi32, #tpu.memory_space<hbm>> -> memref<56x128xi32, #tpu.memory_space<hbm>>
        tpu.enqueue_dma source(%dma_start3A_38 : memref<56x128xi32, #tpu.memory_space<hbm>>) target(%dma_start3A_36 : memref<56x128xi32, #tpu.memory_space<vmem>>) target_semaphore(%run_scoped3A : memref<!tpu.dma_semaphore, #tpu.memory_space<semaphore_mem>>)
        %dma_wait3A = arith.constant 0 : i32
        %dma_wait3A_39 = arith.constant 0 : i32
        %dma_wait3A_40 = tpu.memref_slice %arg7[%dma_wait3A, %dma_wait3A_39] : memref<104x128xi32, #tpu.memory_space<vmem>> -> memref<56x128xi32, #tpu.memory_space<vmem>>
        %dma_wait3A_41 = arith.constant 0 : i32
        %dma_wait3A_42 = tpu.memref_slice %arg3[%mul3A_29, %dma_wait3A_41] : memref<2560x128xi32, #tpu.memory_space<hbm>> -> memref<56x128xi32, #tpu.memory_space<hbm>>
        %dma_wait3A_43 = arith.constant 0 : i32
        %dma_wait3A_44 = arith.constant 0 : i32
        %dma_wait3A_45 = tpu.memref_slice %arg7[%dma_wait3A_43, %dma_wait3A_44] : memref<104x128xi32, #tpu.memory_space<vmem>> -> memref<56x128xi32, #tpu.memory_space<vmem>>
        %dma_wait3A_46 = arith.constant 0 : i32
        %dma_wait3A_47 = tpu.memref_slice %arg3[%mul3A_29, %dma_wait3A_46] : memref<2560x128xi32, #tpu.memory_space<hbm>> -> memref<56x128xi32, #tpu.memory_space<hbm>>
        tpu.wait_dma2 semaphore(%run_scoped3A : memref<!tpu.dma_semaphore, #tpu.memory_space<semaphore_mem>>) src(%dma_wait3A_47 : memref<56x128xi32, #tpu.memory_space<hbm>>) dst(%dma_wait3A_45 : memref<56x128xi32, #tpu.memory_space<vmem>>)
        tpu.yield
      }) : () -> ()
      "tpu.region"() ({
        %run_scoped3A = tpu.sem_alloc : memref<!tpu.dma_semaphore, #tpu.memory_space<semaphore_mem>>
        %dma_start3A = arith.constant 0 : i32
        %dma_start3A_30 = arith.constant 0 : i32
        %dma_start3A_31 = tpu.memref_slice %arg8[%dma_start3A, %dma_start3A_30] : memref<104x128xi32, #tpu.memory_space<vmem>> -> memref<56x128xi32, #tpu.memory_space<vmem>>
        %dma_start3A_32 = arith.constant 0 : i32
        %dma_start3A_33 = tpu.memref_slice %arg4[%mul3A_29, %dma_start3A_32] : memref<2560x128xi32, #tpu.memory_space<hbm>> -> memref<56x128xi32, #tpu.memory_space<hbm>>
        %dma_start3A_34 = arith.constant 0 : i32
        %dma_start3A_35 = arith.constant 0 : i32
        %dma_start3A_36 = tpu.memref_slice %arg8[%dma_start3A_34, %dma_start3A_35] : memref<104x128xi32, #tpu.memory_space<vmem>> -> memref<56x128xi32, #tpu.memory_space<vmem>>
        %dma_start3A_37 = arith.constant 0 : i32
        %dma_start3A_38 = tpu.memref_slice %arg4[%mul3A_29, %dma_start3A_37] : memref<2560x128xi32, #tpu.memory_space<hbm>> -> memref<56x128xi32, #tpu.memory_space<hbm>>
        tpu.enqueue_dma source(%dma_start3A_38 : memref<56x128xi32, #tpu.memory_space<hbm>>) target(%dma_start3A_36 : memref<56x128xi32, #tpu.memory_space<vmem>>) target_semaphore(%run_scoped3A : memref<!tpu.dma_semaphore, #tpu.memory_space<semaphore_mem>>)
        %dma_wait3A = arith.constant 0 : i32
        %dma_wait3A_39 = arith.constant 0 : i32
        %dma_wait3A_40 = tpu.memref_slice %arg8[%dma_wait3A, %dma_wait3A_39] : memref<104x128xi32, #tpu.memory_space<vmem>> -> memref<56x128xi32, #tpu.memory_space<vmem>>
        %dma_wait3A_41 = arith.constant 0 : i32
        %dma_wait3A_42 = tpu.memref_slice %arg4[%mul3A_29, %dma_wait3A_41] : memref<2560x128xi32, #tpu.memory_space<hbm>> -> memref<56x128xi32, #tpu.memory_space<hbm>>
        %dma_wait3A_43 = arith.constant 0 : i32
        %dma_wait3A_44 = arith.constant 0 : i32
        %dma_wait3A_45 = tpu.memref_slice %arg8[%dma_wait3A_43, %dma_wait3A_44] : memref<104x128xi32, #tpu.memory_space<vmem>> -> memref<56x128xi32, #tpu.memory_space<vmem>>
        %dma_wait3A_46 = arith.constant 0 : i32
        %dma_wait3A_47 = tpu.memref_slice %arg4[%mul3A_29, %dma_wait3A_46] : memref<2560x128xi32, #tpu.memory_space<hbm>> -> memref<56x128xi32, #tpu.memory_space<hbm>>
        tpu.wait_dma2 semaphore(%run_scoped3A : memref<!tpu.dma_semaphore, #tpu.memory_space<semaphore_mem>>) src(%dma_wait3A_47 : memref<56x128xi32, #tpu.memory_space<hbm>>) dst(%dma_wait3A_45 : memref<56x128xi32, #tpu.memory_space<vmem>>)
        tpu.yield
      }) : () -> ()
    } else {
    }
    %eq3A_7 = arith.constant 1 : i32
    %eq3A_8 = arith.cmpi eq, %arg0, %eq3A_7 : i32
    %convert_element_type3A_9 = arith.extui %eq3A_8 : i1 to i32
    %cond3A_10 = arith.constant 0 : i32
    %cond3A_11 = arith.cmpi ne, %convert_element_type3A_9, %cond3A_10 : i32
    scf.if %cond3A_11 {
      %mul3A_28 = arith.constant 104 : i32
      %mul3A_29 = arith.muli %arg1, %mul3A_28 : i32
      %add3A = arith.constant 896 : i32
      %add3A_30 = arith.addi %add3A, %mul3A_29 : i32
      "tpu.region"() ({
        %run_scoped3A = tpu.sem_alloc : memref<!tpu.dma_semaphore, #tpu.memory_space<semaphore_mem>>
        %dma_start3A = arith.constant 0 : i32
        %dma_start3A_31 = arith.constant 0 : i32
        %dma_start3A_32 = tpu.memref_slice %arg7[%dma_start3A, %dma_start3A_31] : memref<104x128xi32, #tpu.memory_space<vmem>> -> memref<104x128xi32, #tpu.memory_space<vmem>>
        %dma_start3A_33 = arith.constant 0 : i32
        %dma_start3A_34 = tpu.memref_slice %arg3[%add3A_30, %dma_start3A_33] : memref<2560x128xi32, #tpu.memory_space<hbm>> -> memref<104x128xi32, #tpu.memory_space<hbm>>
        %dma_start3A_35 = arith.constant 0 : i32
        %dma_start3A_36 = arith.constant 0 : i32
        %dma_start3A_37 = tpu.memref_slice %arg7[%dma_start3A_35, %dma_start3A_36] : memref<104x128xi32, #tpu.memory_space<vmem>> -> memref<104x128xi32, #tpu.memory_space<vmem>>
        %dma_start3A_38 = arith.constant 0 : i32
        %dma_start3A_39 = tpu.memref_slice %arg3[%add3A_30, %dma_start3A_38] : memref<2560x128xi32, #tpu.memory_space<hbm>> -> memref<104x128xi32, #tpu.memory_space<hbm>>
        tpu.enqueue_dma source(%dma_start3A_39 : memref<104x128xi32, #tpu.memory_space<hbm>>) target(%dma_start3A_37 : memref<104x128xi32, #tpu.memory_space<vmem>>) target_semaphore(%run_scoped3A : memref<!tpu.dma_semaphore, #tpu.memory_space<semaphore_mem>>)
        %dma_wait3A = arith.constant 0 : i32
        %dma_wait3A_40 = arith.constant 0 : i32
        %dma_wait3A_41 = tpu.memref_slice %arg7[%dma_wait3A, %dma_wait3A_40] : memref<104x128xi32, #tpu.memory_space<vmem>> -> memref<104x128xi32, #tpu.memory_space<vmem>>
        %dma_wait3A_42 = arith.constant 0 : i32
        %dma_wait3A_43 = tpu.memref_slice %arg3[%add3A_30, %dma_wait3A_42] : memref<2560x128xi32, #tpu.memory_space<hbm>> -> memref<104x128xi32, #tpu.memory_space<hbm>>
        %dma_wait3A_44 = arith.constant 0 : i32
        %dma_wait3A_45 = arith.constant 0 : i32
        %dma_wait3A_46 = tpu.memref_slice %arg7[%dma_wait3A_44, %dma_wait3A_45] : memref<104x128xi32, #tpu.memory_space<vmem>> -> memref<104x128xi32, #tpu.memory_space<vmem>>
        %dma_wait3A_47 = arith.constant 0 : i32
        %dma_wait3A_48 = tpu.memref_slice %arg3[%add3A_30, %dma_wait3A_47] : memref<2560x128xi32, #tpu.memory_space<hbm>> -> memref<104x128xi32, #tpu.memory_space<hbm>>
        tpu.wait_dma2 semaphore(%run_scoped3A : memref<!tpu.dma_semaphore, #tpu.memory_space<semaphore_mem>>) src(%dma_wait3A_48 : memref<104x128xi32, #tpu.memory_space<hbm>>) dst(%dma_wait3A_46 : memref<104x128xi32, #tpu.memory_space<vmem>>)
        tpu.yield
      }) : () -> ()
      "tpu.region"() ({
        %run_scoped3A = tpu.sem_alloc : memref<!tpu.dma_semaphore, #tpu.memory_space<semaphore_mem>>
        %dma_start3A = arith.constant 0 : i32
        %dma_start3A_31 = arith.constant 0 : i32
        %dma_start3A_32 = tpu.memref_slice %arg8[%dma_start3A, %dma_start3A_31] : memref<104x128xi32, #tpu.memory_space<vmem>> -> memref<104x128xi32, #tpu.memory_space<vmem>>
        %dma_start3A_33 = arith.constant 0 : i32
        %dma_start3A_34 = tpu.memref_slice %arg4[%add3A_30, %dma_start3A_33] : memref<2560x128xi32, #tpu.memory_space<hbm>> -> memref<104x128xi32, #tpu.memory_space<hbm>>
        %dma_start3A_35 = arith.constant 0 : i32
        %dma_start3A_36 = arith.constant 0 : i32
        %dma_start3A_37 = tpu.memref_slice %arg8[%dma_start3A_35, %dma_start3A_36] : memref<104x128xi32, #tpu.memory_space<vmem>> -> memref<104x128xi32, #tpu.memory_space<vmem>>
        %dma_start3A_38 = arith.constant 0 : i32
        %dma_start3A_39 = tpu.memref_slice %arg4[%add3A_30, %dma_start3A_38] : memref<2560x128xi32, #tpu.memory_space<hbm>> -> memref<104x128xi32, #tpu.memory_space<hbm>>
        tpu.enqueue_dma source(%dma_start3A_39 : memref<104x128xi32, #tpu.memory_space<hbm>>) target(%dma_start3A_37 : memref<104x128xi32, #tpu.memory_space<vmem>>) target_semaphore(%run_scoped3A : memref<!tpu.dma_semaphore, #tpu.memory_space<semaphore_mem>>)
        %dma_wait3A = arith.constant 0 : i32
        %dma_wait3A_40 = arith.constant 0 : i32
        %dma_wait3A_41 = tpu.memref_slice %arg8[%dma_wait3A, %dma_wait3A_40] : memref<104x128xi32, #tpu.memory_space<vmem>> -> memref<104x128xi32, #tpu.memory_space<vmem>>
        %dma_wait3A_42 = arith.constant 0 : i32
        %dma_wait3A_43 = tpu.memref_slice %arg4[%add3A_30, %dma_wait3A_42] : memref<2560x128xi32, #tpu.memory_space<hbm>> -> memref<104x128xi32, #tpu.memory_space<hbm>>
        %dma_wait3A_44 = arith.constant 0 : i32
        %dma_wait3A_45 = arith.constant 0 : i32
        %dma_wait3A_46 = tpu.memref_slice %arg8[%dma_wait3A_44, %dma_wait3A_45] : memref<104x128xi32, #tpu.memory_space<vmem>> -> memref<104x128xi32, #tpu.memory_space<vmem>>
        %dma_wait3A_47 = arith.constant 0 : i32
        %dma_wait3A_48 = tpu.memref_slice %arg4[%add3A_30, %dma_wait3A_47] : memref<2560x128xi32, #tpu.memory_space<hbm>> -> memref<104x128xi32, #tpu.memory_space<hbm>>
        tpu.wait_dma2 semaphore(%run_scoped3A : memref<!tpu.dma_semaphore, #tpu.memory_space<semaphore_mem>>) src(%dma_wait3A_48 : memref<104x128xi32, #tpu.memory_space<hbm>>) dst(%dma_wait3A_46 : memref<104x128xi32, #tpu.memory_space<vmem>>)
        tpu.yield
      }) : () -> ()
    } else {
    }
    %barrier3A = arith.constant 0 : index
    tpu.barrier barrier_id(%barrier3A)
    %eq3A_12 = arith.constant 0 : i32
    %eq3A_13 = arith.cmpi eq, %arg0, %eq3A_12 : i32
    %convert_element_type3A_14 = arith.extui %eq3A_13 : i1 to i32
    %cond3A_15 = arith.constant 0 : i32
    %cond3A_16 = arith.cmpi ne, %convert_element_type3A_14, %cond3A_15 : i32
    scf.if %cond3A_16 {
      %scan3A_28 = arith.constant 0 : i32
      %scan3A_29 = arith.constant 56 : i32
      %scan3A_30 = arith.addi %scan3A_28, %scan3A_29 : i32
      %scan3A_31 = arith.constant 1 : i32
      scf.for %scan3A_33 = %scan3A_28 to %scan3A_30 step %scan3A_31  : i32 {
        %mul3A_34 = arith.constant 1 : i32
        %mul3A_35 = arith.muli %scan3A_33, %mul3A_34 : i32
        %add3A = arith.constant 0 : i32
        %add3A_36 = arith.addi %add3A, %mul3A_35 : i32
        "tpu.region"() ({
          %run_scoped3A = tpu.sem_alloc : memref<!tpu.dma_semaphore, #tpu.memory_space<semaphore_mem>>
          %dma_start3A = arith.constant 0 : i32
          %dma_start3A_37 = tpu.memref_slice %arg7[%add3A_36, %dma_start3A] : memref<104x128xi32, #tpu.memory_space<vmem>> -> memref<1x128xi32, #tpu.memory_space<vmem>>
          %dma_start3A_38 = tpu.memref_squeeze %dma_start3A_37 : memref<1x128xi32, #tpu.memory_space<vmem>> -> memref<128xi32, #tpu.memory_space<vmem>>
          %dma_start3A_39 = arith.constant 0 : i32
          %dma_start3A_40 = arith.constant 0 : i32
          %dma_start3A_41 = tpu.memref_slice %arg2[%dma_start3A_39, %dma_start3A_40] : memref<10240x128xf32, #tpu.memory_space<hbm>> -> memref<10240x128xf32, #tpu.memory_space<hbm>>
          tpu.enqueue_indirect_dma source(%dma_start3A_41 : memref<10240x128xf32, #tpu.memory_space<hbm>>) target(%arg9 : memref<128x128xf32, #tpu.memory_space<vmem>>) offsets(%dma_start3A_38 : memref<128xi32, #tpu.memory_space<vmem>>) semaphore(%run_scoped3A : memref<!tpu.dma_semaphore, #tpu.memory_space<semaphore_mem>>)
          %dma_wait3A = arith.constant 0 : i32
          %dma_wait3A_42 = tpu.memref_slice %arg7[%add3A_36, %dma_wait3A] : memref<104x128xi32, #tpu.memory_space<vmem>> -> memref<1x128xi32, #tpu.memory_space<vmem>>
          %dma_wait3A_43 = tpu.memref_squeeze %dma_wait3A_42 : memref<1x128xi32, #tpu.memory_space<vmem>> -> memref<128xi32, #tpu.memory_space<vmem>>
          %dma_wait3A_44 = arith.constant 0 : i32
          %dma_wait3A_45 = arith.constant 0 : i32
          %dma_wait3A_46 = tpu.memref_slice %arg2[%dma_wait3A_44, %dma_wait3A_45] : memref<10240x128xf32, #tpu.memory_space<hbm>> -> memref<10240x128xf32, #tpu.memory_space<hbm>>
          tpu.wait_indirect_dma semaphore(%run_scoped3A : memref<!tpu.dma_semaphore, #tpu.memory_space<semaphore_mem>>) src(%dma_wait3A_46 : memref<10240x128xf32, #tpu.memory_space<hbm>>) dst(%arg9 : memref<128x128xf32, #tpu.memory_space<vmem>>)
          tpu.yield
        }) : () -> ()
        "tpu.region"() ({
          %run_scoped3A = tpu.sem_alloc : memref<!tpu.dma_semaphore, #tpu.memory_space<semaphore_mem>>
          %dma_start3A = arith.constant 0 : i32
          %dma_start3A_37 = tpu.memref_slice %arg8[%add3A_36, %dma_start3A] : memref<104x128xi32, #tpu.memory_space<vmem>> -> memref<1x128xi32, #tpu.memory_space<vmem>>
          %dma_start3A_38 = tpu.memref_squeeze %dma_start3A_37 : memref<1x128xi32, #tpu.memory_space<vmem>> -> memref<128xi32, #tpu.memory_space<vmem>>
          %dma_start3A_39 = arith.constant 0 : i32
          %dma_start3A_40 = arith.constant 0 : i32
          %dma_start3A_41 = tpu.memref_slice %arg10[%dma_start3A_39, %dma_start3A_40] : memref<10240x128xf32, #tpu.memory_space<vmem_shared>> -> memref<10240x128xf32, #tpu.memory_space<vmem_shared>>
          tpu.enqueue_indirect_dma source(%arg9 : memref<128x128xf32, #tpu.memory_space<vmem>>) target(%dma_start3A_41 : memref<10240x128xf32, #tpu.memory_space<vmem_shared>>) offsets(%dma_start3A_38 : memref<128xi32, #tpu.memory_space<vmem>>) semaphore(%run_scoped3A : memref<!tpu.dma_semaphore, #tpu.memory_space<semaphore_mem>>) {add = true}
          %dma_wait3A = arith.constant 0 : i32
          %dma_wait3A_42 = tpu.memref_slice %arg8[%add3A_36, %dma_wait3A] : memref<104x128xi32, #tpu.memory_space<vmem>> -> memref<1x128xi32, #tpu.memory_space<vmem>>
          %dma_wait3A_43 = tpu.memref_squeeze %dma_wait3A_42 : memref<1x128xi32, #tpu.memory_space<vmem>> -> memref<128xi32, #tpu.memory_space<vmem>>
          %dma_wait3A_44 = arith.constant 0 : i32
          %dma_wait3A_45 = arith.constant 0 : i32
          %dma_wait3A_46 = tpu.memref_slice %arg10[%dma_wait3A_44, %dma_wait3A_45] : memref<10240x128xf32, #tpu.memory_space<vmem_shared>> -> memref<10240x128xf32, #tpu.memory_space<vmem_shared>>
          tpu.wait_indirect_dma semaphore(%run_scoped3A : memref<!tpu.dma_semaphore, #tpu.memory_space<semaphore_mem>>) src(%arg9 : memref<128x128xf32, #tpu.memory_space<vmem>>) dst(%dma_wait3A_46 : memref<10240x128xf32, #tpu.memory_space<vmem_shared>>)
          tpu.yield
        }) : () -> ()
      }
      %scan3A_32 = arith.constant 56 : i32
    } else {
    }
    %eq3A_17 = arith.constant 1 : i32
    %eq3A_18 = arith.cmpi eq, %arg0, %eq3A_17 : i32
    %convert_element_type3A_19 = arith.extui %eq3A_18 : i1 to i32
    %cond3A_20 = arith.constant 0 : i32
    %cond3A_21 = arith.cmpi ne, %convert_element_type3A_19, %cond3A_20 : i32
    scf.if %cond3A_21 {
      %scan3A_28 = arith.constant 0 : i32
      %scan3A_29 = arith.constant 104 : i32
      %scan3A_30 = arith.addi %scan3A_28, %scan3A_29 : i32
      %scan3A_31 = arith.constant 1 : i32
      scf.for %scan3A_33 = %scan3A_28 to %scan3A_30 step %scan3A_31  : i32 {
        %mul3A_34 = arith.constant 1 : i32
        %mul3A_35 = arith.muli %scan3A_33, %mul3A_34 : i32
        %add3A = arith.constant 0 : i32
        %add3A_36 = arith.addi %add3A, %mul3A_35 : i32
        "tpu.region"() ({
          %run_scoped3A = tpu.sem_alloc : memref<!tpu.dma_semaphore, #tpu.memory_space<semaphore_mem>>
          %dma_start3A = arith.constant 0 : i32
          %dma_start3A_37 = tpu.memref_slice %arg7[%add3A_36, %dma_start3A] : memref<104x128xi32, #tpu.memory_space<vmem>> -> memref<1x128xi32, #tpu.memory_space<vmem>>
          %dma_start3A_38 = tpu.memref_squeeze %dma_start3A_37 : memref<1x128xi32, #tpu.memory_space<vmem>> -> memref<128xi32, #tpu.memory_space<vmem>>
          %dma_start3A_39 = arith.constant 0 : i32
          %dma_start3A_40 = arith.constant 0 : i32
          %dma_start3A_41 = tpu.memref_slice %arg2[%dma_start3A_39, %dma_start3A_40] : memref<10240x128xf32, #tpu.memory_space<hbm>> -> memref<10240x128xf32, #tpu.memory_space<hbm>>
          tpu.enqueue_indirect_dma source(%dma_start3A_41 : memref<10240x128xf32, #tpu.memory_space<hbm>>) target(%arg9 : memref<128x128xf32, #tpu.memory_space<vmem>>) offsets(%dma_start3A_38 : memref<128xi32, #tpu.memory_space<vmem>>) semaphore(%run_scoped3A : memref<!tpu.dma_semaphore, #tpu.memory_space<semaphore_mem>>)
          %dma_wait3A = arith.constant 0 : i32
          %dma_wait3A_42 = tpu.memref_slice %arg7[%add3A_36, %dma_wait3A] : memref<104x128xi32, #tpu.memory_space<vmem>> -> memref<1x128xi32, #tpu.memory_space<vmem>>
          %dma_wait3A_43 = tpu.memref_squeeze %dma_wait3A_42 : memref<1x128xi32, #tpu.memory_space<vmem>> -> memref<128xi32, #tpu.memory_space<vmem>>
          %dma_wait3A_44 = arith.constant 0 : i32
          %dma_wait3A_45 = arith.constant 0 : i32
          %dma_wait3A_46 = tpu.memref_slice %arg2[%dma_wait3A_44, %dma_wait3A_45] : memref<10240x128xf32, #tpu.memory_space<hbm>> -> memref<10240x128xf32, #tpu.memory_space<hbm>>
          tpu.wait_indirect_dma semaphore(%run_scoped3A : memref<!tpu.dma_semaphore, #tpu.memory_space<semaphore_mem>>) src(%dma_wait3A_46 : memref<10240x128xf32, #tpu.memory_space<hbm>>) dst(%arg9 : memref<128x128xf32, #tpu.memory_space<vmem>>)
          tpu.yield
        }) : () -> ()
        "tpu.region"() ({
          %run_scoped3A = tpu.sem_alloc : memref<!tpu.dma_semaphore, #tpu.memory_space<semaphore_mem>>
          %dma_start3A = arith.constant 0 : i32
          %dma_start3A_37 = tpu.memref_slice %arg8[%add3A_36, %dma_start3A] : memref<104x128xi32, #tpu.memory_space<vmem>> -> memref<1x128xi32, #tpu.memory_space<vmem>>
          %dma_start3A_38 = tpu.memref_squeeze %dma_start3A_37 : memref<1x128xi32, #tpu.memory_space<vmem>> -> memref<128xi32, #tpu.memory_space<vmem>>
          %dma_start3A_39 = arith.constant 0 : i32
          %dma_start3A_40 = arith.constant 0 : i32
          %dma_start3A_41 = tpu.memref_slice %arg10[%dma_start3A_39, %dma_start3A_40] : memref<10240x128xf32, #tpu.memory_space<vmem_shared>> -> memref<10240x128xf32, #tpu.memory_space<vmem_shared>>
          tpu.enqueue_indirect_dma source(%arg9 : memref<128x128xf32, #tpu.memory_space<vmem>>) target(%dma_start3A_41 : memref<10240x128xf32, #tpu.memory_space<vmem_shared>>) offsets(%dma_start3A_38 : memref<128xi32, #tpu.memory_space<vmem>>) semaphore(%run_scoped3A : memref<!tpu.dma_semaphore, #tpu.memory_space<semaphore_mem>>) {add = true}
          %dma_wait3A = arith.constant 0 : i32
          %dma_wait3A_42 = tpu.memref_slice %arg8[%add3A_36, %dma_wait3A] : memref<104x128xi32, #tpu.memory_space<vmem>> -> memref<1x128xi32, #tpu.memory_space<vmem>>
          %dma_wait3A_43 = tpu.memref_squeeze %dma_wait3A_42 : memref<1x128xi32, #tpu.memory_space<vmem>> -> memref<128xi32, #tpu.memory_space<vmem>>
          %dma_wait3A_44 = arith.constant 0 : i32
          %dma_wait3A_45 = arith.constant 0 : i32
          %dma_wait3A_46 = tpu.memref_slice %arg10[%dma_wait3A_44, %dma_wait3A_45] : memref<10240x128xf32, #tpu.memory_space<vmem_shared>> -> memref<10240x128xf32, #tpu.memory_space<vmem_shared>>
          tpu.wait_indirect_dma semaphore(%run_scoped3A : memref<!tpu.dma_semaphore, #tpu.memory_space<semaphore_mem>>) src(%arg9 : memref<128x128xf32, #tpu.memory_space<vmem>>) dst(%dma_wait3A_46 : memref<10240x128xf32, #tpu.memory_space<vmem_shared>>)
          tpu.yield
        }) : () -> ()
      }
      %scan3A_32 = arith.constant 104 : i32
    } else {
    }
    %barrier3A_22 = arith.constant 0 : index
    tpu.barrier barrier_id(%barrier3A_22)
    %scan3A_23 = arith.constant 0 : i32
    %scan3A_24 = arith.constant 5 : i32
    %scan3A_25 = arith.addi %scan3A_23, %scan3A_24 : i32
    %scan3A_26 = arith.constant 1 : i32
    scf.for %scan3A_28 = %scan3A_23 to %scan3A_25 step %scan3A_26  : i32 {
      %mul3A_29 = arith.constant 1 : i32
      %mul3A_30 = arith.muli %scan3A_28, %mul3A_29 : i32
      %add3A = arith.constant 0 : i32
      %add3A_31 = arith.addi %add3A, %mul3A_30 : i32
      %mul3A_32 = arith.constant 128 : i32
      %mul3A_33 = arith.muli %add3A_31, %mul3A_32 : i32
      %add3A_34 = arith.addi %mul3A_0, %mul3A_33 : i32
      %mul3A_35 = arith.constant 128 : i32
      %mul3A_36 = arith.muli %add3A_31, %mul3A_35 : i32
      %add3A_37 = arith.addi %mul3A_0, %mul3A_36 : i32
      "tpu.region"() ({
        %run_scoped3A = tpu.sem_alloc : memref<!tpu.dma_semaphore, #tpu.memory_space<semaphore_mem>>
        %dma_start3A = arith.constant 0 : i32
        %dma_start3A_38 = arith.constant 0 : i32
        %dma_start3A_39 = tpu.memref_slice %arg6[%arg0, %dma_start3A, %dma_start3A_38] : memref<2x10240x128xf32, #tpu.memory_space<hbm>> -> memref<1x10240x128xf32, #tpu.memory_space<hbm>>
        %dma_start3A_40 = tpu.memref_squeeze %dma_start3A_39 : memref<1x10240x128xf32, #tpu.memory_space<hbm>> -> memref<10240x128xf32, #tpu.memory_space<hbm>>
        %dma_start3A_41 = arith.constant 0 : i32
        %dma_start3A_42 = tpu.memref_slice %dma_start3A_40[%add3A_37, %dma_start3A_41] : memref<10240x128xf32, #tpu.memory_space<hbm>> -> memref<128x128xf32, #tpu.memory_space<hbm>>
        %dma_start3A_43 = arith.constant 0 : i32
        %dma_start3A_44 = tpu.memref_slice %arg10[%add3A_34, %dma_start3A_43] : memref<10240x128xf32, #tpu.memory_space<vmem_shared>> -> memref<128x128xf32, #tpu.memory_space<vmem_shared>>
        tpu.enqueue_dma source(%dma_start3A_44 : memref<128x128xf32, #tpu.memory_space<vmem_shared>>) target(%dma_start3A_42 : memref<128x128xf32, #tpu.memory_space<hbm>>) target_semaphore(%run_scoped3A : memref<!tpu.dma_semaphore, #tpu.memory_space<semaphore_mem>>)
        %dma_wait3A = arith.constant 0 : i32
        %dma_wait3A_45 = arith.constant 0 : i32
        %dma_wait3A_46 = tpu.memref_slice %arg6[%arg0, %dma_wait3A, %dma_wait3A_45] : memref<2x10240x128xf32, #tpu.memory_space<hbm>> -> memref<1x10240x128xf32, #tpu.memory_space<hbm>>
        %dma_wait3A_47 = tpu.memref_squeeze %dma_wait3A_46 : memref<1x10240x128xf32, #tpu.memory_space<hbm>> -> memref<10240x128xf32, #tpu.memory_space<hbm>>
        %dma_wait3A_48 = arith.constant 0 : i32
        %dma_wait3A_49 = tpu.memref_slice %dma_wait3A_47[%add3A_37, %dma_wait3A_48] : memref<10240x128xf32, #tpu.memory_space<hbm>> -> memref<128x128xf32, #tpu.memory_space<hbm>>
        %dma_wait3A_50 = arith.constant 0 : i32
        %dma_wait3A_51 = tpu.memref_slice %arg10[%add3A_34, %dma_wait3A_50] : memref<10240x128xf32, #tpu.memory_space<vmem_shared>> -> memref<128x128xf32, #tpu.memory_space<vmem_shared>>
        tpu.wait_dma2 semaphore(%run_scoped3A : memref<!tpu.dma_semaphore, #tpu.memory_space<semaphore_mem>>) src(%dma_wait3A_51 : memref<128x128xf32, #tpu.memory_space<vmem_shared>>) dst(%dma_wait3A_49 : memref<128x128xf32, #tpu.memory_space<hbm>>)
        tpu.yield
      }) : () -> ()
    }
    %scan3A_27 = arith.constant 5 : i32
    return
  }
}

#map = affine_map<(d0, d1) -> (0, 0)>
#map1 = affine_map<(d0, d1) -> (0, 0, 0)>
module attributes {stable_mosaic.version = 14 : i64} {
  func.func @_sc_propagate(%arg0: i32, %arg1: i32, %arg2: memref<10240x128xf32, #tpu.memory_space<hbm>>, %arg3: memref<2560x128xi32, #tpu.memory_space<hbm>>, %arg4: memref<2560x128xi32, #tpu.memory_space<hbm>>, %arg5: memref<128x128xf32, #tpu.memory_space<hbm>>, %arg6: memref<2x10240x128xf32, #tpu.memory_space<hbm>>, %arg7: memref<104x128xi32, #tpu.memory_space<vmem>>, %arg8: memref<104x128xi32, #tpu.memory_space<vmem>>, %arg9: memref<128x128xf32, #tpu.memory_space<vmem>>, %arg10: memref<10240x128xf32, #tpu.memory_space<vmem_shared>>) attributes {dimension_semantics = [#tpu.dimension_semantics<core_parallel>, #tpu.dimension_semantics<subcore_parallel>], iteration_bounds = array<i64: 2, 16>, scalar_prefetch = 0 : i64, scratch_operands = 4 : i64, tpu.core_type = #tpu.core_type<sc_vector_subcore>, window_params = [{transform_indices = #map}, {transform_indices = #map}, {transform_indices = #map}, {transform_indices = #map}, {transform_indices = #map1}]} {
    %mul3A = arith.constant 640 : i32
    %mul3A_0 = arith.muli %arg1, %mul3A : i32
    "tpu.region"() ({
      %run_scoped3A = tpu.sem_alloc : memref<!tpu.dma_semaphore, #tpu.memory_space<semaphore_mem>>
      tpu.enqueue_dma source(%arg5 : memref<128x128xf32, #tpu.memory_space<hbm>>) target(%arg9 : memref<128x128xf32, #tpu.memory_space<vmem>>) target_semaphore(%run_scoped3A : memref<!tpu.dma_semaphore, #tpu.memory_space<semaphore_mem>>)
      tpu.wait_dma2 semaphore(%run_scoped3A : memref<!tpu.dma_semaphore, #tpu.memory_space<semaphore_mem>>) src(%arg5 : memref<128x128xf32, #tpu.memory_space<hbm>>) dst(%arg9 : memref<128x128xf32, #tpu.memory_space<vmem>>)
      tpu.yield
    }) : () -> ()
    %scan3A = arith.constant 0 : i32
    %scan3A_1 = arith.constant 5 : i32
    %scan3A_2 = arith.addi %scan3A, %scan3A_1 : i32
    %scan3A_3 = arith.constant 1 : i32
    scf.for %scan3A_28 = %scan3A to %scan3A_2 step %scan3A_3  : i32 {
      %mul3A_29 = arith.constant 1 : i32
      %mul3A_30 = arith.muli %scan3A_28, %mul3A_29 : i32
      %add3A = arith.constant 0 : i32
      %add3A_31 = arith.addi %add3A, %mul3A_30 : i32
      %mul3A_32 = arith.constant 128 : i32
      %mul3A_33 = arith.muli %add3A_31, %mul3A_32 : i32
      %add3A_34 = arith.addi %mul3A_0, %mul3A_33 : i32
      "tpu.region"() ({
        %run_scoped3A = tpu.sem_alloc : memref<!tpu.dma_semaphore, #tpu.memory_space<semaphore_mem>>
        %dma_start3A = arith.constant 0 : i32
        %dma_start3A_35 = tpu.memref_slice %arg10[%add3A_34, %dma_start3A] : memref<10240x128xf32, #tpu.memory_space<vmem_shared>> -> memref<128x128xf32, #tpu.memory_space<vmem_shared>>
        %dma_start3A_36 = arith.constant 0 : i32
        %dma_start3A_37 = tpu.memref_slice %arg10[%add3A_34, %dma_start3A_36] : memref<10240x128xf32, #tpu.memory_space<vmem_shared>> -> memref<128x128xf32, #tpu.memory_space<vmem_shared>>
        tpu.enqueue_dma source(%arg9 : memref<128x128xf32, #tpu.memory_space<vmem>>) target(%dma_start3A_37 : memref<128x128xf32, #tpu.memory_space<vmem_shared>>) target_semaphore(%run_scoped3A : memref<!tpu.dma_semaphore, #tpu.memory_space<semaphore_mem>>)
        %dma_wait3A = arith.constant 0 : i32
        %dma_wait3A_38 = tpu.memref_slice %arg10[%add3A_34, %dma_wait3A] : memref<10240x128xf32, #tpu.memory_space<vmem_shared>> -> memref<128x128xf32, #tpu.memory_space<vmem_shared>>
        %dma_wait3A_39 = arith.constant 0 : i32
        %dma_wait3A_40 = tpu.memref_slice %arg10[%add3A_34, %dma_wait3A_39] : memref<10240x128xf32, #tpu.memory_space<vmem_shared>> -> memref<128x128xf32, #tpu.memory_space<vmem_shared>>
        tpu.wait_dma2 semaphore(%run_scoped3A : memref<!tpu.dma_semaphore, #tpu.memory_space<semaphore_mem>>) src(%arg9 : memref<128x128xf32, #tpu.memory_space<vmem>>) dst(%dma_wait3A_40 : memref<128x128xf32, #tpu.memory_space<vmem_shared>>)
        tpu.yield
      }) : () -> ()
    }
    %scan3A_4 = arith.constant 5 : i32
    %eq3A = arith.constant 0 : i32
    %eq3A_5 = arith.cmpi eq, %arg0, %eq3A : i32
    %convert_element_type3A = arith.extui %eq3A_5 : i1 to i32
    %cond3A = arith.constant 0 : i32
    %cond3A_6 = arith.cmpi ne, %convert_element_type3A, %cond3A : i32
    scf.if %cond3A_6 {
      %mul3A_28 = arith.constant 56 : i32
      %mul3A_29 = arith.muli %arg1, %mul3A_28 : i32
      "tpu.region"() ({
        %run_scoped3A = tpu.sem_alloc : memref<!tpu.dma_semaphore, #tpu.memory_space<semaphore_mem>>
        %dma_start3A = arith.constant 0 : i32
        %dma_start3A_30 = arith.constant 0 : i32
        %dma_start3A_31 = tpu.memref_slice %arg7[%dma_start3A, %dma_start3A_30] : memref<104x128xi32, #tpu.memory_space<vmem>> -> memref<56x128xi32, #tpu.memory_space<vmem>>
        %dma_start3A_32 = arith.constant 0 : i32
        %dma_start3A_33 = tpu.memref_slice %arg3[%mul3A_29, %dma_start3A_32] : memref<2560x128xi32, #tpu.memory_space<hbm>> -> memref<56x128xi32, #tpu.memory_space<hbm>>
        %dma_start3A_34 = arith.constant 0 : i32
        %dma_start3A_35 = arith.constant 0 : i32
        %dma_start3A_36 = tpu.memref_slice %arg7[%dma_start3A_34, %dma_start3A_35] : memref<104x128xi32, #tpu.memory_space<vmem>> -> memref<56x128xi32, #tpu.memory_space<vmem>>
        %dma_start3A_37 = arith.constant 0 : i32
        %dma_start3A_38 = tpu.memref_slice %arg3[%mul3A_29, %dma_start3A_37] : memref<2560x128xi32, #tpu.memory_space<hbm>> -> memref<56x128xi32, #tpu.memory_space<hbm>>
        tpu.enqueue_dma source(%dma_start3A_38 : memref<56x128xi32, #tpu.memory_space<hbm>>) target(%dma_start3A_36 : memref<56x128xi32, #tpu.memory_space<vmem>>) target_semaphore(%run_scoped3A : memref<!tpu.dma_semaphore, #tpu.memory_space<semaphore_mem>>)
        %dma_wait3A = arith.constant 0 : i32
        %dma_wait3A_39 = arith.constant 0 : i32
        %dma_wait3A_40 = tpu.memref_slice %arg7[%dma_wait3A, %dma_wait3A_39] : memref<104x128xi32, #tpu.memory_space<vmem>> -> memref<56x128xi32, #tpu.memory_space<vmem>>
        %dma_wait3A_41 = arith.constant 0 : i32
        %dma_wait3A_42 = tpu.memref_slice %arg3[%mul3A_29, %dma_wait3A_41] : memref<2560x128xi32, #tpu.memory_space<hbm>> -> memref<56x128xi32, #tpu.memory_space<hbm>>
        %dma_wait3A_43 = arith.constant 0 : i32
        %dma_wait3A_44 = arith.constant 0 : i32
        %dma_wait3A_45 = tpu.memref_slice %arg7[%dma_wait3A_43, %dma_wait3A_44] : memref<104x128xi32, #tpu.memory_space<vmem>> -> memref<56x128xi32, #tpu.memory_space<vmem>>
        %dma_wait3A_46 = arith.constant 0 : i32
        %dma_wait3A_47 = tpu.memref_slice %arg3[%mul3A_29, %dma_wait3A_46] : memref<2560x128xi32, #tpu.memory_space<hbm>> -> memref<56x128xi32, #tpu.memory_space<hbm>>
        tpu.wait_dma2 semaphore(%run_scoped3A : memref<!tpu.dma_semaphore, #tpu.memory_space<semaphore_mem>>) src(%dma_wait3A_47 : memref<56x128xi32, #tpu.memory_space<hbm>>) dst(%dma_wait3A_45 : memref<56x128xi32, #tpu.memory_space<vmem>>)
        tpu.yield
      }) : () -> ()
      "tpu.region"() ({
        %run_scoped3A = tpu.sem_alloc : memref<!tpu.dma_semaphore, #tpu.memory_space<semaphore_mem>>
        %dma_start3A = arith.constant 0 : i32
        %dma_start3A_30 = arith.constant 0 : i32
        %dma_start3A_31 = tpu.memref_slice %arg8[%dma_start3A, %dma_start3A_30] : memref<104x128xi32, #tpu.memory_space<vmem>> -> memref<56x128xi32, #tpu.memory_space<vmem>>
        %dma_start3A_32 = arith.constant 0 : i32
        %dma_start3A_33 = tpu.memref_slice %arg4[%mul3A_29, %dma_start3A_32] : memref<2560x128xi32, #tpu.memory_space<hbm>> -> memref<56x128xi32, #tpu.memory_space<hbm>>
        %dma_start3A_34 = arith.constant 0 : i32
        %dma_start3A_35 = arith.constant 0 : i32
        %dma_start3A_36 = tpu.memref_slice %arg8[%dma_start3A_34, %dma_start3A_35] : memref<104x128xi32, #tpu.memory_space<vmem>> -> memref<56x128xi32, #tpu.memory_space<vmem>>
        %dma_start3A_37 = arith.constant 0 : i32
        %dma_start3A_38 = tpu.memref_slice %arg4[%mul3A_29, %dma_start3A_37] : memref<2560x128xi32, #tpu.memory_space<hbm>> -> memref<56x128xi32, #tpu.memory_space<hbm>>
        tpu.enqueue_dma source(%dma_start3A_38 : memref<56x128xi32, #tpu.memory_space<hbm>>) target(%dma_start3A_36 : memref<56x128xi32, #tpu.memory_space<vmem>>) target_semaphore(%run_scoped3A : memref<!tpu.dma_semaphore, #tpu.memory_space<semaphore_mem>>)
        %dma_wait3A = arith.constant 0 : i32
        %dma_wait3A_39 = arith.constant 0 : i32
        %dma_wait3A_40 = tpu.memref_slice %arg8[%dma_wait3A, %dma_wait3A_39] : memref<104x128xi32, #tpu.memory_space<vmem>> -> memref<56x128xi32, #tpu.memory_space<vmem>>
        %dma_wait3A_41 = arith.constant 0 : i32
        %dma_wait3A_42 = tpu.memref_slice %arg4[%mul3A_29, %dma_wait3A_41] : memref<2560x128xi32, #tpu.memory_space<hbm>> -> memref<56x128xi32, #tpu.memory_space<hbm>>
        %dma_wait3A_43 = arith.constant 0 : i32
        %dma_wait3A_44 = arith.constant 0 : i32
        %dma_wait3A_45 = tpu.memref_slice %arg8[%dma_wait3A_43, %dma_wait3A_44] : memref<104x128xi32, #tpu.memory_space<vmem>> -> memref<56x128xi32, #tpu.memory_space<vmem>>
        %dma_wait3A_46 = arith.constant 0 : i32
        %dma_wait3A_47 = tpu.memref_slice %arg4[%mul3A_29, %dma_wait3A_46] : memref<2560x128xi32, #tpu.memory_space<hbm>> -> memref<56x128xi32, #tpu.memory_space<hbm>>
        tpu.wait_dma2 semaphore(%run_scoped3A : memref<!tpu.dma_semaphore, #tpu.memory_space<semaphore_mem>>) src(%dma_wait3A_47 : memref<56x128xi32, #tpu.memory_space<hbm>>) dst(%dma_wait3A_45 : memref<56x128xi32, #tpu.memory_space<vmem>>)
        tpu.yield
      }) : () -> ()
    } else {
    }
    %eq3A_7 = arith.constant 1 : i32
    %eq3A_8 = arith.cmpi eq, %arg0, %eq3A_7 : i32
    %convert_element_type3A_9 = arith.extui %eq3A_8 : i1 to i32
    %cond3A_10 = arith.constant 0 : i32
    %cond3A_11 = arith.cmpi ne, %convert_element_type3A_9, %cond3A_10 : i32
    scf.if %cond3A_11 {
      %mul3A_28 = arith.constant 104 : i32
      %mul3A_29 = arith.muli %arg1, %mul3A_28 : i32
      %add3A = arith.constant 896 : i32
      %add3A_30 = arith.addi %add3A, %mul3A_29 : i32
      "tpu.region"() ({
        %run_scoped3A = tpu.sem_alloc : memref<!tpu.dma_semaphore, #tpu.memory_space<semaphore_mem>>
        %dma_start3A = arith.constant 0 : i32
        %dma_start3A_31 = arith.constant 0 : i32
        %dma_start3A_32 = tpu.memref_slice %arg7[%dma_start3A, %dma_start3A_31] : memref<104x128xi32, #tpu.memory_space<vmem>> -> memref<104x128xi32, #tpu.memory_space<vmem>>
        %dma_start3A_33 = arith.constant 0 : i32
        %dma_start3A_34 = tpu.memref_slice %arg3[%add3A_30, %dma_start3A_33] : memref<2560x128xi32, #tpu.memory_space<hbm>> -> memref<104x128xi32, #tpu.memory_space<hbm>>
        %dma_start3A_35 = arith.constant 0 : i32
        %dma_start3A_36 = arith.constant 0 : i32
        %dma_start3A_37 = tpu.memref_slice %arg7[%dma_start3A_35, %dma_start3A_36] : memref<104x128xi32, #tpu.memory_space<vmem>> -> memref<104x128xi32, #tpu.memory_space<vmem>>
        %dma_start3A_38 = arith.constant 0 : i32
        %dma_start3A_39 = tpu.memref_slice %arg3[%add3A_30, %dma_start3A_38] : memref<2560x128xi32, #tpu.memory_space<hbm>> -> memref<104x128xi32, #tpu.memory_space<hbm>>
        tpu.enqueue_dma source(%dma_start3A_39 : memref<104x128xi32, #tpu.memory_space<hbm>>) target(%dma_start3A_37 : memref<104x128xi32, #tpu.memory_space<vmem>>) target_semaphore(%run_scoped3A : memref<!tpu.dma_semaphore, #tpu.memory_space<semaphore_mem>>)
        %dma_wait3A = arith.constant 0 : i32
        %dma_wait3A_40 = arith.constant 0 : i32
        %dma_wait3A_41 = tpu.memref_slice %arg7[%dma_wait3A, %dma_wait3A_40] : memref<104x128xi32, #tpu.memory_space<vmem>> -> memref<104x128xi32, #tpu.memory_space<vmem>>
        %dma_wait3A_42 = arith.constant 0 : i32
        %dma_wait3A_43 = tpu.memref_slice %arg3[%add3A_30, %dma_wait3A_42] : memref<2560x128xi32, #tpu.memory_space<hbm>> -> memref<104x128xi32, #tpu.memory_space<hbm>>
        %dma_wait3A_44 = arith.constant 0 : i32
        %dma_wait3A_45 = arith.constant 0 : i32
        %dma_wait3A_46 = tpu.memref_slice %arg7[%dma_wait3A_44, %dma_wait3A_45] : memref<104x128xi32, #tpu.memory_space<vmem>> -> memref<104x128xi32, #tpu.memory_space<vmem>>
        %dma_wait3A_47 = arith.constant 0 : i32
        %dma_wait3A_48 = tpu.memref_slice %arg3[%add3A_30, %dma_wait3A_47] : memref<2560x128xi32, #tpu.memory_space<hbm>> -> memref<104x128xi32, #tpu.memory_space<hbm>>
        tpu.wait_dma2 semaphore(%run_scoped3A : memref<!tpu.dma_semaphore, #tpu.memory_space<semaphore_mem>>) src(%dma_wait3A_48 : memref<104x128xi32, #tpu.memory_space<hbm>>) dst(%dma_wait3A_46 : memref<104x128xi32, #tpu.memory_space<vmem>>)
        tpu.yield
      }) : () -> ()
      "tpu.region"() ({
        %run_scoped3A = tpu.sem_alloc : memref<!tpu.dma_semaphore, #tpu.memory_space<semaphore_mem>>
        %dma_start3A = arith.constant 0 : i32
        %dma_start3A_31 = arith.constant 0 : i32
        %dma_start3A_32 = tpu.memref_slice %arg8[%dma_start3A, %dma_start3A_31] : memref<104x128xi32, #tpu.memory_space<vmem>> -> memref<104x128xi32, #tpu.memory_space<vmem>>
        %dma_start3A_33 = arith.constant 0 : i32
        %dma_start3A_34 = tpu.memref_slice %arg4[%add3A_30, %dma_start3A_33] : memref<2560x128xi32, #tpu.memory_space<hbm>> -> memref<104x128xi32, #tpu.memory_space<hbm>>
        %dma_start3A_35 = arith.constant 0 : i32
        %dma_start3A_36 = arith.constant 0 : i32
        %dma_start3A_37 = tpu.memref_slice %arg8[%dma_start3A_35, %dma_start3A_36] : memref<104x128xi32, #tpu.memory_space<vmem>> -> memref<104x128xi32, #tpu.memory_space<vmem>>
        %dma_start3A_38 = arith.constant 0 : i32
        %dma_start3A_39 = tpu.memref_slice %arg4[%add3A_30, %dma_start3A_38] : memref<2560x128xi32, #tpu.memory_space<hbm>> -> memref<104x128xi32, #tpu.memory_space<hbm>>
        tpu.enqueue_dma source(%dma_start3A_39 : memref<104x128xi32, #tpu.memory_space<hbm>>) target(%dma_start3A_37 : memref<104x128xi32, #tpu.memory_space<vmem>>) target_semaphore(%run_scoped3A : memref<!tpu.dma_semaphore, #tpu.memory_space<semaphore_mem>>)
        %dma_wait3A = arith.constant 0 : i32
        %dma_wait3A_40 = arith.constant 0 : i32
        %dma_wait3A_41 = tpu.memref_slice %arg8[%dma_wait3A, %dma_wait3A_40] : memref<104x128xi32, #tpu.memory_space<vmem>> -> memref<104x128xi32, #tpu.memory_space<vmem>>
        %dma_wait3A_42 = arith.constant 0 : i32
        %dma_wait3A_43 = tpu.memref_slice %arg4[%add3A_30, %dma_wait3A_42] : memref<2560x128xi32, #tpu.memory_space<hbm>> -> memref<104x128xi32, #tpu.memory_space<hbm>>
        %dma_wait3A_44 = arith.constant 0 : i32
        %dma_wait3A_45 = arith.constant 0 : i32
        %dma_wait3A_46 = tpu.memref_slice %arg8[%dma_wait3A_44, %dma_wait3A_45] : memref<104x128xi32, #tpu.memory_space<vmem>> -> memref<104x128xi32, #tpu.memory_space<vmem>>
        %dma_wait3A_47 = arith.constant 0 : i32
        %dma_wait3A_48 = tpu.memref_slice %arg4[%add3A_30, %dma_wait3A_47] : memref<2560x128xi32, #tpu.memory_space<hbm>> -> memref<104x128xi32, #tpu.memory_space<hbm>>
        tpu.wait_dma2 semaphore(%run_scoped3A : memref<!tpu.dma_semaphore, #tpu.memory_space<semaphore_mem>>) src(%dma_wait3A_48 : memref<104x128xi32, #tpu.memory_space<hbm>>) dst(%dma_wait3A_46 : memref<104x128xi32, #tpu.memory_space<vmem>>)
        tpu.yield
      }) : () -> ()
    } else {
    }
    %barrier3A = arith.constant 0 : index
    tpu.barrier barrier_id(%barrier3A)
    %eq3A_12 = arith.constant 0 : i32
    %eq3A_13 = arith.cmpi eq, %arg0, %eq3A_12 : i32
    %convert_element_type3A_14 = arith.extui %eq3A_13 : i1 to i32
    %cond3A_15 = arith.constant 0 : i32
    %cond3A_16 = arith.cmpi ne, %convert_element_type3A_14, %cond3A_15 : i32
    scf.if %cond3A_16 {
      %scan3A_28 = arith.constant 0 : i32
      %scan3A_29 = arith.constant 56 : i32
      %scan3A_30 = arith.addi %scan3A_28, %scan3A_29 : i32
      %scan3A_31 = arith.constant 1 : i32
      scf.for %scan3A_33 = %scan3A_28 to %scan3A_30 step %scan3A_31  : i32 {
        %mul3A_34 = arith.constant 1 : i32
        %mul3A_35 = arith.muli %scan3A_33, %mul3A_34 : i32
        %add3A = arith.constant 0 : i32
        %add3A_36 = arith.addi %add3A, %mul3A_35 : i32
        "tpu.region"() ({
          %run_scoped3A = tpu.sem_alloc : memref<!tpu.dma_semaphore, #tpu.memory_space<semaphore_mem>>
          %dma_start3A = arith.constant 0 : i32
          %dma_start3A_37 = tpu.memref_slice %arg7[%add3A_36, %dma_start3A] : memref<104x128xi32, #tpu.memory_space<vmem>> -> memref<1x128xi32, #tpu.memory_space<vmem>>
          %dma_start3A_38 = tpu.memref_squeeze %dma_start3A_37 : memref<1x128xi32, #tpu.memory_space<vmem>> -> memref<128xi32, #tpu.memory_space<vmem>>
          %dma_start3A_39 = arith.constant 0 : i32
          %dma_start3A_40 = arith.constant 0 : i32
          %dma_start3A_41 = tpu.memref_slice %arg2[%dma_start3A_39, %dma_start3A_40] : memref<10240x128xf32, #tpu.memory_space<hbm>> -> memref<10240x128xf32, #tpu.memory_space<hbm>>
          tpu.enqueue_indirect_dma source(%dma_start3A_41 : memref<10240x128xf32, #tpu.memory_space<hbm>>) target(%arg9 : memref<128x128xf32, #tpu.memory_space<vmem>>) offsets(%dma_start3A_38 : memref<128xi32, #tpu.memory_space<vmem>>) semaphore(%run_scoped3A : memref<!tpu.dma_semaphore, #tpu.memory_space<semaphore_mem>>)
          %dma_wait3A = arith.constant 0 : i32
          %dma_wait3A_42 = tpu.memref_slice %arg7[%add3A_36, %dma_wait3A] : memref<104x128xi32, #tpu.memory_space<vmem>> -> memref<1x128xi32, #tpu.memory_space<vmem>>
          %dma_wait3A_43 = tpu.memref_squeeze %dma_wait3A_42 : memref<1x128xi32, #tpu.memory_space<vmem>> -> memref<128xi32, #tpu.memory_space<vmem>>
          %dma_wait3A_44 = arith.constant 0 : i32
          %dma_wait3A_45 = arith.constant 0 : i32
          %dma_wait3A_46 = tpu.memref_slice %arg2[%dma_wait3A_44, %dma_wait3A_45] : memref<10240x128xf32, #tpu.memory_space<hbm>> -> memref<10240x128xf32, #tpu.memory_space<hbm>>
          tpu.wait_indirect_dma semaphore(%run_scoped3A : memref<!tpu.dma_semaphore, #tpu.memory_space<semaphore_mem>>) src(%dma_wait3A_46 : memref<10240x128xf32, #tpu.memory_space<hbm>>) dst(%arg9 : memref<128x128xf32, #tpu.memory_space<vmem>>)
          tpu.yield
        }) : () -> ()
        "tpu.region"() ({
          %run_scoped3A = tpu.sem_alloc : memref<!tpu.dma_semaphore, #tpu.memory_space<semaphore_mem>>
          %dma_start3A = arith.constant 0 : i32
          %dma_start3A_37 = tpu.memref_slice %arg8[%add3A_36, %dma_start3A] : memref<104x128xi32, #tpu.memory_space<vmem>> -> memref<1x128xi32, #tpu.memory_space<vmem>>
          %dma_start3A_38 = tpu.memref_squeeze %dma_start3A_37 : memref<1x128xi32, #tpu.memory_space<vmem>> -> memref<128xi32, #tpu.memory_space<vmem>>
          %dma_start3A_39 = arith.constant 0 : i32
          %dma_start3A_40 = arith.constant 0 : i32
          %dma_start3A_41 = tpu.memref_slice %arg10[%dma_start3A_39, %dma_start3A_40] : memref<10240x128xf32, #tpu.memory_space<vmem_shared>> -> memref<10240x128xf32, #tpu.memory_space<vmem_shared>>
          tpu.enqueue_indirect_dma source(%arg9 : memref<128x128xf32, #tpu.memory_space<vmem>>) target(%dma_start3A_41 : memref<10240x128xf32, #tpu.memory_space<vmem_shared>>) offsets(%dma_start3A_38 : memref<128xi32, #tpu.memory_space<vmem>>) semaphore(%run_scoped3A : memref<!tpu.dma_semaphore, #tpu.memory_space<semaphore_mem>>) {add = true}
          %dma_wait3A = arith.constant 0 : i32
          %dma_wait3A_42 = tpu.memref_slice %arg8[%add3A_36, %dma_wait3A] : memref<104x128xi32, #tpu.memory_space<vmem>> -> memref<1x128xi32, #tpu.memory_space<vmem>>
          %dma_wait3A_43 = tpu.memref_squeeze %dma_wait3A_42 : memref<1x128xi32, #tpu.memory_space<vmem>> -> memref<128xi32, #tpu.memory_space<vmem>>
          %dma_wait3A_44 = arith.constant 0 : i32
          %dma_wait3A_45 = arith.constant 0 : i32
          %dma_wait3A_46 = tpu.memref_slice %arg10[%dma_wait3A_44, %dma_wait3A_45] : memref<10240x128xf32, #tpu.memory_space<vmem_shared>> -> memref<10240x128xf32, #tpu.memory_space<vmem_shared>>
          tpu.wait_indirect_dma semaphore(%run_scoped3A : memref<!tpu.dma_semaphore, #tpu.memory_space<semaphore_mem>>) src(%arg9 : memref<128x128xf32, #tpu.memory_space<vmem>>) dst(%dma_wait3A_46 : memref<10240x128xf32, #tpu.memory_space<vmem_shared>>)
          tpu.yield
        }) : () -> ()
      }
      %scan3A_32 = arith.constant 56 : i32
    } else {
    }
    %eq3A_17 = arith.constant 1 : i32
    %eq3A_18 = arith.cmpi eq, %arg0, %eq3A_17 : i32
    %convert_element_type3A_19 = arith.extui %eq3A_18 : i1 to i32
    %cond3A_20 = arith.constant 0 : i32
    %cond3A_21 = arith.cmpi ne, %convert_element_type3A_19, %cond3A_20 : i32
    scf.if %cond3A_21 {
      %scan3A_28 = arith.constant 0 : i32
      %scan3A_29 = arith.constant 104 : i32
      %scan3A_30 = arith.addi %scan3A_28, %scan3A_29 : i32
      %scan3A_31 = arith.constant 1 : i32
      scf.for %scan3A_33 = %scan3A_28 to %scan3A_30 step %scan3A_31  : i32 {
        %mul3A_34 = arith.constant 1 : i32
        %mul3A_35 = arith.muli %scan3A_33, %mul3A_34 : i32
        %add3A = arith.constant 0 : i32
        %add3A_36 = arith.addi %add3A, %mul3A_35 : i32
        "tpu.region"() ({
          %run_scoped3A = tpu.sem_alloc : memref<!tpu.dma_semaphore, #tpu.memory_space<semaphore_mem>>
          %dma_start3A = arith.constant 0 : i32
          %dma_start3A_37 = tpu.memref_slice %arg7[%add3A_36, %dma_start3A] : memref<104x128xi32, #tpu.memory_space<vmem>> -> memref<1x128xi32, #tpu.memory_space<vmem>>
          %dma_start3A_38 = tpu.memref_squeeze %dma_start3A_37 : memref<1x128xi32, #tpu.memory_space<vmem>> -> memref<128xi32, #tpu.memory_space<vmem>>
          %dma_start3A_39 = arith.constant 0 : i32
          %dma_start3A_40 = arith.constant 0 : i32
          %dma_start3A_41 = tpu.memref_slice %arg2[%dma_start3A_39, %dma_start3A_40] : memref<10240x128xf32, #tpu.memory_space<hbm>> -> memref<10240x128xf32, #tpu.memory_space<hbm>>
          tpu.enqueue_indirect_dma source(%dma_start3A_41 : memref<10240x128xf32, #tpu.memory_space<hbm>>) target(%arg9 : memref<128x128xf32, #tpu.memory_space<vmem>>) offsets(%dma_start3A_38 : memref<128xi32, #tpu.memory_space<vmem>>) semaphore(%run_scoped3A : memref<!tpu.dma_semaphore, #tpu.memory_space<semaphore_mem>>)
          %dma_wait3A = arith.constant 0 : i32
          %dma_wait3A_42 = tpu.memref_slice %arg7[%add3A_36, %dma_wait3A] : memref<104x128xi32, #tpu.memory_space<vmem>> -> memref<1x128xi32, #tpu.memory_space<vmem>>
          %dma_wait3A_43 = tpu.memref_squeeze %dma_wait3A_42 : memref<1x128xi32, #tpu.memory_space<vmem>> -> memref<128xi32, #tpu.memory_space<vmem>>
          %dma_wait3A_44 = arith.constant 0 : i32
          %dma_wait3A_45 = arith.constant 0 : i32
          %dma_wait3A_46 = tpu.memref_slice %arg2[%dma_wait3A_44, %dma_wait3A_45] : memref<10240x128xf32, #tpu.memory_space<hbm>> -> memref<10240x128xf32, #tpu.memory_space<hbm>>
          tpu.wait_indirect_dma semaphore(%run_scoped3A : memref<!tpu.dma_semaphore, #tpu.memory_space<semaphore_mem>>) src(%dma_wait3A_46 : memref<10240x128xf32, #tpu.memory_space<hbm>>) dst(%arg9 : memref<128x128xf32, #tpu.memory_space<vmem>>)
          tpu.yield
        }) : () -> ()
        "tpu.region"() ({
          %run_scoped3A = tpu.sem_alloc : memref<!tpu.dma_semaphore, #tpu.memory_space<semaphore_mem>>
          %dma_start3A = arith.constant 0 : i32
          %dma_start3A_37 = tpu.memref_slice %arg8[%add3A_36, %dma_start3A] : memref<104x128xi32, #tpu.memory_space<vmem>> -> memref<1x128xi32, #tpu.memory_space<vmem>>
          %dma_start3A_38 = tpu.memref_squeeze %dma_start3A_37 : memref<1x128xi32, #tpu.memory_space<vmem>> -> memref<128xi32, #tpu.memory_space<vmem>>
          %dma_start3A_39 = arith.constant 0 : i32
          %dma_start3A_40 = arith.constant 0 : i32
          %dma_start3A_41 = tpu.memref_slice %arg10[%dma_start3A_39, %dma_start3A_40] : memref<10240x128xf32, #tpu.memory_space<vmem_shared>> -> memref<10240x128xf32, #tpu.memory_space<vmem_shared>>
          tpu.enqueue_indirect_dma source(%arg9 : memref<128x128xf32, #tpu.memory_space<vmem>>) target(%dma_start3A_41 : memref<10240x128xf32, #tpu.memory_space<vmem_shared>>) offsets(%dma_start3A_38 : memref<128xi32, #tpu.memory_space<vmem>>) semaphore(%run_scoped3A : memref<!tpu.dma_semaphore, #tpu.memory_space<semaphore_mem>>) {add = true}
          %dma_wait3A = arith.constant 0 : i32
          %dma_wait3A_42 = tpu.memref_slice %arg8[%add3A_36, %dma_wait3A] : memref<104x128xi32, #tpu.memory_space<vmem>> -> memref<1x128xi32, #tpu.memory_space<vmem>>
          %dma_wait3A_43 = tpu.memref_squeeze %dma_wait3A_42 : memref<1x128xi32, #tpu.memory_space<vmem>> -> memref<128xi32, #tpu.memory_space<vmem>>
          %dma_wait3A_44 = arith.constant 0 : i32
          %dma_wait3A_45 = arith.constant 0 : i32
          %dma_wait3A_46 = tpu.memref_slice %arg10[%dma_wait3A_44, %dma_wait3A_45] : memref<10240x128xf32, #tpu.memory_space<vmem_shared>> -> memref<10240x128xf32, #tpu.memory_space<vmem_shared>>
          tpu.wait_indirect_dma semaphore(%run_scoped3A : memref<!tpu.dma_semaphore, #tpu.memory_space<semaphore_mem>>) src(%arg9 : memref<128x128xf32, #tpu.memory_space<vmem>>) dst(%dma_wait3A_46 : memref<10240x128xf32, #tpu.memory_space<vmem_shared>>)
          tpu.yield
        }) : () -> ()
      }
      %scan3A_32 = arith.constant 104 : i32
    } else {
    }
    %barrier3A_22 = arith.constant 0 : index
    tpu.barrier barrier_id(%barrier3A_22)
    %scan3A_23 = arith.constant 0 : i32
    %scan3A_24 = arith.constant 5 : i32
    %scan3A_25 = arith.addi %scan3A_23, %scan3A_24 : i32
    %scan3A_26 = arith.constant 1 : i32
    scf.for %scan3A_28 = %scan3A_23 to %scan3A_25 step %scan3A_26  : i32 {
      %mul3A_29 = arith.constant 1 : i32
      %mul3A_30 = arith.muli %scan3A_28, %mul3A_29 : i32
      %add3A = arith.constant 0 : i32
      %add3A_31 = arith.addi %add3A, %mul3A_30 : i32
      %mul3A_32 = arith.constant 128 : i32
      %mul3A_33 = arith.muli %add3A_31, %mul3A_32 : i32
      %add3A_34 = arith.addi %mul3A_0, %mul3A_33 : i32
      %mul3A_35 = arith.constant 128 : i32
      %mul3A_36 = arith.muli %add3A_31, %mul3A_35 : i32
      %add3A_37 = arith.addi %mul3A_0, %mul3A_36 : i32
      "tpu.region"() ({
        %run_scoped3A = tpu.sem_alloc : memref<!tpu.dma_semaphore, #tpu.memory_space<semaphore_mem>>
        %dma_start3A = arith.constant 0 : i32
        %dma_start3A_38 = arith.constant 0 : i32
        %dma_start3A_39 = tpu.memref_slice %arg6[%arg0, %dma_start3A, %dma_start3A_38] : memref<2x10240x128xf32, #tpu.memory_space<hbm>> -> memref<1x10240x128xf32, #tpu.memory_space<hbm>>
        %dma_start3A_40 = tpu.memref_squeeze %dma_start3A_39 : memref<1x10240x128xf32, #tpu.memory_space<hbm>> -> memref<10240x128xf32, #tpu.memory_space<hbm>>
        %dma_start3A_41 = arith.constant 0 : i32
        %dma_start3A_42 = tpu.memref_slice %dma_start3A_40[%add3A_37, %dma_start3A_41] : memref<10240x128xf32, #tpu.memory_space<hbm>> -> memref<128x128xf32, #tpu.memory_space<hbm>>
        %dma_start3A_43 = arith.constant 0 : i32
        %dma_start3A_44 = tpu.memref_slice %arg10[%add3A_34, %dma_start3A_43] : memref<10240x128xf32, #tpu.memory_space<vmem_shared>> -> memref<128x128xf32, #tpu.memory_space<vmem_shared>>
        tpu.enqueue_dma source(%dma_start3A_44 : memref<128x128xf32, #tpu.memory_space<vmem_shared>>) target(%dma_start3A_42 : memref<128x128xf32, #tpu.memory_space<hbm>>) target_semaphore(%run_scoped3A : memref<!tpu.dma_semaphore, #tpu.memory_space<semaphore_mem>>)
        %dma_wait3A = arith.constant 0 : i32
        %dma_wait3A_45 = arith.constant 0 : i32
        %dma_wait3A_46 = tpu.memref_slice %arg6[%arg0, %dma_wait3A, %dma_wait3A_45] : memref<2x10240x128xf32, #tpu.memory_space<hbm>> -> memref<1x10240x128xf32, #tpu.memory_space<hbm>>
        %dma_wait3A_47 = tpu.memref_squeeze %dma_wait3A_46 : memref<1x10240x128xf32, #tpu.memory_space<hbm>> -> memref<10240x128xf32, #tpu.memory_space<hbm>>
        %dma_wait3A_48 = arith.constant 0 : i32
        %dma_wait3A_49 = tpu.memref_slice %dma_wait3A_47[%add3A_37, %dma_wait3A_48] : memref<10240x128xf32, #tpu.memory_space<hbm>> -> memref<128x128xf32, #tpu.memory_space<hbm>>
        %dma_wait3A_50 = arith.constant 0 : i32
        %dma_wait3A_51 = tpu.memref_slice %arg10[%add3A_34, %dma_wait3A_50] : memref<10240x128xf32, #tpu.memory_space<vmem_shared>> -> memref<128x128xf32, #tpu.memory_space<vmem_shared>>
        tpu.wait_dma2 semaphore(%run_scoped3A : memref<!tpu.dma_semaphore, #tpu.memory_space<semaphore_mem>>) src(%dma_wait3A_51 : memref<128x128xf32, #tpu.memory_space<vmem_shared>>) dst(%dma_wait3A_49 : memref<128x128xf32, #tpu.memory_space<hbm>>)
        tpu.yield
      }) : () -> ()
    }
    %scan3A_27 = arith.constant 5 : i32
    return
  }
}

module attributes {stable_mosaic.version = 14 : i64} {
  func.func @_proj_body(%arg0: i32, %arg1: memref<1024x128xf32, #tpu.memory_space<vmem>>, %arg2: memref<128x128xf32, #tpu.memory_space<vmem>>, %arg3: memref<1x128xf32, #tpu.memory_space<vmem>>, %arg4: memref<2x1024x128xf32, #tpu.memory_space<vmem>>, %arg5: memref<1024x128xf32, #tpu.memory_space<vmem>>, %arg6: memref<1024x128xf32, #tpu.memory_space<vmem>>) attributes {dimension_semantics = [#tpu.dimension_semantics<arbitrary>], iteration_bounds = array<i64: 10>, scalar_prefetch = 0 : i64, scratch_operands = 0 : i64, tpu.core_type = #tpu.core_type<tc>, window_params = [{transform_indices = @transform_0, window_bounds = array<i64: 1024, 128>}, {pipeline_mode = #tpu.pipeline_mode<synchronous>, transform_indices = @transform_1, window_bounds = array<i64: 128, 128>}, {pipeline_mode = #tpu.pipeline_mode<synchronous>, transform_indices = @transform_2, window_bounds = array<i64: 1, 128>}, {transform_indices = @transform_3, window_bounds = array<i64: 2, 1024, 128>}, {transform_indices = @transform_4, window_bounds = array<i64: 1024, 128>}, {transform_indices = @transform_5, window_bounds = array<i64: 1024, 128>}]} {
    %get3A = arith.constant 0 : index
    %get3A_0 = arith.constant 0 : index
    %get3A_1 = vector.load %arg1[%get3A, %get3A_0] : memref<1024x128xf32, #tpu.memory_space<vmem>>, vector<1024x128xf32>
    %get3A_2 = arith.constant 0 : index
    %get3A_3 = arith.constant 0 : index
    %get3A_4 = vector.load %arg2[%get3A_2, %get3A_3] : memref<128x128xf32, #tpu.memory_space<vmem>>, vector<128x128xf32>
    %dot_general3A = arith.constant dense<0.000000e+00> : vector<1024x128xf32>
    %dot_general3A_5 = tpu.matmul %get3A_1, %get3A_4, %dot_general3A {dimension_numbers = #tpu.dot_dimension_numbers<[1], [0], [0], [1], [0, 0, 1, 1], [], []>, precision = #tpu.contract_precision<fp32>, transpose_lhs_hint = false} : vector<1024x128xf32>, vector<128x128xf32>, vector<1024x128xf32> -> vector<1024x128xf32>
    %get3A_6 = arith.constant 0 : index
    %get3A_7 = arith.constant 0 : index
    %get3A_8 = vector.load %arg3[%get3A_6, %get3A_7] : memref<1x128xf32, #tpu.memory_space<vmem>>, vector<1x128xf32>
    %add3A = vector.broadcast %get3A_8 : vector<1x128xf32> to vector<1024x128xf32>
    %add3A_9 = arith.addf %dot_general3A_5, %add3A : vector<1024x128xf32>
    %get3A_10 = arith.constant 0 : index
    %get3A_11 = arith.constant 0 : index
    %get3A_12 = arith.constant 0 : index
    %get3A_13 = vector.load %arg4[%get3A_10, %get3A_11, %get3A_12] : memref<2x1024x128xf32, #tpu.memory_space<vmem>>, vector<1x1024x1xf32>
    %get3A_14 = vector.shape_cast %get3A_13 : vector<1x1024x1xf32> to vector<1024x1xf32>
    %get3A_15 = arith.constant 1 : index
    %get3A_16 = arith.constant 0 : index
    %get3A_17 = arith.constant 0 : index
    %get3A_18 = vector.load %arg4[%get3A_15, %get3A_16, %get3A_17] : memref<2x1024x128xf32, #tpu.memory_space<vmem>>, vector<1x1024x1xf32>
    %get3A_19 = vector.shape_cast %get3A_18 : vector<1x1024x1xf32> to vector<1024x1xf32>
    %add3A_20 = arith.addf %get3A_14, %get3A_19 : vector<1024x1xf32>
    %add3A_21 = arith.constant 1.000000e+00 : f32
    %add3A_22 = vector.broadcast %add3A_21 : f32 to vector<1024x1xf32>
    %add3A_23 = arith.addf %add3A_20, %add3A_22 : vector<1024x1xf32>
    %rsqrt3A = math.rsqrt %add3A_23 : vector<1024x1xf32>
    %swap3A = arith.constant 0 : index
    %swap3A_24 = arith.constant 0 : index
    %swap3A_25 = vector.load %arg5[%swap3A, %swap3A_24] : memref<1024x128xf32, #tpu.memory_space<vmem>>, vector<1024x128xf32>
    tpu.vector_store %arg5[%swap3A, %swap3A_24], %add3A_9 {strides = array<i32>} : memref<1024x128xf32, #tpu.memory_space<vmem>>, vector<1024x128xf32>,
    %mul3A = vector.broadcast %rsqrt3A : vector<1024x1xf32> to vector<1024x128xf32>
    %mul3A_26 = arith.mulf %mul3A, %add3A_9 : vector<1024x128xf32>
    %swap3A_27 = arith.constant 0 : index
    %swap3A_28 = arith.constant 0 : index
    %swap3A_29 = vector.load %arg6[%swap3A_27, %swap3A_28] : memref<1024x128xf32, #tpu.memory_space<vmem>>, vector<1024x128xf32>
    tpu.vector_store %arg6[%swap3A_27, %swap3A_28], %mul3A_26 {strides = array<i32>} : memref<1024x128xf32, #tpu.memory_space<vmem>>, vector<1024x128xf32>,
    return
  }
  func.func @transform_0(%arg0: i32) -> (i32, i32) {
    %c0_i32 = arith.constant 0 : i32
    %c0_i32_0 = arith.constant 0 : i32
    return %arg0, %c0_i32 : i32, i32
  }
  func.func @transform_1(%arg0: i32) -> (i32, i32) {
    %c0_i32 = arith.constant 0 : i32
    %c0_i32_0 = arith.constant 0 : i32
    %c0_i32_1 = arith.constant 0 : i32
    return %c0_i32, %c0_i32_0 : i32, i32
  }
  func.func @transform_2(%arg0: i32) -> (i32, i32) {
    %c0_i32 = arith.constant 0 : i32
    %c0_i32_0 = arith.constant 0 : i32
    %c0_i32_1 = arith.constant 0 : i32
    return %c0_i32, %c0_i32_0 : i32, i32
  }
  func.func @transform_3(%arg0: i32) -> (i32, i32, i32) {
    %c0_i32 = arith.constant 0 : i32
    %c0_i32_0 = arith.constant 0 : i32
    %c0_i32_1 = arith.constant 0 : i32
    return %c0_i32, %arg0, %c0_i32_0 : i32, i32, i32
  }
  func.func @transform_4(%arg0: i32) -> (i32, i32) {
    %c0_i32 = arith.constant 0 : i32
    %c0_i32_0 = arith.constant 0 : i32
    return %arg0, %c0_i32 : i32, i32
  }
  func.func @transform_5(%arg0: i32) -> (i32, i32) {
    %c0_i32 = arith.constant 0 : i32
    %c0_i32_0 = arith.constant 0 : i32
    return %arg0, %c0_i32 : i32, i32
  }
}

module attributes {stable_mosaic.version = 14 : i64} {
  func.func @body(%arg0: i32, %arg1: memref<2x1024x128xf32, #tpu.memory_space<vmem>>, %arg2: memref<1024x128xf32, #tpu.memory_space<vmem>>, %arg3: memref<1024x128xf32, #tpu.memory_space<vmem>>, %arg4: memref<2x1024x128xf32, #tpu.memory_space<vmem>>, %arg5: memref<128x128xf32, #tpu.memory_space<vmem>>, %arg6: memref<1024x128xf32, #tpu.memory_space<vmem>>, %arg7: memref<1024x128xf32, #tpu.memory_space<vmem>>) attributes {dimension_semantics = [#tpu.dimension_semantics<arbitrary>], iteration_bounds = array<i64: 10>, scalar_prefetch = 0 : i64, scratch_operands = 0 : i64, tpu.core_type = #tpu.core_type<tc>, window_params = [{transform_indices = @transform_0, window_bounds = array<i64: 2, 1024, 128>}, {transform_indices = @transform_1, window_bounds = array<i64: 1024, 128>}, {transform_indices = @transform_2, window_bounds = array<i64: 1024, 128>}, {transform_indices = @transform_3, window_bounds = array<i64: 2, 1024, 128>}, {pipeline_mode = #tpu.pipeline_mode<synchronous>, transform_indices = @transform_4, window_bounds = array<i64: 128, 128>}, {transform_indices = @transform_5, window_bounds = array<i64: 1024, 128>}, {transform_indices = @transform_6, window_bounds = array<i64: 1024, 128>}]} {
    %get3A = arith.constant 0 : index
    %get3A_0 = arith.constant 0 : index
    %get3A_1 = arith.constant 0 : index
    %get3A_2 = vector.load %arg4[%get3A, %get3A_0, %get3A_1] : memref<2x1024x128xf32, #tpu.memory_space<vmem>>, vector<1x1024x1xf32>
    %get3A_3 = vector.shape_cast %get3A_2 : vector<1x1024x1xf32> to vector<1024x1xf32>
    %get3A_4 = arith.constant 1 : index
    %get3A_5 = arith.constant 0 : index
    %get3A_6 = arith.constant 0 : index
    %get3A_7 = vector.load %arg4[%get3A_4, %get3A_5, %get3A_6] : memref<2x1024x128xf32, #tpu.memory_space<vmem>>, vector<1x1024x1xf32>
    %get3A_8 = vector.shape_cast %get3A_7 : vector<1x1024x1xf32> to vector<1024x1xf32>
    %add3A = arith.addf %get3A_3, %get3A_8 : vector<1024x1xf32>
    %add3A_9 = arith.constant 1.000000e+00 : f32
    %add3A_10 = vector.broadcast %add3A_9 : f32 to vector<1024x1xf32>
    %add3A_11 = arith.addf %add3A, %add3A_10 : vector<1024x1xf32>
    %rsqrt3A = math.rsqrt %add3A_11 : vector<1024x1xf32>
    %div3A = arith.constant 1.000000e+00 : f32
    %div3A_12 = vector.broadcast %div3A : f32 to vector<1024x1xf32>
    %div3A_13 = arith.divf %div3A_12, %add3A_11 : vector<1024x1xf32>
    %get3A_14 = arith.constant 0 : index
    %get3A_15 = arith.constant 0 : index
    %get3A_16 = vector.load %arg2[%get3A_14, %get3A_15] : memref<1024x128xf32, #tpu.memory_space<vmem>>, vector<1024x128xf32>
    %get3A_17 = arith.constant 0 : index
    %get3A_18 = arith.constant 0 : index
    %get3A_19 = arith.constant 0 : index
    %get3A_20 = vector.load %arg1[%get3A_17, %get3A_18, %get3A_19] : memref<2x1024x128xf32, #tpu.memory_space<vmem>>, vector<1x1024x128xf32>
    %get3A_21 = vector.shape_cast %get3A_20 : vector<1x1024x128xf32> to vector<1024x128xf32>
    %get3A_22 = arith.constant 1 : index
    %get3A_23 = arith.constant 0 : index
    %get3A_24 = arith.constant 0 : index
    %get3A_25 = vector.load %arg1[%get3A_22, %get3A_23, %get3A_24] : memref<2x1024x128xf32, #tpu.memory_space<vmem>>, vector<1x1024x128xf32>
    %get3A_26 = vector.shape_cast %get3A_25 : vector<1x1024x128xf32> to vector<1024x128xf32>
    %add3A_27 = arith.addf %get3A_21, %get3A_26 : vector<1024x128xf32>
    %mul3A = vector.broadcast %rsqrt3A : vector<1024x1xf32> to vector<1024x128xf32>
    %mul3A_28 = arith.mulf %mul3A, %add3A_27 : vector<1024x128xf32>
    %mul3A_29 = vector.broadcast %div3A_13 : vector<1024x1xf32> to vector<1024x128xf32>
    %mul3A_30 = arith.mulf %mul3A_29, %get3A_16 : vector<1024x128xf32>
    %add3A_31 = arith.addf %mul3A_28, %mul3A_30 : vector<1024x128xf32>
    %mul3A_32 = arith.constant 0.899999976 : f32
    %mul3A_33 = vector.broadcast %mul3A_32 : f32 to vector<1024x128xf32>
    %mul3A_34 = arith.mulf %mul3A_33, %add3A_31 : vector<1024x128xf32>
    %get3A_35 = arith.constant 0 : index
    %get3A_36 = arith.constant 0 : index
    %get3A_37 = vector.load %arg3[%get3A_35, %get3A_36] : memref<1024x128xf32, #tpu.memory_space<vmem>>, vector<1024x128xf32>
    %mul3A_38 = arith.constant 1.000000e-01 : f32
    %mul3A_39 = vector.broadcast %mul3A_38 : f32 to vector<1024x128xf32>
    %mul3A_40 = arith.mulf %mul3A_39, %get3A_37 : vector<1024x128xf32>
    %add3A_41 = arith.addf %mul3A_34, %mul3A_40 : vector<1024x128xf32>
    %mul3A_42 = arith.constant 0.594534874 : f32
    %mul3A_43 = vector.broadcast %mul3A_42 : f32 to vector<1024x128xf32>
    %mul3A_44 = arith.mulf %mul3A_43, %add3A_41 : vector<1024x128xf32>
    %get3A_45 = arith.constant 0 : index
    %get3A_46 = arith.constant 0 : index
    %get3A_47 = vector.load %arg5[%get3A_45, %get3A_46] : memref<128x128xf32, #tpu.memory_space<vmem>>, vector<128x128xf32>
    %dot_general3A = arith.constant dense<0.000000e+00> : vector<1024x128xf32>
    %dot_general3A_48 = tpu.matmul %add3A_41, %get3A_47, %dot_general3A {dimension_numbers = #tpu.dot_dimension_numbers<[1], [0], [0], [1], [0, 0, 1, 1], [], []>, precision = #tpu.contract_precision<fp32>, transpose_lhs_hint = false} : vector<1024x128xf32>, vector<128x128xf32>, vector<1024x128xf32> -> vector<1024x128xf32>
    %mul3A_49 = arith.constant 0.405465096 : f32
    %mul3A_50 = vector.broadcast %mul3A_49 : f32 to vector<1024x128xf32>
    %mul3A_51 = arith.mulf %mul3A_50, %dot_general3A_48 : vector<1024x128xf32>
    %add3A_52 = arith.addf %mul3A_44, %mul3A_51 : vector<1024x128xf32>
    %add3A_53 = arith.addf %add3A_52, %get3A_16 : vector<1024x128xf32>
    %max3A = arith.constant 0.000000e+00 : f32
    %max3A_54 = vector.broadcast %max3A : f32 to vector<1024x128xf32>
    %max3A_55 = arith.maximumf %add3A_53, %max3A_54 : vector<1024x128xf32>
    %swap3A = arith.constant 0 : index
    %swap3A_56 = arith.constant 0 : index
    %swap3A_57 = vector.load %arg6[%swap3A, %swap3A_56] : memref<1024x128xf32, #tpu.memory_space<vmem>>, vector<1024x128xf32>
    tpu.vector_store %arg6[%swap3A, %swap3A_56], %max3A_55 {strides = array<i32>} : memref<1024x128xf32, #tpu.memory_space<vmem>>, vector<1024x128xf32>,
    %mul3A_58 = vector.broadcast %rsqrt3A : vector<1024x1xf32> to vector<1024x128xf32>
    %mul3A_59 = arith.mulf %mul3A_58, %max3A_55 : vector<1024x128xf32>
    %swap3A_60 = arith.constant 0 : index
    %swap3A_61 = arith.constant 0 : index
    %swap3A_62 = vector.load %arg7[%swap3A_60, %swap3A_61] : memref<1024x128xf32, #tpu.memory_space<vmem>>, vector<1024x128xf32>
    tpu.vector_store %arg7[%swap3A_60, %swap3A_61], %mul3A_59 {strides = array<i32>} : memref<1024x128xf32, #tpu.memory_space<vmem>>, vector<1024x128xf32>,
    return
  }
  func.func @transform_0(%arg0: i32) -> (i32, i32, i32) {
    %c0_i32 = arith.constant 0 : i32
    %c0_i32_0 = arith.constant 0 : i32
    %c0_i32_1 = arith.constant 0 : i32
    return %c0_i32, %arg0, %c0_i32_0 : i32, i32, i32
  }
  func.func @transform_1(%arg0: i32) -> (i32, i32) {
    %c0_i32 = arith.constant 0 : i32
    %c0_i32_0 = arith.constant 0 : i32
    return %arg0, %c0_i32 : i32, i32
  }
  func.func @transform_2(%arg0: i32) -> (i32, i32) {
    %c0_i32 = arith.constant 0 : i32
    %c0_i32_0 = arith.constant 0 : i32
    return %arg0, %c0_i32 : i32, i32
  }
  func.func @transform_3(%arg0: i32) -> (i32, i32, i32) {
    %c0_i32 = arith.constant 0 : i32
    %c0_i32_0 = arith.constant 0 : i32
    %c0_i32_1 = arith.constant 0 : i32
    return %c0_i32, %arg0, %c0_i32_0 : i32, i32, i32
  }
  func.func @transform_4(%arg0: i32) -> (i32, i32) {
    %c0_i32 = arith.constant 0 : i32
    %c0_i32_0 = arith.constant 0 : i32
    %c0_i32_1 = arith.constant 0 : i32
    return %c0_i32, %c0_i32_0 : i32, i32
  }
  func.func @transform_5(%arg0: i32) -> (i32, i32) {
    %c0_i32 = arith.constant 0 : i32
    %c0_i32_0 = arith.constant 0 : i32
    return %arg0, %c0_i32 : i32, i32
  }
  func.func @transform_6(%arg0: i32) -> (i32, i32) {
    %c0_i32 = arith.constant 0 : i32
    %c0_i32_0 = arith.constant 0 : i32
    return %arg0, %c0_i32 : i32, i32
  }
}

module attributes {stable_mosaic.version = 14 : i64} {
  func.func @body(%arg0: i32, %arg1: memref<2x1024x128xf32, #tpu.memory_space<vmem>>, %arg2: memref<1024x128xf32, #tpu.memory_space<vmem>>, %arg3: memref<1024x128xf32, #tpu.memory_space<vmem>>, %arg4: memref<2x1024x128xf32, #tpu.memory_space<vmem>>, %arg5: memref<128x128xf32, #tpu.memory_space<vmem>>, %arg6: memref<1024x128xf32, #tpu.memory_space<vmem>>, %arg7: memref<1024x128xf32, #tpu.memory_space<vmem>>) attributes {dimension_semantics = [#tpu.dimension_semantics<arbitrary>], iteration_bounds = array<i64: 10>, scalar_prefetch = 0 : i64, scratch_operands = 0 : i64, tpu.core_type = #tpu.core_type<tc>, window_params = [{transform_indices = @transform_0, window_bounds = array<i64: 2, 1024, 128>}, {transform_indices = @transform_1, window_bounds = array<i64: 1024, 128>}, {transform_indices = @transform_2, window_bounds = array<i64: 1024, 128>}, {transform_indices = @transform_3, window_bounds = array<i64: 2, 1024, 128>}, {pipeline_mode = #tpu.pipeline_mode<synchronous>, transform_indices = @transform_4, window_bounds = array<i64: 128, 128>}, {transform_indices = @transform_5, window_bounds = array<i64: 1024, 128>}, {transform_indices = @transform_6, window_bounds = array<i64: 1024, 128>}]} {
    %get3A = arith.constant 0 : index
    %get3A_0 = arith.constant 0 : index
    %get3A_1 = arith.constant 0 : index
    %get3A_2 = vector.load %arg4[%get3A, %get3A_0, %get3A_1] : memref<2x1024x128xf32, #tpu.memory_space<vmem>>, vector<1x1024x1xf32>
    %get3A_3 = vector.shape_cast %get3A_2 : vector<1x1024x1xf32> to vector<1024x1xf32>
    %get3A_4 = arith.constant 1 : index
    %get3A_5 = arith.constant 0 : index
    %get3A_6 = arith.constant 0 : index
    %get3A_7 = vector.load %arg4[%get3A_4, %get3A_5, %get3A_6] : memref<2x1024x128xf32, #tpu.memory_space<vmem>>, vector<1x1024x1xf32>
    %get3A_8 = vector.shape_cast %get3A_7 : vector<1x1024x1xf32> to vector<1024x1xf32>
    %add3A = arith.addf %get3A_3, %get3A_8 : vector<1024x1xf32>
    %add3A_9 = arith.constant 1.000000e+00 : f32
    %add3A_10 = vector.broadcast %add3A_9 : f32 to vector<1024x1xf32>
    %add3A_11 = arith.addf %add3A, %add3A_10 : vector<1024x1xf32>
    %rsqrt3A = math.rsqrt %add3A_11 : vector<1024x1xf32>
    %div3A = arith.constant 1.000000e+00 : f32
    %div3A_12 = vector.broadcast %div3A : f32 to vector<1024x1xf32>
    %div3A_13 = arith.divf %div3A_12, %add3A_11 : vector<1024x1xf32>
    %get3A_14 = arith.constant 0 : index
    %get3A_15 = arith.constant 0 : index
    %get3A_16 = vector.load %arg2[%get3A_14, %get3A_15] : memref<1024x128xf32, #tpu.memory_space<vmem>>, vector<1024x128xf32>
    %get3A_17 = arith.constant 0 : index
    %get3A_18 = arith.constant 0 : index
    %get3A_19 = arith.constant 0 : index
    %get3A_20 = vector.load %arg1[%get3A_17, %get3A_18, %get3A_19] : memref<2x1024x128xf32, #tpu.memory_space<vmem>>, vector<1x1024x128xf32>
    %get3A_21 = vector.shape_cast %get3A_20 : vector<1x1024x128xf32> to vector<1024x128xf32>
    %get3A_22 = arith.constant 1 : index
    %get3A_23 = arith.constant 0 : index
    %get3A_24 = arith.constant 0 : index
    %get3A_25 = vector.load %arg1[%get3A_22, %get3A_23, %get3A_24] : memref<2x1024x128xf32, #tpu.memory_space<vmem>>, vector<1x1024x128xf32>
    %get3A_26 = vector.shape_cast %get3A_25 : vector<1x1024x128xf32> to vector<1024x128xf32>
    %add3A_27 = arith.addf %get3A_21, %get3A_26 : vector<1024x128xf32>
    %mul3A = vector.broadcast %rsqrt3A : vector<1024x1xf32> to vector<1024x128xf32>
    %mul3A_28 = arith.mulf %mul3A, %add3A_27 : vector<1024x128xf32>
    %mul3A_29 = vector.broadcast %div3A_13 : vector<1024x1xf32> to vector<1024x128xf32>
    %mul3A_30 = arith.mulf %mul3A_29, %get3A_16 : vector<1024x128xf32>
    %add3A_31 = arith.addf %mul3A_28, %mul3A_30 : vector<1024x128xf32>
    %mul3A_32 = arith.constant 0.899999976 : f32
    %mul3A_33 = vector.broadcast %mul3A_32 : f32 to vector<1024x128xf32>
    %mul3A_34 = arith.mulf %mul3A_33, %add3A_31 : vector<1024x128xf32>
    %get3A_35 = arith.constant 0 : index
    %get3A_36 = arith.constant 0 : index
    %get3A_37 = vector.load %arg3[%get3A_35, %get3A_36] : memref<1024x128xf32, #tpu.memory_space<vmem>>, vector<1024x128xf32>
    %mul3A_38 = arith.constant 1.000000e-01 : f32
    %mul3A_39 = vector.broadcast %mul3A_38 : f32 to vector<1024x128xf32>
    %mul3A_40 = arith.mulf %mul3A_39, %get3A_37 : vector<1024x128xf32>
    %add3A_41 = arith.addf %mul3A_34, %mul3A_40 : vector<1024x128xf32>
    %mul3A_42 = arith.constant 0.776856422 : f32
    %mul3A_43 = vector.broadcast %mul3A_42 : f32 to vector<1024x128xf32>
    %mul3A_44 = arith.mulf %mul3A_43, %add3A_41 : vector<1024x128xf32>
    %get3A_45 = arith.constant 0 : index
    %get3A_46 = arith.constant 0 : index
    %get3A_47 = vector.load %arg5[%get3A_45, %get3A_46] : memref<128x128xf32, #tpu.memory_space<vmem>>, vector<128x128xf32>
    %dot_general3A = arith.constant dense<0.000000e+00> : vector<1024x128xf32>
    %dot_general3A_48 = tpu.matmul %add3A_41, %get3A_47, %dot_general3A {dimension_numbers = #tpu.dot_dimension_numbers<[1], [0], [0], [1], [0, 0, 1, 1], [], []>, precision = #tpu.contract_precision<fp32>, transpose_lhs_hint = false} : vector<1024x128xf32>, vector<128x128xf32>, vector<1024x128xf32> -> vector<1024x128xf32>
    %mul3A_49 = arith.constant 0.223143548 : f32
    %mul3A_50 = vector.broadcast %mul3A_49 : f32 to vector<1024x128xf32>
    %mul3A_51 = arith.mulf %mul3A_50, %dot_general3A_48 : vector<1024x128xf32>
    %add3A_52 = arith.addf %mul3A_44, %mul3A_51 : vector<1024x128xf32>
    %add3A_53 = arith.addf %add3A_52, %get3A_16 : vector<1024x128xf32>
    %max3A = arith.constant 0.000000e+00 : f32
    %max3A_54 = vector.broadcast %max3A : f32 to vector<1024x128xf32>
    %max3A_55 = arith.maximumf %add3A_53, %max3A_54 : vector<1024x128xf32>
    %swap3A = arith.constant 0 : index
    %swap3A_56 = arith.constant 0 : index
    %swap3A_57 = vector.load %arg6[%swap3A, %swap3A_56] : memref<1024x128xf32, #tpu.memory_space<vmem>>, vector<1024x128xf32>
    tpu.vector_store %arg6[%swap3A, %swap3A_56], %max3A_55 {strides = array<i32>} : memref<1024x128xf32, #tpu.memory_space<vmem>>, vector<1024x128xf32>,
    %mul3A_58 = vector.broadcast %rsqrt3A : vector<1024x1xf32> to vector<1024x128xf32>
    %mul3A_59 = arith.mulf %mul3A_58, %max3A_55 : vector<1024x128xf32>
    %swap3A_60 = arith.constant 0 : index
    %swap3A_61 = arith.constant 0 : index
    %swap3A_62 = vector.load %arg7[%swap3A_60, %swap3A_61] : memref<1024x128xf32, #tpu.memory_space<vmem>>, vector<1024x128xf32>
    tpu.vector_store %arg7[%swap3A_60, %swap3A_61], %mul3A_59 {strides = array<i32>} : memref<1024x128xf32, #tpu.memory_space<vmem>>, vector<1024x128xf32>,
    return
  }
  func.func @transform_0(%arg0: i32) -> (i32, i32, i32) {
    %c0_i32 = arith.constant 0 : i32
    %c0_i32_0 = arith.constant 0 : i32
    %c0_i32_1 = arith.constant 0 : i32
    return %c0_i32, %arg0, %c0_i32_0 : i32, i32, i32
  }
  func.func @transform_1(%arg0: i32) -> (i32, i32) {
    %c0_i32 = arith.constant 0 : i32
    %c0_i32_0 = arith.constant 0 : i32
    return %arg0, %c0_i32 : i32, i32
  }
  func.func @transform_2(%arg0: i32) -> (i32, i32) {
    %c0_i32 = arith.constant 0 : i32
    %c0_i32_0 = arith.constant 0 : i32
    return %arg0, %c0_i32 : i32, i32
  }
  func.func @transform_3(%arg0: i32) -> (i32, i32, i32) {
    %c0_i32 = arith.constant 0 : i32
    %c0_i32_0 = arith.constant 0 : i32
    %c0_i32_1 = arith.constant 0 : i32
    return %c0_i32, %arg0, %c0_i32_0 : i32, i32, i32
  }
  func.func @transform_4(%arg0: i32) -> (i32, i32) {
    %c0_i32 = arith.constant 0 : i32
    %c0_i32_0 = arith.constant 0 : i32
    %c0_i32_1 = arith.constant 0 : i32
    return %c0_i32, %c0_i32_0 : i32, i32
  }
  func.func @transform_5(%arg0: i32) -> (i32, i32) {
    %c0_i32 = arith.constant 0 : i32
    %c0_i32_0 = arith.constant 0 : i32
    return %arg0, %c0_i32 : i32, i32
  }
  func.func @transform_6(%arg0: i32) -> (i32, i32) {
    %c0_i32 = arith.constant 0 : i32
    %c0_i32_0 = arith.constant 0 : i32
    return %arg0, %c0_i32 : i32, i32
  }
}

module attributes {stable_mosaic.version = 14 : i64} {
  func.func @body(%arg0: i32, %arg1: memref<2x1024x128xf32, #tpu.memory_space<vmem>>, %arg2: memref<1024x128xf32, #tpu.memory_space<vmem>>, %arg3: memref<1024x128xf32, #tpu.memory_space<vmem>>, %arg4: memref<2x1024x128xf32, #tpu.memory_space<vmem>>, %arg5: memref<128x128xf32, #tpu.memory_space<vmem>>, %arg6: memref<1024x128xf32, #tpu.memory_space<vmem>>, %arg7: memref<1024x128xf32, #tpu.memory_space<vmem>>) attributes {dimension_semantics = [#tpu.dimension_semantics<arbitrary>], iteration_bounds = array<i64: 10>, scalar_prefetch = 0 : i64, scratch_operands = 0 : i64, tpu.core_type = #tpu.core_type<tc>, window_params = [{transform_indices = @transform_0, window_bounds = array<i64: 2, 1024, 128>}, {transform_indices = @transform_1, window_bounds = array<i64: 1024, 128>}, {transform_indices = @transform_2, window_bounds = array<i64: 1024, 128>}, {transform_indices = @transform_3, window_bounds = array<i64: 2, 1024, 128>}, {pipeline_mode = #tpu.pipeline_mode<synchronous>, transform_indices = @transform_4, window_bounds = array<i64: 128, 128>}, {transform_indices = @transform_5, window_bounds = array<i64: 1024, 128>}, {transform_indices = @transform_6, window_bounds = array<i64: 1024, 128>}]} {
    %get3A = arith.constant 0 : index
    %get3A_0 = arith.constant 0 : index
    %get3A_1 = arith.constant 0 : index
    %get3A_2 = vector.load %arg4[%get3A, %get3A_0, %get3A_1] : memref<2x1024x128xf32, #tpu.memory_space<vmem>>, vector<1x1024x1xf32>
    %get3A_3 = vector.shape_cast %get3A_2 : vector<1x1024x1xf32> to vector<1024x1xf32>
    %get3A_4 = arith.constant 1 : index
    %get3A_5 = arith.constant 0 : index
    %get3A_6 = arith.constant 0 : index
    %get3A_7 = vector.load %arg4[%get3A_4, %get3A_5, %get3A_6] : memref<2x1024x128xf32, #tpu.memory_space<vmem>>, vector<1x1024x1xf32>
    %get3A_8 = vector.shape_cast %get3A_7 : vector<1x1024x1xf32> to vector<1024x1xf32>
    %add3A = arith.addf %get3A_3, %get3A_8 : vector<1024x1xf32>
    %add3A_9 = arith.constant 1.000000e+00 : f32
    %add3A_10 = vector.broadcast %add3A_9 : f32 to vector<1024x1xf32>
    %add3A_11 = arith.addf %add3A, %add3A_10 : vector<1024x1xf32>
    %rsqrt3A = math.rsqrt %add3A_11 : vector<1024x1xf32>
    %div3A = arith.constant 1.000000e+00 : f32
    %div3A_12 = vector.broadcast %div3A : f32 to vector<1024x1xf32>
    %div3A_13 = arith.divf %div3A_12, %add3A_11 : vector<1024x1xf32>
    %get3A_14 = arith.constant 0 : index
    %get3A_15 = arith.constant 0 : index
    %get3A_16 = vector.load %arg2[%get3A_14, %get3A_15] : memref<1024x128xf32, #tpu.memory_space<vmem>>, vector<1024x128xf32>
    %get3A_17 = arith.constant 0 : index
    %get3A_18 = arith.constant 0 : index
    %get3A_19 = arith.constant 0 : index
    %get3A_20 = vector.load %arg1[%get3A_17, %get3A_18, %get3A_19] : memref<2x1024x128xf32, #tpu.memory_space<vmem>>, vector<1x1024x128xf32>
    %get3A_21 = vector.shape_cast %get3A_20 : vector<1x1024x128xf32> to vector<1024x128xf32>
    %get3A_22 = arith.constant 1 : index
    %get3A_23 = arith.constant 0 : index
    %get3A_24 = arith.constant 0 : index
    %get3A_25 = vector.load %arg1[%get3A_22, %get3A_23, %get3A_24] : memref<2x1024x128xf32, #tpu.memory_space<vmem>>, vector<1x1024x128xf32>
    %get3A_26 = vector.shape_cast %get3A_25 : vector<1x1024x128xf32> to vector<1024x128xf32>
    %add3A_27 = arith.addf %get3A_21, %get3A_26 : vector<1024x128xf32>
    %mul3A = vector.broadcast %rsqrt3A : vector<1024x1xf32> to vector<1024x128xf32>
    %mul3A_28 = arith.mulf %mul3A, %add3A_27 : vector<1024x128xf32>
    %mul3A_29 = vector.broadcast %div3A_13 : vector<1024x1xf32> to vector<1024x128xf32>
    %mul3A_30 = arith.mulf %mul3A_29, %get3A_16 : vector<1024x128xf32>
    %add3A_31 = arith.addf %mul3A_28, %mul3A_30 : vector<1024x128xf32>
    %mul3A_32 = arith.constant 0.899999976 : f32
    %mul3A_33 = vector.broadcast %mul3A_32 : f32 to vector<1024x128xf32>
    %mul3A_34 = arith.mulf %mul3A_33, %add3A_31 : vector<1024x128xf32>
    %get3A_35 = arith.constant 0 : index
    %get3A_36 = arith.constant 0 : index
    %get3A_37 = vector.load %arg3[%get3A_35, %get3A_36] : memref<1024x128xf32, #tpu.memory_space<vmem>>, vector<1024x128xf32>
    %mul3A_38 = arith.constant 1.000000e-01 : f32
    %mul3A_39 = vector.broadcast %mul3A_38 : f32 to vector<1024x128xf32>
    %mul3A_40 = arith.mulf %mul3A_39, %get3A_37 : vector<1024x128xf32>
    %add3A_41 = arith.addf %mul3A_34, %mul3A_40 : vector<1024x128xf32>
    %mul3A_42 = arith.constant 0.845849335 : f32
    %mul3A_43 = vector.broadcast %mul3A_42 : f32 to vector<1024x128xf32>
    %mul3A_44 = arith.mulf %mul3A_43, %add3A_41 : vector<1024x128xf32>
    %get3A_45 = arith.constant 0 : index
    %get3A_46 = arith.constant 0 : index
    %get3A_47 = vector.load %arg5[%get3A_45, %get3A_46] : memref<128x128xf32, #tpu.memory_space<vmem>>, vector<128x128xf32>
    %dot_general3A = arith.constant dense<0.000000e+00> : vector<1024x128xf32>
    %dot_general3A_48 = tpu.matmul %add3A_41, %get3A_47, %dot_general3A {dimension_numbers = #tpu.dot_dimension_numbers<[1], [0], [0], [1], [0, 0, 1, 1], [], []>, precision = #tpu.contract_precision<fp32>, transpose_lhs_hint = false} : vector<1024x128xf32>, vector<128x128xf32>, vector<1024x128xf32> -> vector<1024x128xf32>
    %mul3A_49 = arith.constant 0.15415068 : f32
    %mul3A_50 = vector.broadcast %mul3A_49 : f32 to vector<1024x128xf32>
    %mul3A_51 = arith.mulf %mul3A_50, %dot_general3A_48 : vector<1024x128xf32>
    %add3A_52 = arith.addf %mul3A_44, %mul3A_51 : vector<1024x128xf32>
    %add3A_53 = arith.addf %add3A_52, %get3A_16 : vector<1024x128xf32>
    %max3A = arith.constant 0.000000e+00 : f32
    %max3A_54 = vector.broadcast %max3A : f32 to vector<1024x128xf32>
    %max3A_55 = arith.maximumf %add3A_53, %max3A_54 : vector<1024x128xf32>
    %swap3A = arith.constant 0 : index
    %swap3A_56 = arith.constant 0 : index
    %swap3A_57 = vector.load %arg6[%swap3A, %swap3A_56] : memref<1024x128xf32, #tpu.memory_space<vmem>>, vector<1024x128xf32>
    tpu.vector_store %arg6[%swap3A, %swap3A_56], %max3A_55 {strides = array<i32>} : memref<1024x128xf32, #tpu.memory_space<vmem>>, vector<1024x128xf32>,
    %mul3A_58 = vector.broadcast %rsqrt3A : vector<1024x1xf32> to vector<1024x128xf32>
    %mul3A_59 = arith.mulf %mul3A_58, %max3A_55 : vector<1024x128xf32>
    %swap3A_60 = arith.constant 0 : index
    %swap3A_61 = arith.constant 0 : index
    %swap3A_62 = vector.load %arg7[%swap3A_60, %swap3A_61] : memref<1024x128xf32, #tpu.memory_space<vmem>>, vector<1024x128xf32>
    tpu.vector_store %arg7[%swap3A_60, %swap3A_61], %mul3A_59 {strides = array<i32>} : memref<1024x128xf32, #tpu.memory_space<vmem>>, vector<1024x128xf32>,
    return
  }
  func.func @transform_0(%arg0: i32) -> (i32, i32, i32) {
    %c0_i32 = arith.constant 0 : i32
    %c0_i32_0 = arith.constant 0 : i32
    %c0_i32_1 = arith.constant 0 : i32
    return %c0_i32, %arg0, %c0_i32_0 : i32, i32, i32
  }
  func.func @transform_1(%arg0: i32) -> (i32, i32) {
    %c0_i32 = arith.constant 0 : i32
    %c0_i32_0 = arith.constant 0 : i32
    return %arg0, %c0_i32 : i32, i32
  }
  func.func @transform_2(%arg0: i32) -> (i32, i32) {
    %c0_i32 = arith.constant 0 : i32
    %c0_i32_0 = arith.constant 0 : i32
    return %arg0, %c0_i32 : i32, i32
  }
  func.func @transform_3(%arg0: i32) -> (i32, i32, i32) {
    %c0_i32 = arith.constant 0 : i32
    %c0_i32_0 = arith.constant 0 : i32
    %c0_i32_1 = arith.constant 0 : i32
    return %c0_i32, %arg0, %c0_i32_0 : i32, i32, i32
  }
  func.func @transform_4(%arg0: i32) -> (i32, i32) {
    %c0_i32 = arith.constant 0 : i32
    %c0_i32_0 = arith.constant 0 : i32
    %c0_i32_1 = arith.constant 0 : i32
    return %c0_i32, %c0_i32_0 : i32, i32
  }
  func.func @transform_5(%arg0: i32) -> (i32, i32) {
    %c0_i32 = arith.constant 0 : i32
    %c0_i32_0 = arith.constant 0 : i32
    return %arg0, %c0_i32 : i32, i32
  }
  func.func @transform_6(%arg0: i32) -> (i32, i32) {
    %c0_i32 = arith.constant 0 : i32
    %c0_i32_0 = arith.constant 0 : i32
    return %arg0, %c0_i32 : i32, i32
  }
}

module attributes {stable_mosaic.version = 14 : i64} {
  func.func @body(%arg0: i32, %arg1: memref<2x1024x128xf32, #tpu.memory_space<vmem>>, %arg2: memref<1024x128xf32, #tpu.memory_space<vmem>>, %arg3: memref<1024x128xf32, #tpu.memory_space<vmem>>, %arg4: memref<2x1024x128xf32, #tpu.memory_space<vmem>>, %arg5: memref<128x128xf32, #tpu.memory_space<vmem>>, %arg6: memref<1024x128xf32, #tpu.memory_space<vmem>>) attributes {dimension_semantics = [#tpu.dimension_semantics<arbitrary>], iteration_bounds = array<i64: 10>, scalar_prefetch = 0 : i64, scratch_operands = 0 : i64, tpu.core_type = #tpu.core_type<tc>, window_params = [{transform_indices = @transform_0, window_bounds = array<i64: 2, 1024, 128>}, {transform_indices = @transform_1, window_bounds = array<i64: 1024, 128>}, {transform_indices = @transform_2, window_bounds = array<i64: 1024, 128>}, {transform_indices = @transform_3, window_bounds = array<i64: 2, 1024, 128>}, {pipeline_mode = #tpu.pipeline_mode<synchronous>, transform_indices = @transform_4, window_bounds = array<i64: 128, 128>}, {transform_indices = @transform_5, window_bounds = array<i64: 1024, 128>}]} {
    %get3A = arith.constant 0 : index
    %get3A_0 = arith.constant 0 : index
    %get3A_1 = arith.constant 0 : index
    %get3A_2 = vector.load %arg4[%get3A, %get3A_0, %get3A_1] : memref<2x1024x128xf32, #tpu.memory_space<vmem>>, vector<1x1024x1xf32>
    %get3A_3 = vector.shape_cast %get3A_2 : vector<1x1024x1xf32> to vector<1024x1xf32>
    %get3A_4 = arith.constant 1 : index
    %get3A_5 = arith.constant 0 : index
    %get3A_6 = arith.constant 0 : index
    %get3A_7 = vector.load %arg4[%get3A_4, %get3A_5, %get3A_6] : memref<2x1024x128xf32, #tpu.memory_space<vmem>>, vector<1x1024x1xf32>
    %get3A_8 = vector.shape_cast %get3A_7 : vector<1x1024x1xf32> to vector<1024x1xf32>
    %add3A = arith.addf %get3A_3, %get3A_8 : vector<1024x1xf32>
    %add3A_9 = arith.constant 1.000000e+00 : f32
    %add3A_10 = vector.broadcast %add3A_9 : f32 to vector<1024x1xf32>
    %add3A_11 = arith.addf %add3A, %add3A_10 : vector<1024x1xf32>
    %rsqrt3A = math.rsqrt %add3A_11 : vector<1024x1xf32>
    %div3A = arith.constant 1.000000e+00 : f32
    %div3A_12 = vector.broadcast %div3A : f32 to vector<1024x1xf32>
    %div3A_13 = arith.divf %div3A_12, %add3A_11 : vector<1024x1xf32>
    %get3A_14 = arith.constant 0 : index
    %get3A_15 = arith.constant 0 : index
    %get3A_16 = vector.load %arg2[%get3A_14, %get3A_15] : memref<1024x128xf32, #tpu.memory_space<vmem>>, vector<1024x128xf32>
    %get3A_17 = arith.constant 0 : index
    %get3A_18 = arith.constant 0 : index
    %get3A_19 = arith.constant 0 : index
    %get3A_20 = vector.load %arg1[%get3A_17, %get3A_18, %get3A_19] : memref<2x1024x128xf32, #tpu.memory_space<vmem>>, vector<1x1024x128xf32>
    %get3A_21 = vector.shape_cast %get3A_20 : vector<1x1024x128xf32> to vector<1024x128xf32>
    %get3A_22 = arith.constant 1 : index
    %get3A_23 = arith.constant 0 : index
    %get3A_24 = arith.constant 0 : index
    %get3A_25 = vector.load %arg1[%get3A_22, %get3A_23, %get3A_24] : memref<2x1024x128xf32, #tpu.memory_space<vmem>>, vector<1x1024x128xf32>
    %get3A_26 = vector.shape_cast %get3A_25 : vector<1x1024x128xf32> to vector<1024x128xf32>
    %add3A_27 = arith.addf %get3A_21, %get3A_26 : vector<1024x128xf32>
    %mul3A = vector.broadcast %rsqrt3A : vector<1024x1xf32> to vector<1024x128xf32>
    %mul3A_28 = arith.mulf %mul3A, %add3A_27 : vector<1024x128xf32>
    %mul3A_29 = vector.broadcast %div3A_13 : vector<1024x1xf32> to vector<1024x128xf32>
    %mul3A_30 = arith.mulf %mul3A_29, %get3A_16 : vector<1024x128xf32>
    %add3A_31 = arith.addf %mul3A_28, %mul3A_30 : vector<1024x128xf32>
    %mul3A_32 = arith.constant 0.899999976 : f32
    %mul3A_33 = vector.broadcast %mul3A_32 : f32 to vector<1024x128xf32>
    %mul3A_34 = arith.mulf %mul3A_33, %add3A_31 : vector<1024x128xf32>
    %get3A_35 = arith.constant 0 : index
    %get3A_36 = arith.constant 0 : index
    %get3A_37 = vector.load %arg3[%get3A_35, %get3A_36] : memref<1024x128xf32, #tpu.memory_space<vmem>>, vector<1024x128xf32>
    %mul3A_38 = arith.constant 1.000000e-01 : f32
    %mul3A_39 = vector.broadcast %mul3A_38 : f32 to vector<1024x128xf32>
    %mul3A_40 = arith.mulf %mul3A_39, %get3A_37 : vector<1024x128xf32>
    %add3A_41 = arith.addf %mul3A_34, %mul3A_40 : vector<1024x128xf32>
    %mul3A_42 = arith.constant 0.882216989 : f32
    %mul3A_43 = vector.broadcast %mul3A_42 : f32 to vector<1024x128xf32>
    %mul3A_44 = arith.mulf %mul3A_43, %add3A_41 : vector<1024x128xf32>
    %get3A_45 = arith.constant 0 : index
    %get3A_46 = arith.constant 0 : index
    %get3A_47 = vector.load %arg5[%get3A_45, %get3A_46] : memref<128x128xf32, #tpu.memory_space<vmem>>, vector<128x128xf32>
    %dot_general3A = arith.constant dense<0.000000e+00> : vector<1024x128xf32>
    %dot_general3A_48 = tpu.matmul %add3A_41, %get3A_47, %dot_general3A {dimension_numbers = #tpu.dot_dimension_numbers<[1], [0], [0], [1], [0, 0, 1, 1], [], []>, precision = #tpu.contract_precision<fp32>, transpose_lhs_hint = false} : vector<1024x128xf32>, vector<128x128xf32>, vector<1024x128xf32> -> vector<1024x128xf32>
    %mul3A_49 = arith.constant 0.117783032 : f32
    %mul3A_50 = vector.broadcast %mul3A_49 : f32 to vector<1024x128xf32>
    %mul3A_51 = arith.mulf %mul3A_50, %dot_general3A_48 : vector<1024x128xf32>
    %add3A_52 = arith.addf %mul3A_44, %mul3A_51 : vector<1024x128xf32>
    %add3A_53 = arith.addf %add3A_52, %get3A_16 : vector<1024x128xf32>
    %swap3A = arith.constant 0 : index
    %swap3A_54 = arith.constant 0 : index
    %swap3A_55 = vector.load %arg6[%swap3A, %swap3A_54] : memref<1024x128xf32, #tpu.memory_space<vmem>>, vector<1024x128xf32>
    tpu.vector_store %arg6[%swap3A, %swap3A_54], %add3A_53 {strides = array<i32>} : memref<1024x128xf32, #tpu.memory_space<vmem>>, vector<1024x128xf32>,
    return
  }
  func.func @transform_0(%arg0: i32) -> (i32, i32, i32) {
    %c0_i32 = arith.constant 0 : i32
    %c0_i32_0 = arith.constant 0 : i32
    %c0_i32_1 = arith.constant 0 : i32
    return %c0_i32, %arg0, %c0_i32_0 : i32, i32, i32
  }
  func.func @transform_1(%arg0: i32) -> (i32, i32) {
    %c0_i32 = arith.constant 0 : i32
    %c0_i32_0 = arith.constant 0 : i32
    return %arg0, %c0_i32 : i32, i32
  }
  func.func @transform_2(%arg0: i32) -> (i32, i32) {
    %c0_i32 = arith.constant 0 : i32
    %c0_i32_0 = arith.constant 0 : i32
    return %arg0, %c0_i32 : i32, i32
  }
  func.func @transform_3(%arg0: i32) -> (i32, i32, i32) {
    %c0_i32 = arith.constant 0 : i32
    %c0_i32_0 = arith.constant 0 : i32
    %c0_i32_1 = arith.constant 0 : i32
    return %c0_i32, %arg0, %c0_i32_0 : i32, i32, i32
  }
  func.func @transform_4(%arg0: i32) -> (i32, i32) {
    %c0_i32 = arith.constant 0 : i32
    %c0_i32_0 = arith.constant 0 : i32
    %c0_i32_1 = arith.constant 0 : i32
    return %c0_i32, %c0_i32_0 : i32, i32
  }
  func.func @transform_5(%arg0: i32) -> (i32, i32) {
    %c0_i32 = arith.constant 0 : i32
    %c0_i32_0 = arith.constant 0 : i32
    return %arg0, %c0_i32 : i32, i32
  }
}

</mosaic_0001>

<sc_bundles>
// kernel: kernel.12.cloned.1.call-start
scs
__scs_entry_jumppad:
0x0: {  	(pc) =	sbr.rel $0x88, $3  }
0x1: {  	(tag) =	ssettag $0x0;
	lr =	simm.s32 $0x1  }
0x2: {  	[smem:$0x3F9C] =	sst lr;
	_ =	strace $0xD0000000  }
0x3: {  	_ = 	snop  }
0x4: {  	_ = 	snop  }
0x5: {  	_ = 	snop  }
0x6: {  	_ = 	snop  }
0x7: {  	_ = 	snop  }
__scs_overlays_trampoline_lowered:
0x8: {  	[smem:$0x3FAB] =	sst s0  }
0x9: {  	[smem:$0x3FAC] =	sst s1  }
0xa: {  	[smem:$0x3FAD] =	sst s2  }
0xb: {  	[smem:$0x3FAE] =	sst s3  }
0xc: {  	[smem:$0x3FAF] =	sst s4  }
0xd: {  	[smem:$0x3FB0] =	sst s5  }
0xe: {  	[smem:$0x3FB1] =	sst s6  }
0xf: {  	[smem:$0x3FB2] =	sst s7  }
0x10: {  	[smem:$0x3FB3] =	sst s8  }
0x11: {  	[smem:$0x3FB4] =	sst s9;
	s0 =	simm.s32 @!p0 $0x0  }
0x12: {  	s1 =	sld [smem:$0x3F9A];
	s0 =	simm.s32 @p0 $0x1  }
0x13: {  	[smem:$0x3FB5] =	sst s0;
	s0 =	simm.s32 @!p1 $0x0  }
0x14: {  	s2 =	sld [smem:$0x3F99];
	s0 =	simm.s32 @p1 $0x1  }
0x15: {  	[smem:$0x3FB6] =	sst s0;
	s0 =	simm.s32 @!p2 $0x0  }
0x16: {  	s3 =	sld [smem:$0x3FDB];
	s0 =	simm.s32 @p2 $0x1  }
0x17: {  	s4 =	simm.s32 $0x1BF5;
	[smem:$0x3FB8] =	sst s0  }
0x18: {  	s0 =	sld [smem:$0x3F9B];
	_ =	swait.ge [sflag:s4], $0x0  }
0x19: {  	s7 =	sld [smem:$0x3F9C]  }
0x1a: {  	s8 =	sadd.s32 $0xFFFFE003, lr  }
0x1b: {  	s9 =	sadd.s32 $0xFFFFFEF7, lr;
	s5 =	simm.s32 $0xFFFFFFFF;
	p2 =	slt.u32 s8, $0xFFFFF086  }
0x1c: {  	p1 =	slt.u32 s9, $0xF7A;
	s5 =	simm.s32 @!p2 $0x0  }
0x1d: {  	s5 =	simm.s32 @p1 $0x1;
	p0 =	seq.s32 s7, s2  }
0x1e: {  	s7 =	smul.u32 @!p0 $0xF7A, s2;
	p2 =	seq.s32 @!p0 s5, $0x0  }
0x1f: {  	s9 =	smul.u32 $0xF7A, s1;
	s8 =	simm.s32 @!p0 $0x1BF5;
	p2 =	por !p2, p0  }
0x20: {  	[sflag:s8] =	ssyncset.s32 @!p0 $0xFFFFF086;
	s6 =	sadd.s32 @!p0 s3, s7;
	s7 =	simm.s32 @!p0 $0x108  }
0x21: {  	s3 =	sadd.s32 s3, s9;
	s6 =	sadd.s32 @!p0 $0x88, s6;
	s7 =	simm.s32 @p2 $0x1082  }
0x22: {  	[simem:s7], [sflag:s8] =	dma.local @!p0 [hbm:s6], $0xF7A  }
0x23: {  	s9 =	sor.u32 $0xD0000000, s2;
	s6 =	simm.s32 $0x108;
	_ =	swait.ge @!p0 [sflag:s8], $0x0  }
0x24: {  	s3 =	sadd.s32 $0x88, s3;
	s6 =	simm.s32 @!p1 $0x1082;
	[sflag:s4] =	ssyncset.s32 $0xFFFFF086  }
0x25: {  	[simem:s6], [sflag:s4] =	dma.local [hbm:s3], $0xF7A  }
0x26: {  	[smem:$0x3F9C] =	sst s1;
	(tag) =	ssettag s2;
	_ =	strace s9  }
0x27: {  	s1 =	sld [smem:$0x3FAC]  }
0x28: {  	s2 =	sld [smem:$0x3FAD]  }
0x29: {  	s4 =	sld [smem:$0x3FAF]  }
0x2a: {  	p0 =	seq.s32 s5, $0x0;
	s5 =	sld [smem:$0x3FB0]  }
0x2b: {  	s6 =	sld [smem:$0x3FB1]  }
0x2c: {  	s7 =	sld [smem:$0x3FB2]  }
0x2d: {  	s3 =	simm.s32 $0x108;
	s8 =	sld [smem:$0x3FB3]  }
0x2e: {  	s3 =	simm.s32 @!p0 $0x1082;
	s9 =	sld [smem:$0x3FB4]  }
0x2f: {  	lr =	sadd.s32 s0, s3;
	s0 =	sld [smem:$0x3FAB]  }
0x30: {  	s3 =	sld [smem:$0x3FAE]  }
0x31: {  	[smem:$0x3FB7] =	sst s10  }
0x32: {  	s10 =	sld [smem:$0x3FB5];
	_ =	sdelay $0x3  }
0x33: {  	p0 =	seq.s32 s10, $0x1;
	s10 =	sld [smem:$0x3FB7];
	_ =	sdelay $0x3  }
0x34: {  	[smem:$0x3FB7] =	sst s10  }
0x35: {  	s10 =	sld [smem:$0x3FB6];
	_ =	sdelay $0x3  }
0x36: {  	p1 =	seq.s32 s10, $0x1;
	s10 =	sld [smem:$0x3FB7];
	_ =	sdelay $0x3  }
0x37: {  	[smem:$0x3FB7] =	sst s10  }
0x38: {  	s10 =	sld [smem:$0x3FB8]  }
0x39: {  	_ = 	snop;
	(pc) =	sbr.ind lr, $3  }
0x3a: {  	_ = 	snop  }
0x3b: {  	_ = 	snop  }
0x3c: {  	p2 =	seq.s32 s10, $0x1;
	s10 =	sld [smem:$0x3FB7]  }
0x3d: {  	_ =	shalt  }
0x3e: {  	_ =	shalt  }
0x3f: {  	_ =	shalt  }
0x40: {  	_ =	shalt  }
0x41: {  	_ =	shalt  }
0x42: {  	_ =	shalt  }
0x43: {  	_ =	shalt  }
0x44: {  	_ =	shalt  }
0x45: {  	_ =	shalt  }
0x46: {  	_ =	shalt  }
0x47: {  	_ =	shalt  }
0x48: {  	_ =	shalt  }
0x49: {  	_ =	shalt  }
0x4a: {  	_ =	shalt  }
0x4b: {  	_ =	shalt  }
0x4c: {  	_ =	shalt  }
0x4d: {  	_ =	shalt  }
0x4e: {  	_ =	shalt  }
0x4f: {  	_ =	shalt  }
0x50: {  	_ =	shalt  }
0x51: {  	_ =	shalt  }
0x52: {  	_ =	shalt  }
0x53: {  	_ =	shalt  }
0x54: {  	_ =	shalt  }
0x55: {  	_ =	shalt  }
0x56: {  	_ =	shalt  }
0x57: {  	_ =	shalt  }
0x58: {  	_ =	shalt  }
0x59: {  	_ =	shalt  }
0x5a: {  	_ =	shalt  }
0x5b: {  	_ =	shalt  }
0x5c: {  	_ =	shalt  }
0x5d: {  	_ =	shalt  }
0x5e: {  	_ =	shalt  }
0x5f: {  	_ =	shalt  }
0x60: {  	_ =	shalt  }
0x61: {  	_ =	shalt  }
0x62: {  	_ =	shalt  }
0x63: {  	_ =	shalt  }
0x64: {  	_ =	shalt  }
0x65: {  	_ =	shalt  }
0x66: {  	_ =	shalt  }
0x67: {  	_ =	shalt  }
0x68: {  	_ =	shalt  }
0x69: {  	_ =	shalt  }
0x6a: {  	_ =	shalt  }
0x6b: {  	_ =	shalt  }
0x6c: {  	_ =	shalt  }
0x6d: {  	_ =	shalt  }
0x6e: {  	_ =	shalt  }
0x6f: {  	_ =	shalt  }
0x70: {  	_ =	shalt  }
0x71: {  	_ =	shalt  }
0x72: {  	_ =	shalt  }
0x73: {  	_ =	shalt  }
0x74: {  	_ =	shalt  }
0x75: {  	_ =	shalt  }
0x76: {  	_ =	shalt  }
0x77: {  	_ =	shalt  }
0x78: {  	_ =	shalt  }
0x79: {  	_ =	shalt  }
0x7a: {  	_ =	shalt  }
0x7b: {  	_ =	shalt  }
0x7c: {  	_ =	shalt  }
0x7d: {  	_ =	shalt  }
0x7e: {  	_ =	shalt  }
0x7f: {  	_ =	shalt  }
0x80: {  	_ =	shalt  }
0x81: {  	_ =	shalt  }
0x82: {  	_ =	shalt  }
0x83: {  	_ =	shalt  }
0x84: {  	_ =	shalt  }
0x85: {  	_ =	shalt  }
0x86: {  	_ =	shalt  }
0x87: {  	_ =	shalt  }
.Lfunc_end0:
.L_simem_size_0:
called_computation_lowered:
.L_overlay_start_0:
0x88: {  	s2 =	sld [smem:$0x3FD9]  }
0x89: {  	s3 =	sld [smem:$0x3FFE];
	_ =	sdelay $0x1  }
0x8a: {  	s1 =	srdreg.scid  }
0x8b: {  	s0 =	sand.u32 $0x1, s1  }
0x8c: {  	s16 =	sshll.u32 s0, $0xA;
	s2 =	sadd.s32 s3, s2  }
0x8d: {  	s2 =	sadd.s32 s2, s16  }
0x8e: {  	[smem:$0x3FC3] =	sst s2  }
0x8f: {  	_ = 	snop  }
0x90: {  	(tm) =	ssettm $0x1  }
0x91: {  	s17 =	sld [smem:$0x3FFB];
	_ =	sdelay $0x3  }
0x92: {  	_ =	strace s17  }
0x93: {  	s2 =	sld [smem:$0x3FFC];
	_ =	sdelay $0x3  }
0x94: {  	_ =	strace s2  }
0x95: {  	s2 =	sld [smem:$0x3FFD];
	_ =	sdelay $0x3  }
0x96: {  	_ =	strace s2  }
0x97: {  	_ =	strace $0x8FFFFFFF  }
0x98: {  	s18 =	sld [smem:$0x3FDB];
	_ =	sdelay $0x1  }
0x99: {  	s19 =	simm.s32 $_scs_section_size  }
0x9a: {  	s4 =	simm.s32 $_size__tile_overlayer_lowered;
	s5 =	simm.s32 $_tile_overlayer_lowered  }
0x9b: {  	s22 =	simm.s32 $0x1BFF;
	s21 =	sshll.u32 s5, $0x1;
	s2 =	sadd.s32 s19, s18  }
0x9c: {  	s6 =	simm.s32 $0x0;
	s20 =	sshll.u32 s4, $0x1;
	s4 =	sadd.s32 s21, s2  }
0x9d: {  	[timem:s6], [sflag:s22] =	dma.local [hbm:s4], s20  }
0x9e: {  	_ =	swait.ge [sflag:s22], s20  }
0x9f: {  	s3 =	ssub.s32 $0x0, s20;
	[sflag:s22] =	ssyncset.done $0x0  }
0xa0: {  	[sflag:s22] =	ssyncadd.s32 s3;
	_ =	sdelay $0x1  }
0xa1: {  	s23 =	simm.s32 $0x1B8B  }
0xa2: {  	_ =	swait.ge [sflag:s23], $0x1  }
0xa3: {  	[sflag:s23] =	ssyncset.done $0x0  }
0xa4: {  	s25 =	simm.s32 $0x1B8E;
	s24 =	sld [smem:$0x3FFE];
	[sflag:s23] =	ssyncadd.s32 $0xFFFFFFFF  }
0xa5: {  	s26 =	simm.s32 $execute0_lowered;
	[smem:$0x3FD2] =	sst s25  }
0xa6: {  	s4 =	sshll.u32 s26, $0x1;
	_ =	strace $0x80000046;
	[dreg:$0x1] =	wrdreg $0xFFFFFFFF  }
0xa7: {  	s28 =	simm.s32 $_size_execute0_lowered;
	s2 =	sadd.s32 s2, s4;
	[dreg:$0x0] =	wrdreg $0x0  }
0xa8: {  	s4 =	sshll.u32 s28, $0x1;
	[dreg:$0x2] =	wrdreg s2  }
0xa9: {  	[dreg:$0x3] =	wrdreg s4  }
0xaa: {  	[dreg:$0x4] =	wrdreg $0xC0  }
0xab: {  	_ =	task [dreg:s6], $0x5FFFF  }
0xac: {  	[dreg:$0x1] =	wrdreg $0xFFFFFFFF  }
0xad: {  	[dreg:$0x0] =	wrdreg $0x60  }
0xae: {  	[dreg:$0x2] =	wrdreg s24  }
0xaf: {  	[dreg:$0x3] =	wrdreg $0xA8000  }
0xb0: {  	[dreg:$0x4] =	wrdreg $0x9  }
0xb1: {  	_ =	task.clear_ibuf [dreg:s6], $0x5FFFF;
	_ =	strace $0x90000046  }
0xb2: {  	s29 =	simm.s32 $0x9;
	_ =	strace $0x80000048  }
0xb3: {  	_ =	swait.ge [sflag:s29], $0x1  }
0xb4: {  	[sflag:s29] =	ssyncadd.s32 $0xFFFFFFFF  }
0xb5: {  	_ =	strace $0x90000048  }
0xb6: {  	_ =	sfence  }
0xb7: {  	s30 =	sld [smem:$0x0];
	_ =	sdelay $0x2  }
0xb8: {  	s31 =	sshll.u32 s1, $0xD;
	s1 =	sshrl.u32 s1, $0x2  }
0xb9: {  	s3 =	sand.u32 $0x4000, s31;
	s1 =	sadd.s32 s1, s30  }
0xba: {  	s0 =	sor.u32 s3, s0;
	s1 =	sshll.u32 s1, $0x11  }
0xbb: {  	s0 =	sor.u32 s1, s0  }
0xbc: {  	s0 =	sadd.s32 $0x8F2B, s0  }
0xbd: {  	[sflag:s0] =	ssyncadd.remote.s32 $0x1  }
0xbe: {  	_ =	sfence.sel $0xFFFF  }
0xbf: {  	[dreg:$0x0] =	wrdreg $0xFFFFFFFF;
	(pc) =	sbr.abs _section_cstart, $3  }
0xc0: {  	[dreg:$0x1] =	wrdreg $0xFFFFFFFF  }
0xc1: {  	_ =	task.clear_ibuf [dreg:s6], $0x2FFFF;
	_ =	strace $0x9FFFFFFF  }
0xc2: {  	(tm) =	ssettm $0x7FFFFFFF  }
0xc3: {  	_ =	shalt  }
tec
execute0_lowered:
.L_overlay_start_1:
0x0: {  	(tag) =	ssettag $0x1  }
0x1: {  	s0 =	srdreg.scid  }
0x2: {  	s6 =	rddreg [dreg:$0x0];
	s5 =	sand.u32 $0x1, s0  }
0x3: {  	s0 =	stileid.u32;
	s8 =	smul.u32 $0x28000, s5  }
0x4: {  	s2 =	rddreg [dreg:$0x1];
	s3 =	simm.s32 $0x0;
	s10 =	smul.u32 $0x50000, s0  }
0x5: {  	[smem:$0x7FF] =	sst s3;
	s1 =	sshll.u32 s5, $0x4;
	s13 =	smul.u32 $0x280, s0  }
0x6: {  	s9 =	ssub.s32 $0x2, s5;
	s5 =	sadd.s32 $0xCE00, s6;
	s16 =	smul.u32 $0x2800, s0  }
0x7: {  	s4 =	sor.u32 s0, s1;
	s1 =	rddreg [dreg:$0x2];
	_ =	strace $0x80000047  }
0x8: {  	s25 =	sshrl.u32 s9, $0x1;
	s4 =	smul.u32 $0x500, s4;
	s8 =	sadd.s32 s8, s6  }
0x9: {  	s9 =	ssub.s32 s9, s25;
	s26 =	sshrl.u32 s10, $0x2;
	s14 =	sadd.s32 $0x80, s13  }
0xa: {  	s17 =	sadd.s32 $0x100, s13;
	s29 =	sadd.s32 $0x180, s13;
	s13 =	sadd.s32 $0x200, s13  }
0xb: {  	s20 =	sadd.s32 $0xDE00, s8;
	s8 =	smax.u32 s9, $0x1;
	s15 =	sshll.u32 s14, $0x7  }
0xc: {  	s18 =	sshll.u32 s14, $0x4;
	s28 =	sshll.u32 s17, $0x7;
	s19 =	sshll.u32 s17, $0x4  }
0xd: {  	s30 =	sshll.u32 s29, $0x7;
	s31 =	sshll.u32 s13, $0x7;
	s21 =	sshll.u32 s29, $0x4  }
0xe: {  	s14 =	simm.s32 $0x1;
	s7 =	sadd.s32 s4, s6;
	s4 =	sadd.s32 $0xD600, s6  }
0xf: {  	s6 =	sadd.s32 s26, s2;
	s22 =	sadd.s32 s15, s2;
	s23 =	sadd.s32 s28, s2  }
0x10: {  	s24 =	sadd.s32 s30, s2;
	s25 =	sadd.s32 s31, s2;
	s26 =	sshll.u32 s13, $0x4  }
0x11: {  	s13 =	simm.s32 $0x2800;
	s15 =	simm.s32 $0x6800;
	s16 =	sadd.s32 s16, s20  }
0x12: {  	s17 =	sadd.s32 s18, s20;
	s18 =	sadd.s32 s19, s20;
	s19 =	sadd.s32 s21, s20  }
0x13: {  	s21 =	simm.s32 $0x80;
	s7 =	sadd.s32 $0x2E00, s7;
	s9 =	sadd.s32 $0x4000, s6  }
0x14: {  	s10 =	sadd.s32 $0x8000, s6;
	s11 =	sadd.s32 $0xC000, s6;
	s12 =	sadd.s32 $0x10000, s6  }
0x15: {  	s20 =	sadd.s32 s26, s20;
	s22 =	sshrl.u32 s22, $0x3;
	s23 =	sshrl.u32 s23, $0x3  }
0x16: {  	s24 =	sshrl.u32 s24, $0x3;
	s25 =	sshrl.u32 s25, $0x3;
	s26 =	simm.s32 $0x0  }
.LBB2_1:
0x17: {  	[tilespmem:s13], [sflag:$0x1] =	stream.linear.gather [hbm4b:s4+s3], $0x4000, $0x38;
	[tilespmem:$0x1E800] =	vst v63  }
0x18: {  	_ =	swait.ge [sflag:s14], $0x4000  }
0x19: {  	[sflag:s14] =	ssyncset.done $0x0  }
0x1a: {  	[sflag:s14] =	ssyncadd.s32 $0xFFFFC000  }
0x1b: {  	[tilespmem:s15], [sflag:$0x1] =	stream.linear.gather [hbm4b:s5+s3], $0x4000, $0x38;
	[tilespmem:$0x1E800] =	vst v63  }
0x1c: {  	_ =	swait.ge [sflag:s14], $0x4000  }
0x1d: {  	[sflag:s14] =	ssyncset.done $0x0  }
0x1e: {  	[sflag:s14] =	ssyncadd.s32 $0xFFFFC000  }
0x1f: {  	[spmem:s6] =	stream.linear.scatter [tilespmem:s15], [sflag:$0x1], $0x4000, $0x38;
	[tilespmem:$0x1E800] =	vst v63  }
0x20: {  	_ =	swait.ge [sflag:s14], $0x4000  }
0x21: {  	[sflag:s14] =	ssyncset.done $0x0  }
0x22: {  	[sflag:s14] =	ssyncadd.s32 $0xFFFFC000  }
0x23: {  	[spmem:s9] =	stream.linear.scatter [tilespmem:s15], [sflag:$0x1], $0x4000, $0x38;
	[tilespmem:$0x1E800] =	vst v63  }
0x24: {  	_ =	swait.ge [sflag:s14], $0x4000  }
0x25: {  	[sflag:s14] =	ssyncset.done $0x0  }
0x26: {  	[sflag:s14] =	ssyncadd.s32 $0xFFFFC000  }
0x27: {  	[spmem:s10] =	stream.linear.scatter [tilespmem:s15], [sflag:$0x1], $0x4000, $0x38;
	[tilespmem:$0x1E800] =	vst v63  }
0x28: {  	_ =	swait.ge [sflag:s14], $0x4000  }
0x29: {  	[sflag:s14] =	ssyncset.done $0x0  }
0x2a: {  	[sflag:s14] =	ssyncadd.s32 $0xFFFFC000  }
0x2b: {  	[spmem:s11] =	stream.linear.scatter [tilespmem:s15], [sflag:$0x1], $0x4000, $0x38;
	[tilespmem:$0x1E800] =	vst v63  }
0x2c: {  	_ =	swait.ge [sflag:s14], $0x4000  }
0x2d: {  	[sflag:s14] =	ssyncset.done $0x0  }
0x2e: {  	[sflag:s14] =	ssyncadd.s32 $0xFFFFC000  }
0x2f: {  	[spmem:s12] =	stream.linear.scatter [tilespmem:s15], [sflag:$0x1], $0x4000, $0x38;
	[tilespmem:$0x1E800] =	vst v63  }
0x30: {  	_ =	swait.ge [sflag:s14], $0x4000  }
0x31: {  	[sflag:s14] =	ssyncset.done $0x0  }
0x32: {  	[sflag:s14] =	ssyncadd.s32 $0xFFFFC000  }
0x33: {  	[tilespmem:s3], [sflag:$0x1] =	stream.linear.gather [hbm4b:s7+s3], $0x2800, $0x38;
	[tilespmem:$0x1E800] =	vst v63  }
0x34: {  	_ =	swait.ge [sflag:s14], $0x2800  }
0x35: {  	[sflag:s14] =	ssyncset.done $0x0  }
0x36: {  	[sflag:s14] =	ssyncadd.s32 $0xFFFFD800  }
0x37: {  	s28 =	simm.s32 $0x0;
	[bflag:$0x0] =	sbarrier.arrive $0xFFFF  }
0x38: {  	[spmem:s2] =	stream.indirect.scatter.add.f32 [tilespmem:s13], [sflag:$0x1], $0x80, s28, s21, $0xb8;
	[tilespmem:$0x1E800] =	vst v63  }
0x39: {  	_ =	swait.ge [sflag:s14], $0x4000  }
0x3a: {  	s28 =	simm.s32 $0x200;
	[sflag:s14] =	ssyncset.done $0x0  }
.LBB2_2:
0x3b: {  	s29 =	sshra.s32 s28, $0x2;
	[sflag:s14] =	ssyncadd.s32 $0xFFFFC000;
	p0 =	sne.s32 s28, $0x9E00  }
0x3c: {  	[spmem:s2] =	stream.indirect.scatter.add.f32 [tilespmem:s13], [sflag:$0x1], $0x80, s29, s21, $0xb8;
	[tilespmem:$0x1E800] =	vst v63  }
.Ltmp0:
0x3d: {  	_ = 	snop;
	(pc) =	sbr.rel @p0 .LBB2_2-.Ltmp0, $4  }
0x3e: {  	_ = 	snop  }
0x3f: {  	s28 =	sadd.s32 $0x200, s28  }
0x40: {  	_ =	swait.ge [sflag:s14], $0x4000  }
0x41: {  	[sflag:s14] =	ssyncset.done $0x0  }
0x42: {  	[sflag:s14] =	ssyncadd.s32 $0xFFFFC000;
	s28 =	sshll.u32 s0, $0x6  }
0x43: {  	s29 =	sshrl.u32 s6, $0x3;
	[bflag:$0x0] =	sbarrier.arrive $0xFFFF;
	s28 =	sor.u32 $0x1C01, s28  }
0x44: {  	[hbm:s16], [sflag:s28] =	dma.local [spmem:s29], $0x800  }
0x45: {  	_ =	swait.ge [sflag:s14], $0x800  }
0x46: {  	[sflag:s14] =	ssyncset.done $0x0  }
0x47: {  	[sflag:s14] =	ssyncadd.s32 $0xFFFFF800  }
0x48: {  	[hbm:s17], [sflag:s28] =	dma.local [spmem:s22], $0x800  }
0x49: {  	_ =	swait.ge [sflag:s14], $0x800  }
0x4a: {  	[sflag:s14] =	ssyncset.done $0x0  }
0x4b: {  	[sflag:s14] =	ssyncadd.s32 $0xFFFFF800  }
0x4c: {  	[hbm:s18], [sflag:s28] =	dma.local [spmem:s23], $0x800  }
0x4d: {  	_ =	swait.ge [sflag:s14], $0x800  }
0x4e: {  	[sflag:s14] =	ssyncset.done $0x0  }
0x4f: {  	[sflag:s14] =	ssyncadd.s32 $0xFFFFF800  }
0x50: {  	[hbm:s19], [sflag:s28] =	dma.local [spmem:s24], $0x800  }
0x51: {  	s26 =	sadd.s32 $0x1, s26;
	_ =	swait.ge [sflag:s14], $0x800  }
0x52: {  	p0 =	sne.s32 s26, s8;
	[sflag:s14] =	ssyncset.done $0x0  }
.Ltmp1:
0x53: {  	[sflag:s14] =	ssyncadd.s32 $0xFFFFF800;
	(pc) =	sbr.rel @p0 .LBB2_1-.Ltmp1, $4  }
0x54: {  	[hbm:s20], [sflag:s28] =	dma.local [spmem:s25], $0x800  }
0x55: {  	_ =	swait.ge [sflag:s14], $0x800  }
0x56: {  	[sflag:s14] =	ssyncset.done $0x0  }
0x57: {  	[sflag:s14] =	ssyncadd.s32 $0xFFFFF800  }
0x58: {  	_ =	sfence.sel $0x180000  }
0x59: {  	[bflag:$0x0] =	sbarrier.arrive $0xFFFF  }
0x5a: {  	p0 =	sne.s32 s0, $0x0;
	_ =	strace $0x90000047  }
0x5b: {  	s0 =	sadd.s32 @!p0 $0x100000, s1;
	[bflag:$0x2] =	sbarrier.arrive $0xFFFF  }
0x5c: {  	[sflag:s0] =	ssyncadd.tile.s32 @!p0 $0x1;
	_ =	shalt  }
.Lfunc_end2:
_tile_overlayer_lowered:
.L_overlay_start_2:
0x5d: {  	(tag) =	ssettag $0x2  }
0x5e: {  	s0 =	rddreg [dreg:$0x0];
	s2 =	stileid.u32  }
0x5f: {  	s1 =	rddreg [dreg:$0x1];
	p0 =	sne.s32 s2, $0x0  }
0x60: {  	s3 =	rddreg [dreg:$0x2];
	[bflag:$0x3] =	sbarrier.arrive $0xFFFF;
	s2 =	simm.s32 @!p0 $0x1C01  }
0x61: {  	[timem:s3], [sflag:s2] =	dma.local @!p0 [hbm:s0], s1  }
0x62: {  	s0 =	simm.s32 @!p0 $0x1  }
0x63: {  	_ =	swait.ge @!p0 [sflag:s0], s1  }
0x64: {  	s1 =	ssub.s32 @!p0 $0x0, s1;
	[sflag:s0] =	ssyncset.done @!p0 $0x0  }
0x65: {  	[sflag:s0] =	ssyncadd.s32 @!p0 s1  }
0x66: {  	[bflag:$0x3] =	sbarrier.arrive $0xFFFF  }
0x67: {  	_ =	shalt  }

// kernel: kernel.15.cloned.1.call-start
scs
__scs_entry_jumppad:
0x0: {  	(pc) =	sbr.rel $0x88, $3  }
0x1: {  	(tag) =	ssettag $0x0;
	lr =	simm.s32 $0x1  }
0x2: {  	[smem:$0x3F9C] =	sst lr;
	_ =	strace $0xD0000000  }
0x3: {  	_ = 	snop  }
0x4: {  	_ = 	snop  }
0x5: {  	_ = 	snop  }
0x6: {  	_ = 	snop  }
0x7: {  	_ = 	snop  }
__scs_overlays_trampoline_lowered:
0x8: {  	[smem:$0x3FAB] =	sst s0  }
0x9: {  	[smem:$0x3FAC] =	sst s1  }
0xa: {  	[smem:$0x3FAD] =	sst s2  }
0xb: {  	[smem:$0x3FAE] =	sst s3  }
0xc: {  	[smem:$0x3FAF] =	sst s4  }
0xd: {  	[smem:$0x3FB0] =	sst s5  }
0xe: {  	[smem:$0x3FB1] =	sst s6  }
0xf: {  	[smem:$0x3FB2] =	sst s7  }
0x10: {  	[smem:$0x3FB3] =	sst s8  }
0x11: {  	[smem:$0x3FB4] =	sst s9;
	s0 =	simm.s32 @!p0 $0x0  }
0x12: {  	s1 =	sld [smem:$0x3F9A];
	s0 =	simm.s32 @p0 $0x1  }
0x13: {  	[smem:$0x3FB5] =	sst s0;
	s0 =	simm.s32 @!p1 $0x0  }
0x14: {  	s2 =	sld [smem:$0x3F99];
	s0 =	simm.s32 @p1 $0x1  }
0x15: {  	[smem:$0x3FB6] =	sst s0;
	s0 =	simm.s32 @!p2 $0x0  }
0x16: {  	s3 =	sld [smem:$0x3FDB];
	s0 =	simm.s32 @p2 $0x1  }
0x17: {  	s4 =	simm.s32 $0x1BF5;
	[smem:$0x3FB8] =	sst s0  }
0x18: {  	s0 =	sld [smem:$0x3F9B];
	_ =	swait.ge [sflag:s4], $0x0  }
0x19: {  	s7 =	sld [smem:$0x3F9C]  }
0x1a: {  	s8 =	sadd.s32 $0xFFFFE003, lr  }
0x1b: {  	s9 =	sadd.s32 $0xFFFFFEF7, lr;
	s5 =	simm.s32 $0xFFFFFFFF;
	p2 =	slt.u32 s8, $0xFFFFF086  }
0x1c: {  	p1 =	slt.u32 s9, $0xF7A;
	s5 =	simm.s32 @!p2 $0x0  }
0x1d: {  	s5 =	simm.s32 @p1 $0x1;
	p0 =	seq.s32 s7, s2  }
0x1e: {  	s7 =	smul.u32 @!p0 $0xF7A, s2;
	p2 =	seq.s32 @!p0 s5, $0x0  }
0x1f: {  	s9 =	smul.u32 $0xF7A, s1;
	s8 =	simm.s32 @!p0 $0x1BF5;
	p2 =	por !p2, p0  }
0x20: {  	[sflag:s8] =	ssyncset.s32 @!p0 $0xFFFFF086;
	s6 =	sadd.s32 @!p0 s3, s7;
	s7 =	simm.s32 @!p0 $0x108  }
0x21: {  	s3 =	sadd.s32 s3, s9;
	s6 =	sadd.s32 @!p0 $0x88, s6;
	s7 =	simm.s32 @p2 $0x1082  }
0x22: {  	[simem:s7], [sflag:s8] =	dma.local @!p0 [hbm:s6], $0xF7A  }
0x23: {  	s9 =	sor.u32 $0xD0000000, s2;
	s6 =	simm.s32 $0x108;
	_ =	swait.ge @!p0 [sflag:s8], $0x0  }
0x24: {  	s3 =	sadd.s32 $0x88, s3;
	s6 =	simm.s32 @!p1 $0x1082;
	[sflag:s4] =	ssyncset.s32 $0xFFFFF086  }
0x25: {  	[simem:s6], [sflag:s4] =	dma.local [hbm:s3], $0xF7A  }
0x26: {  	[smem:$0x3F9C] =	sst s1;
	(tag) =	ssettag s2;
	_ =	strace s9  }
0x27: {  	s1 =	sld [smem:$0x3FAC]  }
0x28: {  	s2 =	sld [smem:$0x3FAD]  }
0x29: {  	s4 =	sld [smem:$0x3FAF]  }
0x2a: {  	p0 =	seq.s32 s5, $0x0;
	s5 =	sld [smem:$0x3FB0]  }
0x2b: {  	s6 =	sld [smem:$0x3FB1]  }
0x2c: {  	s7 =	sld [smem:$0x3FB2]  }
0x2d: {  	s3 =	simm.s32 $0x108;
	s8 =	sld [smem:$0x3FB3]  }
0x2e: {  	s3 =	simm.s32 @!p0 $0x1082;
	s9 =	sld [smem:$0x3FB4]  }
0x2f: {  	lr =	sadd.s32 s0, s3;
	s0 =	sld [smem:$0x3FAB]  }
0x30: {  	s3 =	sld [smem:$0x3FAE]  }
0x31: {  	[smem:$0x3FB7] =	sst s10  }
0x32: {  	s10 =	sld [smem:$0x3FB5];
	_ =	sdelay $0x3  }
0x33: {  	p0 =	seq.s32 s10, $0x1;
	s10 =	sld [smem:$0x3FB7];
	_ =	sdelay $0x3  }
0x34: {  	[smem:$0x3FB7] =	sst s10  }
0x35: {  	s10 =	sld [smem:$0x3FB6];
	_ =	sdelay $0x3  }
0x36: {  	p1 =	seq.s32 s10, $0x1;
	s10 =	sld [smem:$0x3FB7];
	_ =	sdelay $0x3  }
0x37: {  	[smem:$0x3FB7] =	sst s10  }
0x38: {  	s10 =	sld [smem:$0x3FB8]  }
0x39: {  	_ = 	snop;
	(pc) =	sbr.ind lr, $3  }
0x3a: {  	_ = 	snop  }
0x3b: {  	_ = 	snop  }
0x3c: {  	p2 =	seq.s32 s10, $0x1;
	s10 =	sld [smem:$0x3FB7]  }
0x3d: {  	_ =	shalt  }
0x3e: {  	_ =	shalt  }
0x3f: {  	_ =	shalt  }
0x40: {  	_ =	shalt  }
0x41: {  	_ =	shalt  }
0x42: {  	_ =	shalt  }
0x43: {  	_ =	shalt  }
0x44: {  	_ =	shalt  }
0x45: {  	_ =	shalt  }
0x46: {  	_ =	shalt  }
0x47: {  	_ =	shalt  }
0x48: {  	_ =	shalt  }
0x49: {  	_ =	shalt  }
0x4a: {  	_ =	shalt  }
0x4b: {  	_ =	shalt  }
0x4c: {  	_ =	shalt  }
0x4d: {  	_ =	shalt  }
0x4e: {  	_ =	shalt  }
0x4f: {  	_ =	shalt  }
0x50: {  	_ =	shalt  }
0x51: {  	_ =	shalt  }
0x52: {  	_ =	shalt  }
0x53: {  	_ =	shalt  }
0x54: {  	_ =	shalt  }
0x55: {  	_ =	shalt  }
0x56: {  	_ =	shalt  }
0x57: {  	_ =	shalt  }
0x58: {  	_ =	shalt  }
0x59: {  	_ =	shalt  }
0x5a: {  	_ =	shalt  }
0x5b: {  	_ =	shalt  }
0x5c: {  	_ =	shalt  }
0x5d: {  	_ =	shalt  }
0x5e: {  	_ =	shalt  }
0x5f: {  	_ =	shalt  }
0x60: {  	_ =	shalt  }
0x61: {  	_ =	shalt  }
0x62: {  	_ =	shalt  }
0x63: {  	_ =	shalt  }
0x64: {  	_ =	shalt  }
0x65: {  	_ =	shalt  }
0x66: {  	_ =	shalt  }
0x67: {  	_ =	shalt  }
0x68: {  	_ =	shalt  }
0x69: {  	_ =	shalt  }
0x6a: {  	_ =	shalt  }
0x6b: {  	_ =	shalt  }
0x6c: {  	_ =	shalt  }
0x6d: {  	_ =	shalt  }
0x6e: {  	_ =	shalt  }
0x6f: {  	_ =	shalt  }
0x70: {  	_ =	shalt  }
0x71: {  	_ =	shalt  }
0x72: {  	_ =	shalt  }
0x73: {  	_ =	shalt  }
0x74: {  	_ =	shalt  }
0x75: {  	_ =	shalt  }
0x76: {  	_ =	shalt  }
0x77: {  	_ =	shalt  }
0x78: {  	_ =	shalt  }
0x79: {  	_ =	shalt  }
0x7a: {  	_ =	shalt  }
0x7b: {  	_ =	shalt  }
0x7c: {  	_ =	shalt  }
0x7d: {  	_ =	shalt  }
0x7e: {  	_ =	shalt  }
0x7f: {  	_ =	shalt  }
0x80: {  	_ =	shalt  }
0x81: {  	_ =	shalt  }
0x82: {  	_ =	shalt  }
0x83: {  	_ =	shalt  }
0x84: {  	_ =	shalt  }
0x85: {  	_ =	shalt  }
0x86: {  	_ =	shalt  }
0x87: {  	_ =	shalt  }
.Lfunc_end0:
.L_simem_size_0:
called_computation.1_lowered:
.L_overlay_start_0:
0x88: {  	s2 =	sld [smem:$0x3FD9]  }
0x89: {  	s3 =	sld [smem:$0x3FFE];
	_ =	sdelay $0x1  }
0x8a: {  	s1 =	srdreg.scid  }
0x8b: {  	s0 =	sand.u32 $0x1, s1  }
0x8c: {  	s17 =	sshll.u32 s0, $0xA;
	s2 =	sadd.s32 s3, s2  }
0x8d: {  	s2 =	sadd.s32 s2, s17  }
0x8e: {  	[smem:$0x3FC3] =	sst s2  }
0x8f: {  	_ = 	snop  }
0x90: {  	s2 =	sld [smem:$0x3FD0];
	(tm) =	ssettm $0x1  }
0x91: {  	s18 =	sld [smem:$0x3FFB];
	_ =	sdelay $0x3  }
0x92: {  	_ =	strace s18  }
0x93: {  	s3 =	sld [smem:$0x3FFC];
	_ =	sdelay $0x3  }
0x94: {  	_ =	strace s3  }
0x95: {  	s3 =	sld [smem:$0x3FFD];
	_ =	sdelay $0x3  }
0x96: {  	_ =	strace s3  }
0x97: {  	_ =	strace $0x8FFFFFFF  }
0x98: {  	s19 =	sld [smem:$0x3FDB];
	_ =	sdelay $0x1  }
0x99: {  	s4 =	simm.s32 $_scs_section_size  }
0x9a: {  	s5 =	simm.s32 $_size__tile_overlayer_lowered;
	s6 =	simm.s32 $_tile_overlayer_lowered  }
0x9b: {  	s22 =	simm.s32 $0x1BFF;
	s21 =	sshll.u32 s6, $0x1;
	s3 =	sadd.s32 s4, s19  }
0x9c: {  	s7 =	simm.s32 $0x0;
	s20 =	sshll.u32 s5, $0x1;
	s5 =	sadd.s32 s21, s3  }
0x9d: {  	[timem:s7], [sflag:s22] =	dma.local [hbm:s5], s20  }
0x9e: {  	_ =	swait.ge [sflag:s22], s20  }
0x9f: {  	s4 =	ssub.s32 $0x0, s20;
	[sflag:s22] =	ssyncset.done $0x0  }
0xa0: {  	[sflag:s22] =	ssyncadd.s32 s4;
	_ =	sdelay $0x1  }
0xa1: {  	s23 =	simm.s32 $0x1B8B  }
0xa2: {  	_ =	swait.ge [sflag:s23], $0x1  }
0xa3: {  	[sflag:s23] =	ssyncset.done $0x0  }
0xa4: {  	s25 =	simm.s32 $0x1B8E;
	s24 =	sld [smem:$0x3FFE];
	[sflag:s23] =	ssyncadd.s32 $0xFFFFFFFF  }
0xa5: {  	s26 =	simm.s32 $execute0_lowered;
	[smem:$0x3FD2] =	sst s25  }
0xa6: {  	s5 =	sshll.u32 s26, $0x1;
	_ =	strace $0x80000049;
	[dreg:$0x1] =	wrdreg $0xFFFFFFFF  }
0xa7: {  	s28 =	simm.s32 $_size_execute0_lowered;
	s3 =	sadd.s32 s3, s5;
	[dreg:$0x0] =	wrdreg $0x0  }
0xa8: {  	s5 =	sshll.u32 s28, $0x1;
	[dreg:$0x2] =	wrdreg s3  }
0xa9: {  	[dreg:$0x3] =	wrdreg s5  }
0xaa: {  	[dreg:$0x4] =	wrdreg $0xC0  }
0xab: {  	_ =	task [dreg:s7], $0x5FFFF  }
0xac: {  	[dreg:$0x1] =	wrdreg $0xFFFFFFFF  }
0xad: {  	[dreg:$0x0] =	wrdreg $0x60  }
0xae: {  	[dreg:$0x2] =	wrdreg s24  }
0xaf: {  	[dreg:$0x3] =	wrdreg s2  }
0xb0: {  	[dreg:$0x4] =	wrdreg $0xA8000  }
0xb1: {  	[dreg:$0x5] =	wrdreg $0x9  }
0xb2: {  	_ =	task.clear_ibuf [dreg:s7], $0x6FFFF;
	_ =	strace $0x90000049  }
0xb3: {  	s29 =	simm.s32 $0x9;
	_ =	strace $0x8000004B  }
0xb4: {  	_ =	swait.ge [sflag:s29], $0x1  }
0xb5: {  	[sflag:s29] =	ssyncadd.s32 $0xFFFFFFFF  }
0xb6: {  	_ =	strace $0x9000004B  }
0xb7: {  	_ =	sfence  }
0xb8: {  	s30 =	sld [smem:$0x0];
	_ =	sdelay $0x2  }
0xb9: {  	s31 =	sshll.u32 s1, $0xD;
	s1 =	sshrl.u32 s1, $0x2  }
0xba: {  	s3 =	sand.u32 $0x4000, s31;
	s1 =	sadd.s32 s1, s30  }
0xbb: {  	s0 =	sor.u32 s3, s0;
	s1 =	sshll.u32 s1, $0x11  }
0xbc: {  	s0 =	sor.u32 s1, s0  }
0xbd: {  	s0 =	sadd.s32 $0x8F2B, s0  }
0xbe: {  	[sflag:s0] =	ssyncadd.remote.s32 $0x1  }
0xbf: {  	_ =	sfence.sel $0xFFFF  }
0xc0: {  	[dreg:$0x0] =	wrdreg $0xFFFFFFFF;
	(pc) =	sbr.abs _section_cstart, $3  }
0xc1: {  	[dreg:$0x1] =	wrdreg $0xFFFFFFFF  }
0xc2: {  	_ =	task.clear_ibuf [dreg:s7], $0x2FFFF;
	_ =	strace $0x9FFFFFFF  }
0xc3: {  	(tm) =	ssettm $0x7FFFFFFF  }
tec
execute0_lowered:
.L_overlay_start_1:
0x0: {  	(tag) =	ssettag $0x1  }
0x1: {  	s0 =	rddreg [dreg:$0x0]  }
0x2: {  	s9 =	rddreg [dreg:$0x1];
	s3 =	srdreg.scid  }
0x3: {  	s1 =	rddreg [dreg:$0x2];
	s2 =	simm.s32 $0x0;
	s16 =	sand.u32 $0x1, s3  }
0x4: {  	s28 =	simm.s32 $0x3400;
	s3 =	stileid.u32;
	s6 =	smul.u32 $0x28000, s16  }
0x5: {  	s29 =	simm.s32 $0x80;
	s30 =	simm.s32 $0x0;
	s8 =	smul.u32 $0x50000, s3  }
0x6: {  	[smem:$0x7FF] =	sst s2;
	s4 =	sadd.s32 $0x5DE00, s0;
	s12 =	smul.u32 $0x3400, s3  }
0x7: {  	s10 =	sadd.s32 $0x2E00, s0;
	s5 =	sadd.s32 $0xCE00, s0;
	s25 =	smul.u32 $0x380, s3  }
0x8: {  	_ =	strace $0x8000004A;
	s7 =	ssub.s32 $0x2, s16;
	s17 =	smul.u32 $0x280, s3  }
0x9: {  	s18 =	smul.u32 $0x2800, s3;
	p0 =	sne.s32 s16, $0x0;
	s11 =	sshrl.u32 s7, $0x1  }
0xa: {  	s0 =	sadd.s32 s6, s0;
	s11 =	ssub.s32 s7, s11;
	s23 =	sshrl.u32 s8, $0x2  }
0xb: {  	s24 =	sshrl.u32 s12, $0x3;
	s19 =	sadd.s32 $0x80, s17;
	s20 =	sadd.s32 $0x100, s17  }
0xc: {  	s7 =	sadd.s32 $0x180, s17;
	s17 =	sadd.s32 $0x200, s17;
	s6 =	sadd.s32 s23, s1  }
0xd: {  	s26 =	sadd.s32 $0x3800, s24;
	s0 =	sadd.s32 $0x85E00, s0;
	s11 =	smax.u32 s11, $0x1  }
0xe: {  	s21 =	sshll.u32 s19, $0x7;
	s22 =	sshll.u32 s20, $0x7;
	s19 =	sshll.u32 s19, $0x4  }
0xf: {  	s20 =	sshll.u32 s20, $0x4;
	s31 =	sadd.s32 s9, s26;
	s8 =	sadd.s32 s10, s26  }
0x10: {  	s9 =	sadd.s32 s9, s25;
	s10 =	sadd.s32 s10, s25;
	s12 =	sadd.s32 $0x4000, s6  }
0x11: {  	s13 =	sadd.s32 $0x8000, s6;
	s14 =	sadd.s32 $0xC000, s6;
	s15 =	sadd.s32 $0x10000, s6  }
0x12: {  	s23 =	sadd.s32 s21, s1;
	s24 =	sadd.s32 s22, s1;
	s25 =	sshll.u32 s7, $0x7  }
0x13: {  	s26 =	sshll.u32 s17, $0x7;
	s21 =	sshll.u32 s7, $0x4;
	s16 =	sadd.s32 s18, s0  }
.Ltmp0:
0x14: {  	s18 =	sadd.s32 s20, s0;
	[dreg:$0x4] =	wrdreg s31;
	(pc) =	sbr.rel .LBB2_1-.Ltmp0, $4  }
0x15: {  	s25 =	sadd.s32 s25, s1;
	s26 =	sadd.s32 s26, s1;
	s31 =	sshll.u32 s17, $0x4  }
0x16: {  	s17 =	sadd.s32 s19, s0;
	s19 =	sadd.s32 s21, s0;
	s21 =	simm.s32 $0x6800  }
0x17: {  	s22 =	sshrl.u32 s23, $0x3;
	s23 =	sshrl.u32 s24, $0x3;
	s20 =	sadd.s32 s31, s0  }
0x18: {  	s24 =	sshrl.u32 s25, $0x3;
	s25 =	sshrl.u32 s26, $0x3;
	s26 =	simm.s32 $0x1  }
.LBB2_7:
0x19: {  	s0 =	sshra.s32 s31, $0x2;
	[sflag:s26] =	ssyncadd.s32 $0xFFFFC000  }
0x1a: {  	[tilespmem:s21], [sflag:$0x1] =	stream.indirect.gather [hbm4b:s4+s29], $0x80, s0, s29, $0xb8;
	[tilespmem:$0x1E800] =	vst v63  }
0x1b: {  	_ =	swait.ge [sflag:s26], $0x4000  }
0x1c: {  	[sflag:s26] =	ssyncset.done $0x0  }
0x1d: {  	s0 =	sadd.s32 $0x3400, s0;
	[sflag:s26] =	ssyncadd.s32 $0xFFFFC000  }
0x1e: {  	[spmem:s1] =	stream.indirect.scatter.add.f32 [tilespmem:s21], [sflag:$0x1], $0x80, s0, s29, $0xb8;
	[tilespmem:$0x1E800] =	vst v63  }
0x1f: {  	_ =	swait.ge [sflag:s26], $0x4000  }
0x20: {  	[sflag:s26] =	ssyncset.done $0x0  }
0x21: {  	[sflag:s26] =	ssyncadd.s32 $0xFFFFC000  }
.LBB2_8:
0x22: {  	s0 =	sshll.u32 s3, $0x6  }
0x23: {  	[bflag:$0x0] =	sbarrier.arrive $0xFFFF;
	s2 =	sshrl.u32 s6, $0x3;
	s0 =	sor.u32 $0x1C01, s0  }
0x24: {  	[hbm:s16], [sflag:s0] =	dma.local [spmem:s2], $0x800  }
0x25: {  	_ =	swait.ge [sflag:s26], $0x800  }
0x26: {  	[sflag:s26] =	ssyncset.done $0x0  }
0x27: {  	[sflag:s26] =	ssyncadd.s32 $0xFFFFF800  }
0x28: {  	[hbm:s17], [sflag:s0] =	dma.local [spmem:s22], $0x800  }
0x29: {  	_ =	swait.ge [sflag:s26], $0x800  }
0x2a: {  	[sflag:s26] =	ssyncset.done $0x0  }
0x2b: {  	[sflag:s26] =	ssyncadd.s32 $0xFFFFF800  }
0x2c: {  	[hbm:s18], [sflag:s0] =	dma.local [spmem:s23], $0x800  }
0x2d: {  	_ =	swait.ge [sflag:s26], $0x800  }
0x2e: {  	[sflag:s26] =	ssyncset.done $0x0  }
0x2f: {  	[sflag:s26] =	ssyncadd.s32 $0xFFFFF800  }
0x30: {  	[hbm:s19], [sflag:s0] =	dma.local [spmem:s24], $0x800  }
0x31: {  	s30 =	sadd.s32 $0x1, s30;
	_ =	swait.ge [sflag:s26], $0x800  }
0x32: {  	p1 =	sne.s32 s30, s11;
	[sflag:s26] =	ssyncset.done $0x0  }
.Ltmp1:
0x33: {  	[sflag:s26] =	ssyncadd.s32 $0xFFFFF800;
	(pc) =	sbr.rel @!p1 .LBB2_9-.Ltmp1, $4  }
0x34: {  	[hbm:s20], [sflag:s0] =	dma.local [spmem:s25], $0x800  }
0x35: {  	_ =	swait.ge [sflag:s26], $0x800  }
0x36: {  	[sflag:s26] =	ssyncset.done $0x0  }
0x37: {  	[sflag:s26] =	ssyncadd.s32 $0xFFFFF800  }
.LBB2_1:
0x38: {  	s0 =	simm.s32 $0x0  }
0x39: {  	[tilespmem:s21], [sflag:$0x1] =	stream.linear.gather [hbm4b:s5+s0], $0x4000, $0x38;
	[tilespmem:$0x1E800] =	vst v63  }
0x3a: {  	_ =	swait.ge [sflag:s26], $0x4000  }
0x3b: {  	[sflag:s26] =	ssyncset.done $0x0  }
0x3c: {  	[sflag:s26] =	ssyncadd.s32 $0xFFFFC000  }
0x3d: {  	[spmem:s6] =	stream.linear.scatter [tilespmem:s21], [sflag:$0x1], $0x4000, $0x38;
	[tilespmem:$0x1E800] =	vst v63  }
0x3e: {  	_ =	swait.ge [sflag:s26], $0x4000  }
0x3f: {  	[sflag:s26] =	ssyncset.done $0x0  }
0x40: {  	[sflag:s26] =	ssyncadd.s32 $0xFFFFC000  }
0x41: {  	[spmem:s12] =	stream.linear.scatter [tilespmem:s21], [sflag:$0x1], $0x4000, $0x38;
	[tilespmem:$0x1E800] =	vst v63  }
0x42: {  	_ =	swait.ge [sflag:s26], $0x4000  }
0x43: {  	[sflag:s26] =	ssyncset.done $0x0  }
0x44: {  	[sflag:s26] =	ssyncadd.s32 $0xFFFFC000  }
0x45: {  	[spmem:s13] =	stream.linear.scatter [tilespmem:s21], [sflag:$0x1], $0x4000, $0x38;
	[tilespmem:$0x1E800] =	vst v63  }
0x46: {  	_ =	swait.ge [sflag:s26], $0x4000  }
0x47: {  	[sflag:s26] =	ssyncset.done $0x0  }
0x48: {  	[sflag:s26] =	ssyncadd.s32 $0xFFFFC000  }
0x49: {  	[spmem:s14] =	stream.linear.scatter [tilespmem:s21], [sflag:$0x1], $0x4000, $0x38;
	[tilespmem:$0x1E800] =	vst v63  }
0x4a: {  	_ =	swait.ge [sflag:s26], $0x4000  }
0x4b: {  	[sflag:s26] =	ssyncset.done $0x0  }
.Ltmp2:
0x4c: {  	[sflag:s26] =	ssyncadd.s32 $0xFFFFC000;
	(pc) =	sbr.rel @p0 .LBB2_5-.Ltmp2, $4  }
0x4d: {  	[spmem:s15] =	stream.linear.scatter [tilespmem:s21], [sflag:$0x1], $0x4000, $0x38;
	[tilespmem:$0x1E800] =	vst v63  }
0x4e: {  	_ =	swait.ge [sflag:s26], $0x4000  }
0x4f: {  	[sflag:s26] =	ssyncset.done $0x0  }
0x50: {  	s0 =	simm.s32 $0x0;
	[sflag:s26] =	ssyncadd.s32 $0xFFFFC000  }
0x51: {  	[tilespmem:s0], [sflag:$0x1] =	stream.linear.gather [hbm4b:s9+s0], $0x1C00, $0x38;
	[tilespmem:$0x1E800] =	vst v63  }
0x52: {  	_ =	swait.ge [sflag:s26], $0x1C00  }
0x53: {  	[sflag:s26] =	ssyncset.done $0x0  }
0x54: {  	[sflag:s26] =	ssyncadd.s32 $0xFFFFE400  }
0x55: {  	[tilespmem:s28], [sflag:$0x1] =	stream.linear.gather [hbm4b:s10+s0], $0x1C00, $0x38;
	[tilespmem:$0x1E800] =	vst v63  }
0x56: {  	_ =	swait.ge [sflag:s26], $0x1C00  }
0x57: {  	[sflag:s26] =	ssyncset.done $0x0  }
0x58: {  	[sflag:s26] =	ssyncadd.s32 $0xFFFFE400  }
0x59: {  	s2 =	simm.s32 $0x0;
	[bflag:$0x0] =	sbarrier.arrive $0xFFFF  }
0x5a: {  	[tilespmem:s21], [sflag:$0x1] =	stream.indirect.gather [hbm4b:s4+s29], $0x80, s2, s29, $0xb8;
	[tilespmem:$0x1E800] =	vst v63  }
0x5b: {  	_ =	swait.ge [sflag:s26], $0x4000  }
0x5c: {  	[sflag:s26] =	ssyncset.done $0x0  }
0x5d: {  	s7 =	simm.s32 $0x3400;
	[sflag:s26] =	ssyncadd.s32 $0xFFFFC000  }
0x5e: {  	[spmem:s1] =	stream.indirect.scatter.add.f32 [tilespmem:s21], [sflag:$0x1], $0x80, s7, s29, $0xb8;
	[tilespmem:$0x1E800] =	vst v63  }
0x5f: {  	_ =	swait.ge [sflag:s26], $0x4000  }
0x60: {  	s31 =	simm.s32 $0x200;
	s0 =	simm.s32 $0x400;
	[sflag:s26] =	ssyncset.done $0x0  }
.LBB2_3:
0x61: {  	s2 =	sshra.s32 s31, $0x2  }
0x62: {  	[sflag:s26] =	ssyncadd.s32 $0xFFFFC000;
	s31 =	smov.u32 s0;
	s7 =	sadd.s32 $0x200, s0  }
0x63: {  	[tilespmem:s21], [sflag:$0x1] =	stream.indirect.gather [hbm4b:s4+s29], $0x80, s2, s29, $0xb8;
	[tilespmem:$0x1E800] =	vst v63  }
0x64: {  	p1 =	seq.s32 s0, $0x6E00;
	_ =	swait.ge [sflag:s26], $0x4000  }
.Ltmp3:
0x65: {  	[sflag:s26] =	ssyncset.done $0x0;
	(pc) =	sbr.rel @!p1 .LBB2_3-.Ltmp3, $4  }
0x66: {  	s0 =	sadd.s32 $0x3400, s2;
	[sflag:s26] =	ssyncadd.s32 $0xFFFFC000  }
0x67: {  	[spmem:s1] =	stream.indirect.scatter.add.f32 [tilespmem:s21], [sflag:$0x1], $0x80, s0, s29, $0xb8;
	[tilespmem:$0x1E800] =	vst v63  }
0x68: {  	_ =	swait.ge [sflag:s26], $0x4000  }
0x69: {  	s0 =	smov.u32 s7;
	[sflag:s26] =	ssyncset.done $0x0  }
0x6a: {  	s0 =	sshra.s32 s31, $0x2;
	[sflag:s26] =	ssyncadd.s32 $0xFFFFC000  }
0x6b: {  	[tilespmem:s21], [sflag:$0x1] =	stream.indirect.gather [hbm4b:s4+s29], $0x80, s0, s29, $0xb8;
	[tilespmem:$0x1E800] =	vst v63  }
0x6c: {  	_ =	swait.ge [sflag:s26], $0x4000  }
0x6d: {  	[sflag:s26] =	ssyncset.done $0x0  }
.Ltmp4:
0x6e: {  	s0 =	sadd.s32 $0x3400, s0;
	[sflag:s26] =	ssyncadd.s32 $0xFFFFC000;
	(pc) =	sbr.rel .LBB2_8-.Ltmp4, $4  }
0x6f: {  	[spmem:s1] =	stream.indirect.scatter.add.f32 [tilespmem:s21], [sflag:$0x1], $0x80, s0, s29, $0xb8;
	[tilespmem:$0x1E800] =	vst v63  }
0x70: {  	_ =	swait.ge [sflag:s26], $0x4000  }
0x71: {  	[sflag:s26] =	ssyncset.done $0x0  }
0x72: {  	[sflag:s26] =	ssyncadd.s32 $0xFFFFC000  }
.LBB2_5:
0x73: {  	s2 =	rddreg [dreg:$0x4]  }
0x74: {  	[tilespmem:s0], [sflag:$0x1] =	stream.linear.gather [hbm4b:s2+s0], $0x3400, $0x38;
	[tilespmem:$0x1E800] =	vst v63  }
0x75: {  	_ =	swait.ge [sflag:s26], $0x3400  }
0x76: {  	[sflag:s26] =	ssyncset.done $0x0  }
0x77: {  	[sflag:s26] =	ssyncadd.s32 $0xFFFFCC00  }
0x78: {  	[tilespmem:s28], [sflag:$0x1] =	stream.linear.gather [hbm4b:s8+s0], $0x3400, $0x38;
	[tilespmem:$0x1E800] =	vst v63  }
0x79: {  	_ =	swait.ge [sflag:s26], $0x3400  }
0x7a: {  	[sflag:s26] =	ssyncset.done $0x0  }
0x7b: {  	[sflag:s26] =	ssyncadd.s32 $0xFFFFCC00  }
0x7c: {  	s2 =	simm.s32 $0x0;
	[bflag:$0x0] =	sbarrier.arrive $0xFFFF  }
0x7d: {  	[tilespmem:s21], [sflag:$0x1] =	stream.indirect.gather [hbm4b:s4+s29], $0x80, s2, s29, $0xb8;
	[tilespmem:$0x1E800] =	vst v63  }
0x7e: {  	_ =	swait.ge [sflag:s26], $0x4000  }
0x7f: {  	[sflag:s26] =	ssyncset.done $0x0  }
0x80: {  	s7 =	simm.s32 $0x3400;
	[sflag:s26] =	ssyncadd.s32 $0xFFFFC000  }
0x81: {  	[spmem:s1] =	stream.indirect.scatter.add.f32 [tilespmem:s21], [sflag:$0x1], $0x80, s7, s29, $0xb8;
	[tilespmem:$0x1E800] =	vst v63  }
0x82: {  	_ =	swait.ge [sflag:s26], $0x4000  }
0x83: {  	s31 =	simm.s32 $0x200;
	s0 =	simm.s32 $0x400;
	[sflag:s26] =	ssyncset.done $0x0  }
.LBB2_6:
0x84: {  	s2 =	sshra.s32 s31, $0x2  }
0x85: {  	[sflag:s26] =	ssyncadd.s32 $0xFFFFC000;
	s31 =	smov.u32 s0;
	s7 =	sadd.s32 $0x200, s0  }
0x86: {  	[tilespmem:s21], [sflag:$0x1] =	stream.indirect.gather [hbm4b:s4+s29], $0x80, s2, s29, $0xb8;
	[tilespmem:$0x1E800] =	vst v63  }
0x87: {  	p1 =	sne.s32 s0, $0xCE00;
	_ =	swait.ge [sflag:s26], $0x4000  }
.Ltmp5:
0x88: {  	[sflag:s26] =	ssyncset.done $0x0;
	(pc) =	sbr.rel @p1 .LBB2_6-.Ltmp5, $4  }
0x89: {  	s0 =	sadd.s32 $0x3400, s2;
	[sflag:s26] =	ssyncadd.s32 $0xFFFFC000  }
0x8a: {  	[spmem:s1] =	stream.indirect.scatter.add.f32 [tilespmem:s21], [sflag:$0x1], $0x80, s0, s29, $0xb8;
	[tilespmem:$0x1E800] =	vst v63  }
0x8b: {  	_ =	swait.ge [sflag:s26], $0x4000  }
0x8c: {  	s0 =	smov.u32 s7;
	[sflag:s26] =	ssyncset.done $0x0  }
.Ltmp6:
0x8d: {  	_ = 	snop;
	(pc) =	sbr.rel .LBB2_7-.Ltmp6, $1  }
0x8e: {  	_ =	sdelay $0x3  }
.LBB2_9:
0x8f: {  	_ =	sfence.sel $0x180000  }
0x90: {  	[bflag:$0x0] =	sbarrier.arrive $0xFFFF  }
0x91: {  	_ =	strace $0x9000004A  }
0x92: {  	[bflag:$0x2] =	sbarrier.arrive $0xFFFF  }
0x93: {  	p0 =	sne.s32 s3, $0x0;
	s0 =	rddreg [dreg:$0x3]  }
0x94: {  	s0 =	sadd.s32 @!p0 $0x100000, s0  }
0x95: {  	[sflag:s0] =	ssyncadd.tile.s32 @!p0 $0x1;
	_ =	shalt  }
.Lfunc_end2:
_tile_overlayer_lowered:
.L_overlay_start_2:
0x96: {  	(tag) =	ssettag $0x2  }
0x97: {  	s0 =	rddreg [dreg:$0x0];
	s2 =	stileid.u32  }
0x98: {  	s1 =	rddreg [dreg:$0x1];
	p0 =	sne.s32 s2, $0x0  }
0x99: {  	s3 =	rddreg [dreg:$0x2];
	[bflag:$0x3] =	sbarrier.arrive $0xFFFF;
	s2 =	simm.s32 @!p0 $0x1C01  }
0x9a: {  	[timem:s3], [sflag:s2] =	dma.local @!p0 [hbm:s0], s1  }
0x9b: {  	s0 =	simm.s32 @!p0 $0x1  }
0x9c: {  	_ =	swait.ge @!p0 [sflag:s0], s1  }
0x9d: {  	s1 =	ssub.s32 @!p0 $0x0, s1;
	[sflag:s0] =	ssyncset.done @!p0 $0x0  }
0x9e: {  	[sflag:s0] =	ssyncadd.s32 @!p0 s1  }
0x9f: {  	[bflag:$0x3] =	sbarrier.arrive $0xFFFF  }
0xa0: {  	_ =	shalt  }

// kernel: kernel.18.cloned.1.call-start
scs
__scs_entry_jumppad:
0x0: {  	(pc) =	sbr.rel $0x88, $3  }
0x1: {  	(tag) =	ssettag $0x0;
	lr =	simm.s32 $0x1  }
0x2: {  	[smem:$0x3F9C] =	sst lr;
	_ =	strace $0xD0000000  }
0x3: {  	_ = 	snop  }
0x4: {  	_ = 	snop  }
0x5: {  	_ = 	snop  }
0x6: {  	_ = 	snop  }
0x7: {  	_ = 	snop  }
__scs_overlays_trampoline_lowered:
0x8: {  	[smem:$0x3FAB] =	sst s0  }
0x9: {  	[smem:$0x3FAC] =	sst s1  }
0xa: {  	[smem:$0x3FAD] =	sst s2  }
0xb: {  	[smem:$0x3FAE] =	sst s3  }
0xc: {  	[smem:$0x3FAF] =	sst s4  }
0xd: {  	[smem:$0x3FB0] =	sst s5  }
0xe: {  	[smem:$0x3FB1] =	sst s6  }
0xf: {  	[smem:$0x3FB2] =	sst s7  }
0x10: {  	[smem:$0x3FB3] =	sst s8  }
0x11: {  	[smem:$0x3FB4] =	sst s9;
	s0 =	simm.s32 @!p0 $0x0  }
0x12: {  	s1 =	sld [smem:$0x3F9A];
	s0 =	simm.s32 @p0 $0x1  }
0x13: {  	[smem:$0x3FB5] =	sst s0;
	s0 =	simm.s32 @!p1 $0x0  }
0x14: {  	s2 =	sld [smem:$0x3F99];
	s0 =	simm.s32 @p1 $0x1  }
0x15: {  	[smem:$0x3FB6] =	sst s0;
	s0 =	simm.s32 @!p2 $0x0  }
0x16: {  	s3 =	sld [smem:$0x3FDB];
	s0 =	simm.s32 @p2 $0x1  }
0x17: {  	s4 =	simm.s32 $0x1BF5;
	[smem:$0x3FB8] =	sst s0  }
0x18: {  	s0 =	sld [smem:$0x3F9B];
	_ =	swait.ge [sflag:s4], $0x0  }
0x19: {  	s7 =	sld [smem:$0x3F9C]  }
0x1a: {  	s8 =	sadd.s32 $0xFFFFE003, lr  }
0x1b: {  	s9 =	sadd.s32 $0xFFFFFEF7, lr;
	s5 =	simm.s32 $0xFFFFFFFF;
	p2 =	slt.u32 s8, $0xFFFFF086  }
0x1c: {  	p1 =	slt.u32 s9, $0xF7A;
	s5 =	simm.s32 @!p2 $0x0  }
0x1d: {  	s5 =	simm.s32 @p1 $0x1;
	p0 =	seq.s32 s7, s2  }
0x1e: {  	s7 =	smul.u32 @!p0 $0xF7A, s2;
	p2 =	seq.s32 @!p0 s5, $0x0  }
0x1f: {  	s9 =	smul.u32 $0xF7A, s1;
	s8 =	simm.s32 @!p0 $0x1BF5;
	p2 =	por !p2, p0  }
0x20: {  	[sflag:s8] =	ssyncset.s32 @!p0 $0xFFFFF086;
	s6 =	sadd.s32 @!p0 s3, s7;
	s7 =	simm.s32 @!p0 $0x108  }
0x21: {  	s3 =	sadd.s32 s3, s9;
	s6 =	sadd.s32 @!p0 $0x88, s6;
	s7 =	simm.s32 @p2 $0x1082  }
0x22: {  	[simem:s7], [sflag:s8] =	dma.local @!p0 [hbm:s6], $0xF7A  }
0x23: {  	s9 =	sor.u32 $0xD0000000, s2;
	s6 =	simm.s32 $0x108;
	_ =	swait.ge @!p0 [sflag:s8], $0x0  }
0x24: {  	s3 =	sadd.s32 $0x88, s3;
	s6 =	simm.s32 @!p1 $0x1082;
	[sflag:s4] =	ssyncset.s32 $0xFFFFF086  }
0x25: {  	[simem:s6], [sflag:s4] =	dma.local [hbm:s3], $0xF7A  }
0x26: {  	[smem:$0x3F9C] =	sst s1;
	(tag) =	ssettag s2;
	_ =	strace s9  }
0x27: {  	s1 =	sld [smem:$0x3FAC]  }
0x28: {  	s2 =	sld [smem:$0x3FAD]  }
0x29: {  	s4 =	sld [smem:$0x3FAF]  }
0x2a: {  	p0 =	seq.s32 s5, $0x0;
	s5 =	sld [smem:$0x3FB0]  }
0x2b: {  	s6 =	sld [smem:$0x3FB1]  }
0x2c: {  	s7 =	sld [smem:$0x3FB2]  }
0x2d: {  	s3 =	simm.s32 $0x108;
	s8 =	sld [smem:$0x3FB3]  }
0x2e: {  	s3 =	simm.s32 @!p0 $0x1082;
	s9 =	sld [smem:$0x3FB4]  }
0x2f: {  	lr =	sadd.s32 s0, s3;
	s0 =	sld [smem:$0x3FAB]  }
0x30: {  	s3 =	sld [smem:$0x3FAE]  }
0x31: {  	[smem:$0x3FB7] =	sst s10  }
0x32: {  	s10 =	sld [smem:$0x3FB5];
	_ =	sdelay $0x3  }
0x33: {  	p0 =	seq.s32 s10, $0x1;
	s10 =	sld [smem:$0x3FB7];
	_ =	sdelay $0x3  }
0x34: {  	[smem:$0x3FB7] =	sst s10  }
0x35: {  	s10 =	sld [smem:$0x3FB6];
	_ =	sdelay $0x3  }
0x36: {  	p1 =	seq.s32 s10, $0x1;
	s10 =	sld [smem:$0x3FB7];
	_ =	sdelay $0x3  }
0x37: {  	[smem:$0x3FB7] =	sst s10  }
0x38: {  	s10 =	sld [smem:$0x3FB8]  }
0x39: {  	_ = 	snop;
	(pc) =	sbr.ind lr, $3  }
0x3a: {  	_ = 	snop  }
0x3b: {  	_ = 	snop  }
0x3c: {  	p2 =	seq.s32 s10, $0x1;
	s10 =	sld [smem:$0x3FB7]  }
0x3d: {  	_ =	shalt  }
0x3e: {  	_ =	shalt  }
0x3f: {  	_ =	shalt  }
0x40: {  	_ =	shalt  }
0x41: {  	_ =	shalt  }
0x42: {  	_ =	shalt  }
0x43: {  	_ =	shalt  }
0x44: {  	_ =	shalt  }
0x45: {  	_ =	shalt  }
0x46: {  	_ =	shalt  }
0x47: {  	_ =	shalt  }
0x48: {  	_ =	shalt  }
0x49: {  	_ =	shalt  }
0x4a: {  	_ =	shalt  }
0x4b: {  	_ =	shalt  }
0x4c: {  	_ =	shalt  }
0x4d: {  	_ =	shalt  }
0x4e: {  	_ =	shalt  }
0x4f: {  	_ =	shalt  }
0x50: {  	_ =	shalt  }
0x51: {  	_ =	shalt  }
0x52: {  	_ =	shalt  }
0x53: {  	_ =	shalt  }
0x54: {  	_ =	shalt  }
0x55: {  	_ =	shalt  }
0x56: {  	_ =	shalt  }
0x57: {  	_ =	shalt  }
0x58: {  	_ =	shalt  }
0x59: {  	_ =	shalt  }
0x5a: {  	_ =	shalt  }
0x5b: {  	_ =	shalt  }
0x5c: {  	_ =	shalt  }
0x5d: {  	_ =	shalt  }
0x5e: {  	_ =	shalt  }
0x5f: {  	_ =	shalt  }
0x60: {  	_ =	shalt  }
0x61: {  	_ =	shalt  }
0x62: {  	_ =	shalt  }
0x63: {  	_ =	shalt  }
0x64: {  	_ =	shalt  }
0x65: {  	_ =	shalt  }
0x66: {  	_ =	shalt  }
0x67: {  	_ =	shalt  }
0x68: {  	_ =	shalt  }
0x69: {  	_ =	shalt  }
0x6a: {  	_ =	shalt  }
0x6b: {  	_ =	shalt  }
0x6c: {  	_ =	shalt  }
0x6d: {  	_ =	shalt  }
0x6e: {  	_ =	shalt  }
0x6f: {  	_ =	shalt  }
0x70: {  	_ =	shalt  }
0x71: {  	_ =	shalt  }
0x72: {  	_ =	shalt  }
0x73: {  	_ =	shalt  }
0x74: {  	_ =	shalt  }
0x75: {  	_ =	shalt  }
0x76: {  	_ =	shalt  }
0x77: {  	_ =	shalt  }
0x78: {  	_ =	shalt  }
0x79: {  	_ =	shalt  }
0x7a: {  	_ =	shalt  }
0x7b: {  	_ =	shalt  }
0x7c: {  	_ =	shalt  }
0x7d: {  	_ =	shalt  }
0x7e: {  	_ =	shalt  }
0x7f: {  	_ =	shalt  }
0x80: {  	_ =	shalt  }
0x81: {  	_ =	shalt  }
0x82: {  	_ =	shalt  }
0x83: {  	_ =	shalt  }
0x84: {  	_ =	shalt  }
0x85: {  	_ =	shalt  }
0x86: {  	_ =	shalt  }
0x87: {  	_ =	shalt  }
.Lfunc_end0:
.L_simem_size_0:
called_computation.2_lowered:
.L_overlay_start_0:
0x88: {  	s2 =	sld [smem:$0x3FD9]  }
0x89: {  	s3 =	sld [smem:$0x3FFE];
	_ =	sdelay $0x1  }
0x8a: {  	s1 =	srdreg.scid  }
0x8b: {  	s0 =	sand.u32 $0x1, s1  }
0x8c: {  	s17 =	sshll.u32 s0, $0xA;
	s2 =	sadd.s32 s3, s2  }
0x8d: {  	s2 =	sadd.s32 s2, s17  }
0x8e: {  	[smem:$0x3FC3] =	sst s2  }
0x8f: {  	_ = 	snop  }
0x90: {  	s2 =	sld [smem:$0x3FD0];
	(tm) =	ssettm $0x1  }
0x91: {  	s18 =	sld [smem:$0x3FFB];
	_ =	sdelay $0x3  }
0x92: {  	_ =	strace s18  }
0x93: {  	s3 =	sld [smem:$0x3FFC];
	_ =	sdelay $0x3  }
0x94: {  	_ =	strace s3  }
0x95: {  	s3 =	sld [smem:$0x3FFD];
	_ =	sdelay $0x3  }
0x96: {  	_ =	strace s3  }
0x97: {  	_ =	strace $0x8FFFFFFF  }
0x98: {  	s19 =	sld [smem:$0x3FDB];
	_ =	sdelay $0x1  }
0x99: {  	s4 =	simm.s32 $_scs_section_size  }
0x9a: {  	s5 =	simm.s32 $_size__tile_overlayer_lowered;
	s6 =	simm.s32 $_tile_overlayer_lowered  }
0x9b: {  	s22 =	simm.s32 $0x1BFF;
	s21 =	sshll.u32 s6, $0x1;
	s3 =	sadd.s32 s4, s19  }
0x9c: {  	s7 =	simm.s32 $0x0;
	s20 =	sshll.u32 s5, $0x1;
	s5 =	sadd.s32 s21, s3  }
0x9d: {  	[timem:s7], [sflag:s22] =	dma.local [hbm:s5], s20  }
0x9e: {  	_ =	swait.ge [sflag:s22], s20  }
0x9f: {  	s4 =	ssub.s32 $0x0, s20;
	[sflag:s22] =	ssyncset.done $0x0  }
0xa0: {  	[sflag:s22] =	ssyncadd.s32 s4;
	_ =	sdelay $0x1  }
0xa1: {  	s23 =	simm.s32 $0x1B8B  }
0xa2: {  	_ =	swait.ge [sflag:s23], $0x1  }
0xa3: {  	[sflag:s23] =	ssyncset.done $0x0  }
0xa4: {  	s25 =	simm.s32 $0x1B8E;
	s24 =	sld [smem:$0x3FFE];
	[sflag:s23] =	ssyncadd.s32 $0xFFFFFFFF  }
0xa5: {  	s26 =	simm.s32 $execute0_lowered;
	[smem:$0x3FD2] =	sst s25  }
0xa6: {  	s5 =	sshll.u32 s26, $0x1;
	_ =	strace $0x8000004C;
	[dreg:$0x1] =	wrdreg $0xFFFFFFFF  }
0xa7: {  	s28 =	simm.s32 $_size_execute0_lowered;
	s3 =	sadd.s32 s3, s5;
	[dreg:$0x0] =	wrdreg $0x0  }
0xa8: {  	s5 =	sshll.u32 s28, $0x1;
	[dreg:$0x2] =	wrdreg s3  }
0xa9: {  	[dreg:$0x3] =	wrdreg s5  }
0xaa: {  	[dreg:$0x4] =	wrdreg $0xC0  }
0xab: {  	_ =	task [dreg:s7], $0x5FFFF  }
0xac: {  	[dreg:$0x1] =	wrdreg $0xFFFFFFFF  }
0xad: {  	[dreg:$0x0] =	wrdreg $0x60  }
0xae: {  	[dreg:$0x2] =	wrdreg s24  }
0xaf: {  	[dreg:$0x3] =	wrdreg s2  }
0xb0: {  	[dreg:$0x4] =	wrdreg $0xA8000  }
0xb1: {  	[dreg:$0x5] =	wrdreg $0x9  }
0xb2: {  	_ =	task.clear_ibuf [dreg:s7], $0x6FFFF;
	_ =	strace $0x9000004C  }
0xb3: {  	s29 =	simm.s32 $0x9;
	_ =	strace $0x8000004E  }
0xb4: {  	_ =	swait.ge [sflag:s29], $0x1  }
0xb5: {  	[sflag:s29] =	ssyncadd.s32 $0xFFFFFFFF  }
0xb6: {  	_ =	strace $0x9000004E  }
0xb7: {  	_ =	sfence  }
0xb8: {  	s30 =	sld [smem:$0x0];
	_ =	sdelay $0x2  }
0xb9: {  	s31 =	sshll.u32 s1, $0xD;
	s1 =	sshrl.u32 s1, $0x2  }
0xba: {  	s3 =	sand.u32 $0x4000, s31;
	s1 =	sadd.s32 s1, s30  }
0xbb: {  	s0 =	sor.u32 s3, s0;
	s1 =	sshll.u32 s1, $0x11  }
0xbc: {  	s0 =	sor.u32 s1, s0  }
0xbd: {  	s0 =	sadd.s32 $0x8F2B, s0  }
0xbe: {  	[sflag:s0] =	ssyncadd.remote.s32 $0x1  }
0xbf: {  	_ =	sfence.sel $0xFFFF  }
0xc0: {  	[dreg:$0x0] =	wrdreg $0xFFFFFFFF;
	(pc) =	sbr.abs _section_cstart, $3  }
0xc1: {  	[dreg:$0x1] =	wrdreg $0xFFFFFFFF  }
0xc2: {  	_ =	task.clear_ibuf [dreg:s7], $0x2FFFF;
	_ =	strace $0x9FFFFFFF  }
0xc3: {  	(tm) =	ssettm $0x7FFFFFFF  }
tec
execute0_lowered:
.L_overlay_start_1:
0x0: {  	(tag) =	ssettag $0x1  }
0x1: {  	s0 =	rddreg [dreg:$0x0]  }
0x2: {  	s9 =	rddreg [dreg:$0x1];
	s3 =	srdreg.scid  }
0x3: {  	s1 =	rddreg [dreg:$0x2];
	s2 =	simm.s32 $0x0;
	s16 =	sand.u32 $0x1, s3  }
0x4: {  	s28 =	simm.s32 $0x3400;
	s3 =	stileid.u32;
	s6 =	smul.u32 $0x28000, s16  }
0x5: {  	s29 =	simm.s32 $0x80;
	s30 =	simm.s32 $0x0;
	s8 =	smul.u32 $0x50000, s3  }
0x6: {  	[smem:$0x7FF] =	sst s2;
	s4 =	sadd.s32 $0x5DE00, s0;
	s12 =	smul.u32 $0x3400, s3  }
0x7: {  	s10 =	sadd.s32 $0x2E00, s0;
	s5 =	sadd.s32 $0xCE00, s0;
	s25 =	smul.u32 $0x380, s3  }
0x8: {  	_ =	strace $0x8000004D;
	s7 =	ssub.s32 $0x2, s16;
	s17 =	smul.u32 $0x280, s3  }
0x9: {  	s18 =	smul.u32 $0x2800, s3;
	p0 =	sne.s32 s16, $0x0;
	s11 =	sshrl.u32 s7, $0x1  }
0xa: {  	s0 =	sadd.s32 s6, s0;
	s11 =	ssub.s32 s7, s11;
	s23 =	sshrl.u32 s8, $0x2  }
0xb: {  	s24 =	sshrl.u32 s12, $0x3;
	s19 =	sadd.s32 $0x80, s17;
	s20 =	sadd.s32 $0x100, s17  }
0xc: {  	s7 =	sadd.s32 $0x180, s17;
	s17 =	sadd.s32 $0x200, s17;
	s6 =	sadd.s32 s23, s1  }
0xd: {  	s26 =	sadd.s32 $0x3800, s24;
	s0 =	sadd.s32 $0x85E00, s0;
	s11 =	smax.u32 s11, $0x1  }
0xe: {  	s21 =	sshll.u32 s19, $0x7;
	s22 =	sshll.u32 s20, $0x7;
	s19 =	sshll.u32 s19, $0x4  }
0xf: {  	s20 =	sshll.u32 s20, $0x4;
	s31 =	sadd.s32 s9, s26;
	s8 =	sadd.s32 s10, s26  }
0x10: {  	s9 =	sadd.s32 s9, s25;
	s10 =	sadd.s32 s10, s25;
	s12 =	sadd.s32 $0x4000, s6  }
0x11: {  	s13 =	sadd.s32 $0x8000, s6;
	s14 =	sadd.s32 $0xC000, s6;
	s15 =	sadd.s32 $0x10000, s6  }
0x12: {  	s23 =	sadd.s32 s21, s1;
	s24 =	sadd.s32 s22, s1;
	s25 =	sshll.u32 s7, $0x7  }
0x13: {  	s26 =	sshll.u32 s17, $0x7;
	s21 =	sshll.u32 s7, $0x4;
	s16 =	sadd.s32 s18, s0  }
.Ltmp0:
0x14: {  	s18 =	sadd.s32 s20, s0;
	[dreg:$0x4] =	wrdreg s31;
	(pc) =	sbr.rel .LBB2_1-.Ltmp0, $4  }
0x15: {  	s25 =	sadd.s32 s25, s1;
	s26 =	sadd.s32 s26, s1;
	s31 =	sshll.u32 s17, $0x4  }
0x16: {  	s17 =	sadd.s32 s19, s0;
	s19 =	sadd.s32 s21, s0;
	s21 =	simm.s32 $0x6800  }
0x17: {  	s22 =	sshrl.u32 s23, $0x3;
	s23 =	sshrl.u32 s24, $0x3;
	s20 =	sadd.s32 s31, s0  }
0x18: {  	s24 =	sshrl.u32 s25, $0x3;
	s25 =	sshrl.u32 s26, $0x3;
	s26 =	simm.s32 $0x1  }
.LBB2_7:
0x19: {  	s0 =	sshra.s32 s31, $0x2;
	[sflag:s26] =	ssyncadd.s32 $0xFFFFC000  }
0x1a: {  	[tilespmem:s21], [sflag:$0x1] =	stream.indirect.gather [hbm4b:s4+s29], $0x80, s0, s29, $0xb8;
	[tilespmem:$0x1E800] =	vst v63  }
0x1b: {  	_ =	swait.ge [sflag:s26], $0x4000  }
0x1c: {  	[sflag:s26] =	ssyncset.done $0x0  }
0x1d: {  	s0 =	sadd.s32 $0x3400, s0;
	[sflag:s26] =	ssyncadd.s32 $0xFFFFC000  }
0x1e: {  	[spmem:s1] =	stream.indirect.scatter.add.f32 [tilespmem:s21], [sflag:$0x1], $0x80, s0, s29, $0xb8;
	[tilespmem:$0x1E800] =	vst v63  }
0x1f: {  	_ =	swait.ge [sflag:s26], $0x4000  }
0x20: {  	[sflag:s26] =	ssyncset.done $0x0  }
0x21: {  	[sflag:s26] =	ssyncadd.s32 $0xFFFFC000  }
.LBB2_8:
0x22: {  	s0 =	sshll.u32 s3, $0x6  }
0x23: {  	[bflag:$0x0] =	sbarrier.arrive $0xFFFF;
	s2 =	sshrl.u32 s6, $0x3;
	s0 =	sor.u32 $0x1C01, s0  }
0x24: {  	[hbm:s16], [sflag:s0] =	dma.local [spmem:s2], $0x800  }
0x25: {  	_ =	swait.ge [sflag:s26], $0x800  }
0x26: {  	[sflag:s26] =	ssyncset.done $0x0  }
0x27: {  	[sflag:s26] =	ssyncadd.s32 $0xFFFFF800  }
0x28: {  	[hbm:s17], [sflag:s0] =	dma.local [spmem:s22], $0x800  }
0x29: {  	_ =	swait.ge [sflag:s26], $0x800  }
0x2a: {  	[sflag:s26] =	ssyncset.done $0x0  }
0x2b: {  	[sflag:s26] =	ssyncadd.s32 $0xFFFFF800  }
0x2c: {  	[hbm:s18], [sflag:s0] =	dma.local [spmem:s23], $0x800  }
0x2d: {  	_ =	swait.ge [sflag:s26], $0x800  }
0x2e: {  	[sflag:s26] =	ssyncset.done $0x0  }
0x2f: {  	[sflag:s26] =	ssyncadd.s32 $0xFFFFF800  }
0x30: {  	[hbm:s19], [sflag:s0] =	dma.local [spmem:s24], $0x800  }
0x31: {  	s30 =	sadd.s32 $0x1, s30;
	_ =	swait.ge [sflag:s26], $0x800  }
0x32: {  	p1 =	sne.s32 s30, s11;
	[sflag:s26] =	ssyncset.done $0x0  }
.Ltmp1:
0x33: {  	[sflag:s26] =	ssyncadd.s32 $0xFFFFF800;
	(pc) =	sbr.rel @!p1 .LBB2_9-.Ltmp1, $4  }
0x34: {  	[hbm:s20], [sflag:s0] =	dma.local [spmem:s25], $0x800  }
0x35: {  	_ =	swait.ge [sflag:s26], $0x800  }
0x36: {  	[sflag:s26] =	ssyncset.done $0x0  }
0x37: {  	[sflag:s26] =	ssyncadd.s32 $0xFFFFF800  }
.LBB2_1:
0x38: {  	s0 =	simm.s32 $0x0  }
0x39: {  	[tilespmem:s21], [sflag:$0x1] =	stream.linear.gather [hbm4b:s5+s0], $0x4000, $0x38;
	[tilespmem:$0x1E800] =	vst v63  }
0x3a: {  	_ =	swait.ge [sflag:s26], $0x4000  }
0x3b: {  	[sflag:s26] =	ssyncset.done $0x0  }
0x3c: {  	[sflag:s26] =	ssyncadd.s32 $0xFFFFC000  }
0x3d: {  	[spmem:s6] =	stream.linear.scatter [tilespmem:s21], [sflag:$0x1], $0x4000, $0x38;
	[tilespmem:$0x1E800] =	vst v63  }
0x3e: {  	_ =	swait.ge [sflag:s26], $0x4000  }
0x3f: {  	[sflag:s26] =	ssyncset.done $0x0  }
0x40: {  	[sflag:s26] =	ssyncadd.s32 $0xFFFFC000  }
0x41: {  	[spmem:s12] =	stream.linear.scatter [tilespmem:s21], [sflag:$0x1], $0x4000, $0x38;
	[tilespmem:$0x1E800] =	vst v63  }
0x42: {  	_ =	swait.ge [sflag:s26], $0x4000  }
0x43: {  	[sflag:s26] =	ssyncset.done $0x0  }
0x44: {  	[sflag:s26] =	ssyncadd.s32 $0xFFFFC000  }
0x45: {  	[spmem:s13] =	stream.linear.scatter [tilespmem:s21], [sflag:$0x1], $0x4000, $0x38;
	[tilespmem:$0x1E800] =	vst v63  }
0x46: {  	_ =	swait.ge [sflag:s26], $0x4000  }
0x47: {  	[sflag:s26] =	ssyncset.done $0x0  }
0x48: {  	[sflag:s26] =	ssyncadd.s32 $0xFFFFC000  }
0x49: {  	[spmem:s14] =	stream.linear.scatter [tilespmem:s21], [sflag:$0x1], $0x4000, $0x38;
	[tilespmem:$0x1E800] =	vst v63  }
0x4a: {  	_ =	swait.ge [sflag:s26], $0x4000  }
0x4b: {  	[sflag:s26] =	ssyncset.done $0x0  }
.Ltmp2:
0x4c: {  	[sflag:s26] =	ssyncadd.s32 $0xFFFFC000;
	(pc) =	sbr.rel @p0 .LBB2_5-.Ltmp2, $4  }
0x4d: {  	[spmem:s15] =	stream.linear.scatter [tilespmem:s21], [sflag:$0x1], $0x4000, $0x38;
	[tilespmem:$0x1E800] =	vst v63  }
0x4e: {  	_ =	swait.ge [sflag:s26], $0x4000  }
0x4f: {  	[sflag:s26] =	ssyncset.done $0x0  }
0x50: {  	s0 =	simm.s32 $0x0;
	[sflag:s26] =	ssyncadd.s32 $0xFFFFC000  }
0x51: {  	[tilespmem:s0], [sflag:$0x1] =	stream.linear.gather [hbm4b:s9+s0], $0x1C00, $0x38;
	[tilespmem:$0x1E800] =	vst v63  }
0x52: {  	_ =	swait.ge [sflag:s26], $0x1C00  }
0x53: {  	[sflag:s26] =	ssyncset.done $0x0  }
0x54: {  	[sflag:s26] =	ssyncadd.s32 $0xFFFFE400  }
0x55: {  	[tilespmem:s28], [sflag:$0x1] =	stream.linear.gather [hbm4b:s10+s0], $0x1C00, $0x38;
	[tilespmem:$0x1E800] =	vst v63  }
0x56: {  	_ =	swait.ge [sflag:s26], $0x1C00  }
0x57: {  	[sflag:s26] =	ssyncset.done $0x0  }
0x58: {  	[sflag:s26] =	ssyncadd.s32 $0xFFFFE400  }
0x59: {  	s2 =	simm.s32 $0x0;
	[bflag:$0x0] =	sbarrier.arrive $0xFFFF  }
0x5a: {  	[tilespmem:s21], [sflag:$0x1] =	stream.indirect.gather [hbm4b:s4+s29], $0x80, s2, s29, $0xb8;
	[tilespmem:$0x1E800] =	vst v63  }
0x5b: {  	_ =	swait.ge [sflag:s26], $0x4000  }
0x5c: {  	[sflag:s26] =	ssyncset.done $0x0  }
0x5d: {  	s7 =	simm.s32 $0x3400;
	[sflag:s26] =	ssyncadd.s32 $0xFFFFC000  }
0x5e: {  	[spmem:s1] =	stream.indirect.scatter.add.f32 [tilespmem:s21], [sflag:$0x1], $0x80, s7, s29, $0xb8;
	[tilespmem:$0x1E800] =	vst v63  }
0x5f: {  	_ =	swait.ge [sflag:s26], $0x4000  }
0x60: {  	s31 =	simm.s32 $0x200;
	s0 =	simm.s32 $0x400;
	[sflag:s26] =	ssyncset.done $0x0  }
.LBB2_3:
0x61: {  	s2 =	sshra.s32 s31, $0x2  }
0x62: {  	[sflag:s26] =	ssyncadd.s32 $0xFFFFC000;
	s31 =	smov.u32 s0;
	s7 =	sadd.s32 $0x200, s0  }
0x63: {  	[tilespmem:s21], [sflag:$0x1] =	stream.indirect.gather [hbm4b:s4+s29], $0x80, s2, s29, $0xb8;
	[tilespmem:$0x1E800] =	vst v63  }
0x64: {  	p1 =	seq.s32 s0, $0x6E00;
	_ =	swait.ge [sflag:s26], $0x4000  }
.Ltmp3:
0x65: {  	[sflag:s26] =	ssyncset.done $0x0;
	(pc) =	sbr.rel @!p1 .LBB2_3-.Ltmp3, $4  }
0x66: {  	s0 =	sadd.s32 $0x3400, s2;
	[sflag:s26] =	ssyncadd.s32 $0xFFFFC000  }
0x67: {  	[spmem:s1] =	stream.indirect.scatter.add.f32 [tilespmem:s21], [sflag:$0x1], $0x80, s0, s29, $0xb8;
	[tilespmem:$0x1E800] =	vst v63  }
0x68: {  	_ =	swait.ge [sflag:s26], $0x4000  }
0x69: {  	s0 =	smov.u32 s7;
	[sflag:s26] =	ssyncset.done $0x0  }
0x6a: {  	s0 =	sshra.s32 s31, $0x2;
	[sflag:s26] =	ssyncadd.s32 $0xFFFFC000  }
0x6b: {  	[tilespmem:s21], [sflag:$0x1] =	stream.indirect.gather [hbm4b:s4+s29], $0x80, s0, s29, $0xb8;
	[tilespmem:$0x1E800] =	vst v63  }
0x6c: {  	_ =	swait.ge [sflag:s26], $0x4000  }
0x6d: {  	[sflag:s26] =	ssyncset.done $0x0  }
.Ltmp4:
0x6e: {  	s0 =	sadd.s32 $0x3400, s0;
	[sflag:s26] =	ssyncadd.s32 $0xFFFFC000;
	(pc) =	sbr.rel .LBB2_8-.Ltmp4, $4  }
0x6f: {  	[spmem:s1] =	stream.indirect.scatter.add.f32 [tilespmem:s21], [sflag:$0x1], $0x80, s0, s29, $0xb8;
	[tilespmem:$0x1E800] =	vst v63  }
0x70: {  	_ =	swait.ge [sflag:s26], $0x4000  }
0x71: {  	[sflag:s26] =	ssyncset.done $0x0  }
0x72: {  	[sflag:s26] =	ssyncadd.s32 $0xFFFFC000  }
.LBB2_5:
0x73: {  	s2 =	rddreg [dreg:$0x4]  }
0x74: {  	[tilespmem:s0], [sflag:$0x1] =	stream.linear.gather [hbm4b:s2+s0], $0x3400, $0x38;
	[tilespmem:$0x1E800] =	vst v63  }
0x75: {  	_ =	swait.ge [sflag:s26], $0x3400  }
0x76: {  	[sflag:s26] =	ssyncset.done $0x0  }
0x77: {  	[sflag:s26] =	ssyncadd.s32 $0xFFFFCC00  }
0x78: {  	[tilespmem:s28], [sflag:$0x1] =	stream.linear.gather [hbm4b:s8+s0], $0x3400, $0x38;
	[tilespmem:$0x1E800] =	vst v63  }
0x79: {  	_ =	swait.ge [sflag:s26], $0x3400  }
0x7a: {  	[sflag:s26] =	ssyncset.done $0x0  }
0x7b: {  	[sflag:s26] =	ssyncadd.s32 $0xFFFFCC00  }
0x7c: {  	s2 =	simm.s32 $0x0;
	[bflag:$0x0] =	sbarrier.arrive $0xFFFF  }
0x7d: {  	[tilespmem:s21], [sflag:$0x1] =	stream.indirect.gather [hbm4b:s4+s29], $0x80, s2, s29, $0xb8;
	[tilespmem:$0x1E800] =	vst v63  }
0x7e: {  	_ =	swait.ge [sflag:s26], $0x4000  }
0x7f: {  	[sflag:s26] =	ssyncset.done $0x0  }
0x80: {  	s7 =	simm.s32 $0x3400;
	[sflag:s26] =	ssyncadd.s32 $0xFFFFC000  }
0x81: {  	[spmem:s1] =	stream.indirect.scatter.add.f32 [tilespmem:s21], [sflag:$0x1], $0x80, s7, s29, $0xb8;
	[tilespmem:$0x1E800] =	vst v63  }
0x82: {  	_ =	swait.ge [sflag:s26], $0x4000  }
0x83: {  	s31 =	simm.s32 $0x200;
	s0 =	simm.s32 $0x400;
	[sflag:s26] =	ssyncset.done $0x0  }
.LBB2_6:
0x84: {  	s2 =	sshra.s32 s31, $0x2  }
0x85: {  	[sflag:s26] =	ssyncadd.s32 $0xFFFFC000;
	s31 =	smov.u32 s0;
	s7 =	sadd.s32 $0x200, s0  }
0x86: {  	[tilespmem:s21], [sflag:$0x1] =	stream.indirect.gather [hbm4b:s4+s29], $0x80, s2, s29, $0xb8;
	[tilespmem:$0x1E800] =	vst v63  }
0x87: {  	p1 =	sne.s32 s0, $0xCE00;
	_ =	swait.ge [sflag:s26], $0x4000  }
.Ltmp5:
0x88: {  	[sflag:s26] =	ssyncset.done $0x0;
	(pc) =	sbr.rel @p1 .LBB2_6-.Ltmp5, $4  }
0x89: {  	s0 =	sadd.s32 $0x3400, s2;
	[sflag:s26] =	ssyncadd.s32 $0xFFFFC000  }
0x8a: {  	[spmem:s1] =	stream.indirect.scatter.add.f32 [tilespmem:s21], [sflag:$0x1], $0x80, s0, s29, $0xb8;
	[tilespmem:$0x1E800] =	vst v63  }
0x8b: {  	_ =	swait.ge [sflag:s26], $0x4000  }
0x8c: {  	s0 =	smov.u32 s7;
	[sflag:s26] =	ssyncset.done $0x0  }
.Ltmp6:
0x8d: {  	_ = 	snop;
	(pc) =	sbr.rel .LBB2_7-.Ltmp6, $1  }
0x8e: {  	_ =	sdelay $0x3  }
.LBB2_9:
0x8f: {  	_ =	sfence.sel $0x180000  }
0x90: {  	[bflag:$0x0] =	sbarrier.arrive $0xFFFF  }
0x91: {  	_ =	strace $0x9000004D  }
0x92: {  	[bflag:$0x2] =	sbarrier.arrive $0xFFFF  }
0x93: {  	p0 =	sne.s32 s3, $0x0;
	s0 =	rddreg [dreg:$0x3]  }
0x94: {  	s0 =	sadd.s32 @!p0 $0x100000, s0  }
0x95: {  	[sflag:s0] =	ssyncadd.tile.s32 @!p0 $0x1;
	_ =	shalt  }
.Lfunc_end2:
_tile_overlayer_lowered:
.L_overlay_start_2:
0x96: {  	(tag) =	ssettag $0x2  }
0x97: {  	s0 =	rddreg [dreg:$0x0];
	s2 =	stileid.u32  }
0x98: {  	s1 =	rddreg [dreg:$0x1];
	p0 =	sne.s32 s2, $0x0  }
0x99: {  	s3 =	rddreg [dreg:$0x2];
	[bflag:$0x3] =	sbarrier.arrive $0xFFFF;
	s2 =	simm.s32 @!p0 $0x1C01  }
0x9a: {  	[timem:s3], [sflag:s2] =	dma.local @!p0 [hbm:s0], s1  }
0x9b: {  	s0 =	simm.s32 @!p0 $0x1  }
0x9c: {  	_ =	swait.ge @!p0 [sflag:s0], s1  }
0x9d: {  	s1 =	ssub.s32 @!p0 $0x0, s1;
	[sflag:s0] =	ssyncset.done @!p0 $0x0  }
0x9e: {  	[sflag:s0] =	ssyncadd.s32 @!p0 s1  }
0x9f: {  	[bflag:$0x3] =	sbarrier.arrive $0xFFFF  }
0xa0: {  	_ =	shalt  }

// kernel: kernel.21.cloned.1.call-start
scs
__scs_entry_jumppad:
0x0: {  	(pc) =	sbr.rel $0x88, $3  }
0x1: {  	(tag) =	ssettag $0x0;
	lr =	simm.s32 $0x1  }
0x2: {  	[smem:$0x3F9C] =	sst lr;
	_ =	strace $0xD0000000  }
0x3: {  	_ = 	snop  }
0x4: {  	_ = 	snop  }
0x5: {  	_ = 	snop  }
0x6: {  	_ = 	snop  }
0x7: {  	_ = 	snop  }
__scs_overlays_trampoline_lowered:
0x8: {  	[smem:$0x3FAB] =	sst s0  }
0x9: {  	[smem:$0x3FAC] =	sst s1  }
0xa: {  	[smem:$0x3FAD] =	sst s2  }
0xb: {  	[smem:$0x3FAE] =	sst s3  }
0xc: {  	[smem:$0x3FAF] =	sst s4  }
0xd: {  	[smem:$0x3FB0] =	sst s5  }
0xe: {  	[smem:$0x3FB1] =	sst s6  }
0xf: {  	[smem:$0x3FB2] =	sst s7  }
0x10: {  	[smem:$0x3FB3] =	sst s8  }
0x11: {  	[smem:$0x3FB4] =	sst s9;
	s0 =	simm.s32 @!p0 $0x0  }
0x12: {  	s1 =	sld [smem:$0x3F9A];
	s0 =	simm.s32 @p0 $0x1  }
0x13: {  	[smem:$0x3FB5] =	sst s0;
	s0 =	simm.s32 @!p1 $0x0  }
0x14: {  	s2 =	sld [smem:$0x3F99];
	s0 =	simm.s32 @p1 $0x1  }
0x15: {  	[smem:$0x3FB6] =	sst s0;
	s0 =	simm.s32 @!p2 $0x0  }
0x16: {  	s3 =	sld [smem:$0x3FDB];
	s0 =	simm.s32 @p2 $0x1  }
0x17: {  	s4 =	simm.s32 $0x1BF5;
	[smem:$0x3FB8] =	sst s0  }
0x18: {  	s0 =	sld [smem:$0x3F9B];
	_ =	swait.ge [sflag:s4], $0x0  }
0x19: {  	s7 =	sld [smem:$0x3F9C]  }
0x1a: {  	s8 =	sadd.s32 $0xFFFFE003, lr  }
0x1b: {  	s9 =	sadd.s32 $0xFFFFFEF7, lr;
	s5 =	simm.s32 $0xFFFFFFFF;
	p2 =	slt.u32 s8, $0xFFFFF086  }
0x1c: {  	p1 =	slt.u32 s9, $0xF7A;
	s5 =	simm.s32 @!p2 $0x0  }
0x1d: {  	s5 =	simm.s32 @p1 $0x1;
	p0 =	seq.s32 s7, s2  }
0x1e: {  	s7 =	smul.u32 @!p0 $0xF7A, s2;
	p2 =	seq.s32 @!p0 s5, $0x0  }
0x1f: {  	s9 =	smul.u32 $0xF7A, s1;
	s8 =	simm.s32 @!p0 $0x1BF5;
	p2 =	por !p2, p0  }
0x20: {  	[sflag:s8] =	ssyncset.s32 @!p0 $0xFFFFF086;
	s6 =	sadd.s32 @!p0 s3, s7;
	s7 =	simm.s32 @!p0 $0x108  }
0x21: {  	s3 =	sadd.s32 s3, s9;
	s6 =	sadd.s32 @!p0 $0x88, s6;
	s7 =	simm.s32 @p2 $0x1082  }
0x22: {  	[simem:s7], [sflag:s8] =	dma.local @!p0 [hbm:s6], $0xF7A  }
0x23: {  	s9 =	sor.u32 $0xD0000000, s2;
	s6 =	simm.s32 $0x108;
	_ =	swait.ge @!p0 [sflag:s8], $0x0  }
0x24: {  	s3 =	sadd.s32 $0x88, s3;
	s6 =	simm.s32 @!p1 $0x1082;
	[sflag:s4] =	ssyncset.s32 $0xFFFFF086  }
0x25: {  	[simem:s6], [sflag:s4] =	dma.local [hbm:s3], $0xF7A  }
0x26: {  	[smem:$0x3F9C] =	sst s1;
	(tag) =	ssettag s2;
	_ =	strace s9  }
0x27: {  	s1 =	sld [smem:$0x3FAC]  }
0x28: {  	s2 =	sld [smem:$0x3FAD]  }
0x29: {  	s4 =	sld [smem:$0x3FAF]  }
0x2a: {  	p0 =	seq.s32 s5, $0x0;
	s5 =	sld [smem:$0x3FB0]  }
0x2b: {  	s6 =	sld [smem:$0x3FB1]  }
0x2c: {  	s7 =	sld [smem:$0x3FB2]  }
0x2d: {  	s3 =	simm.s32 $0x108;
	s8 =	sld [smem:$0x3FB3]  }
0x2e: {  	s3 =	simm.s32 @!p0 $0x1082;
	s9 =	sld [smem:$0x3FB4]  }
0x2f: {  	lr =	sadd.s32 s0, s3;
	s0 =	sld [smem:$0x3FAB]  }
0x30: {  	s3 =	sld [smem:$0x3FAE]  }
0x31: {  	[smem:$0x3FB7] =	sst s10  }
0x32: {  	s10 =	sld [smem:$0x3FB5];
	_ =	sdelay $0x3  }
0x33: {  	p0 =	seq.s32 s10, $0x1;
	s10 =	sld [smem:$0x3FB7];
	_ =	sdelay $0x3  }
0x34: {  	[smem:$0x3FB7] =	sst s10  }
0x35: {  	s10 =	sld [smem:$0x3FB6];
	_ =	sdelay $0x3  }
0x36: {  	p1 =	seq.s32 s10, $0x1;
	s10 =	sld [smem:$0x3FB7];
	_ =	sdelay $0x3  }
0x37: {  	[smem:$0x3FB7] =	sst s10  }
0x38: {  	s10 =	sld [smem:$0x3FB8]  }
0x39: {  	_ = 	snop;
	(pc) =	sbr.ind lr, $3  }
0x3a: {  	_ = 	snop  }
0x3b: {  	_ = 	snop  }
0x3c: {  	p2 =	seq.s32 s10, $0x1;
	s10 =	sld [smem:$0x3FB7]  }
0x3d: {  	_ =	shalt  }
0x3e: {  	_ =	shalt  }
0x3f: {  	_ =	shalt  }
0x40: {  	_ =	shalt  }
0x41: {  	_ =	shalt  }
0x42: {  	_ =	shalt  }
0x43: {  	_ =	shalt  }
0x44: {  	_ =	shalt  }
0x45: {  	_ =	shalt  }
0x46: {  	_ =	shalt  }
0x47: {  	_ =	shalt  }
0x48: {  	_ =	shalt  }
0x49: {  	_ =	shalt  }
0x4a: {  	_ =	shalt  }
0x4b: {  	_ =	shalt  }
0x4c: {  	_ =	shalt  }
0x4d: {  	_ =	shalt  }
0x4e: {  	_ =	shalt  }
0x4f: {  	_ =	shalt  }
0x50: {  	_ =	shalt  }
0x51: {  	_ =	shalt  }
0x52: {  	_ =	shalt  }
0x53: {  	_ =	shalt  }
0x54: {  	_ =	shalt  }
0x55: {  	_ =	shalt  }
0x56: {  	_ =	shalt  }
0x57: {  	_ =	shalt  }
0x58: {  	_ =	shalt  }
0x59: {  	_ =	shalt  }
0x5a: {  	_ =	shalt  }
0x5b: {  	_ =	shalt  }
0x5c: {  	_ =	shalt  }
0x5d: {  	_ =	shalt  }
0x5e: {  	_ =	shalt  }
0x5f: {  	_ =	shalt  }
0x60: {  	_ =	shalt  }
0x61: {  	_ =	shalt  }
0x62: {  	_ =	shalt  }
0x63: {  	_ =	shalt  }
0x64: {  	_ =	shalt  }
0x65: {  	_ =	shalt  }
0x66: {  	_ =	shalt  }
0x67: {  	_ =	shalt  }
0x68: {  	_ =	shalt  }
0x69: {  	_ =	shalt  }
0x6a: {  	_ =	shalt  }
0x6b: {  	_ =	shalt  }
0x6c: {  	_ =	shalt  }
0x6d: {  	_ =	shalt  }
0x6e: {  	_ =	shalt  }
0x6f: {  	_ =	shalt  }
0x70: {  	_ =	shalt  }
0x71: {  	_ =	shalt  }
0x72: {  	_ =	shalt  }
0x73: {  	_ =	shalt  }
0x74: {  	_ =	shalt  }
0x75: {  	_ =	shalt  }
0x76: {  	_ =	shalt  }
0x77: {  	_ =	shalt  }
0x78: {  	_ =	shalt  }
0x79: {  	_ =	shalt  }
0x7a: {  	_ =	shalt  }
0x7b: {  	_ =	shalt  }
0x7c: {  	_ =	shalt  }
0x7d: {  	_ =	shalt  }
0x7e: {  	_ =	shalt  }
0x7f: {  	_ =	shalt  }
0x80: {  	_ =	shalt  }
0x81: {  	_ =	shalt  }
0x82: {  	_ =	shalt  }
0x83: {  	_ =	shalt  }
0x84: {  	_ =	shalt  }
0x85: {  	_ =	shalt  }
0x86: {  	_ =	shalt  }
0x87: {  	_ =	shalt  }
.Lfunc_end0:
.L_simem_size_0:
called_computation.3_lowered:
.L_overlay_start_0:
0x88: {  	s2 =	sld [smem:$0x3FD9]  }
0x89: {  	s3 =	sld [smem:$0x3FFE];
	_ =	sdelay $0x1  }
0x8a: {  	s1 =	srdreg.scid  }
0x8b: {  	s0 =	sand.u32 $0x1, s1  }
0x8c: {  	s17 =	sshll.u32 s0, $0xA;
	s2 =	sadd.s32 s3, s2  }
0x8d: {  	s2 =	sadd.s32 s2, s17  }
0x8e: {  	[smem:$0x3FC3] =	sst s2  }
0x8f: {  	_ = 	snop  }
0x90: {  	s2 =	sld [smem:$0x3FD0];
	(tm) =	ssettm $0x1  }
0x91: {  	s18 =	sld [smem:$0x3FFB];
	_ =	sdelay $0x3  }
0x92: {  	_ =	strace s18  }
0x93: {  	s3 =	sld [smem:$0x3FFC];
	_ =	sdelay $0x3  }
0x94: {  	_ =	strace s3  }
0x95: {  	s3 =	sld [smem:$0x3FFD];
	_ =	sdelay $0x3  }
0x96: {  	_ =	strace s3  }
0x97: {  	_ =	strace $0x8FFFFFFF  }
0x98: {  	s19 =	sld [smem:$0x3FDB];
	_ =	sdelay $0x1  }
0x99: {  	s4 =	simm.s32 $_scs_section_size  }
0x9a: {  	s5 =	simm.s32 $_size__tile_overlayer_lowered;
	s6 =	simm.s32 $_tile_overlayer_lowered  }
0x9b: {  	s22 =	simm.s32 $0x1BFF;
	s21 =	sshll.u32 s6, $0x1;
	s3 =	sadd.s32 s4, s19  }
0x9c: {  	s7 =	simm.s32 $0x0;
	s20 =	sshll.u32 s5, $0x1;
	s5 =	sadd.s32 s21, s3  }
0x9d: {  	[timem:s7], [sflag:s22] =	dma.local [hbm:s5], s20  }
0x9e: {  	_ =	swait.ge [sflag:s22], s20  }
0x9f: {  	s4 =	ssub.s32 $0x0, s20;
	[sflag:s22] =	ssyncset.done $0x0  }
0xa0: {  	[sflag:s22] =	ssyncadd.s32 s4;
	_ =	sdelay $0x1  }
0xa1: {  	s23 =	simm.s32 $0x1B8B  }
0xa2: {  	_ =	swait.ge [sflag:s23], $0x1  }
0xa3: {  	[sflag:s23] =	ssyncset.done $0x0  }
0xa4: {  	s25 =	simm.s32 $0x1B8E;
	s24 =	sld [smem:$0x3FFE];
	[sflag:s23] =	ssyncadd.s32 $0xFFFFFFFF  }
0xa5: {  	s26 =	simm.s32 $execute0_lowered;
	[smem:$0x3FD2] =	sst s25  }
0xa6: {  	s5 =	sshll.u32 s26, $0x1;
	_ =	strace $0x8000004F;
	[dreg:$0x1] =	wrdreg $0xFFFFFFFF  }
0xa7: {  	s28 =	simm.s32 $_size_execute0_lowered;
	s3 =	sadd.s32 s3, s5;
	[dreg:$0x0] =	wrdreg $0x0  }
0xa8: {  	s5 =	sshll.u32 s28, $0x1;
	[dreg:$0x2] =	wrdreg s3  }
0xa9: {  	[dreg:$0x3] =	wrdreg s5  }
0xaa: {  	[dreg:$0x4] =	wrdreg $0xC0  }
0xab: {  	_ =	task [dreg:s7], $0x5FFFF  }
0xac: {  	[dreg:$0x1] =	wrdreg $0xFFFFFFFF  }
0xad: {  	[dreg:$0x0] =	wrdreg $0x60  }
0xae: {  	[dreg:$0x2] =	wrdreg s24  }
0xaf: {  	[dreg:$0x3] =	wrdreg s2  }
0xb0: {  	[dreg:$0x4] =	wrdreg $0xA8000  }
0xb1: {  	[dreg:$0x5] =	wrdreg $0x9  }
0xb2: {  	_ =	task.clear_ibuf [dreg:s7], $0x6FFFF;
	_ =	strace $0x9000004F  }
0xb3: {  	s29 =	simm.s32 $0x9;
	_ =	strace $0x80000051  }
0xb4: {  	_ =	swait.ge [sflag:s29], $0x1  }
0xb5: {  	[sflag:s29] =	ssyncadd.s32 $0xFFFFFFFF  }
0xb6: {  	_ =	strace $0x90000051  }
0xb7: {  	_ =	sfence  }
0xb8: {  	s30 =	sld [smem:$0x0];
	_ =	sdelay $0x2  }
0xb9: {  	s31 =	sshll.u32 s1, $0xD;
	s1 =	sshrl.u32 s1, $0x2  }
0xba: {  	s3 =	sand.u32 $0x4000, s31;
	s1 =	sadd.s32 s1, s30  }
0xbb: {  	s0 =	sor.u32 s3, s0;
	s1 =	sshll.u32 s1, $0x11  }
0xbc: {  	s0 =	sor.u32 s1, s0  }
0xbd: {  	s0 =	sadd.s32 $0x8F2B, s0  }
0xbe: {  	[sflag:s0] =	ssyncadd.remote.s32 $0x1  }
0xbf: {  	_ =	sfence.sel $0xFFFF  }
0xc0: {  	[dreg:$0x0] =	wrdreg $0xFFFFFFFF;
	(pc) =	sbr.abs _section_cstart, $3  }
0xc1: {  	[dreg:$0x1] =	wrdreg $0xFFFFFFFF  }
0xc2: {  	_ =	task.clear_ibuf [dreg:s7], $0x2FFFF;
	_ =	strace $0x9FFFFFFF  }
0xc3: {  	(tm) =	ssettm $0x7FFFFFFF  }
tec
execute0_lowered:
.L_overlay_start_1:
0x0: {  	(tag) =	ssettag $0x1  }
0x1: {  	s0 =	rddreg [dreg:$0x0]  }
0x2: {  	s9 =	rddreg [dreg:$0x1];
	s3 =	srdreg.scid  }
0x3: {  	s1 =	rddreg [dreg:$0x2];
	s2 =	simm.s32 $0x0;
	s16 =	sand.u32 $0x1, s3  }
0x4: {  	s28 =	simm.s32 $0x3400;
	s3 =	stileid.u32;
	s6 =	smul.u32 $0x28000, s16  }
0x5: {  	s29 =	simm.s32 $0x80;
	s30 =	simm.s32 $0x0;
	s8 =	smul.u32 $0x50000, s3  }
0x6: {  	[smem:$0x7FF] =	sst s2;
	s4 =	sadd.s32 $0x5DE00, s0;
	s12 =	smul.u32 $0x3400, s3  }
0x7: {  	s10 =	sadd.s32 $0x2E00, s0;
	s5 =	sadd.s32 $0xCE00, s0;
	s25 =	smul.u32 $0x380, s3  }
0x8: {  	_ =	strace $0x80000050;
	s7 =	ssub.s32 $0x2, s16;
	s17 =	smul.u32 $0x280, s3  }
0x9: {  	s18 =	smul.u32 $0x2800, s3;
	p0 =	sne.s32 s16, $0x0;
	s11 =	sshrl.u32 s7, $0x1  }
0xa: {  	s0 =	sadd.s32 s6, s0;
	s11 =	ssub.s32 s7, s11;
	s23 =	sshrl.u32 s8, $0x2  }
0xb: {  	s24 =	sshrl.u32 s12, $0x3;
	s19 =	sadd.s32 $0x80, s17;
	s20 =	sadd.s32 $0x100, s17  }
0xc: {  	s7 =	sadd.s32 $0x180, s17;
	s17 =	sadd.s32 $0x200, s17;
	s6 =	sadd.s32 s23, s1  }
0xd: {  	s26 =	sadd.s32 $0x3800, s24;
	s0 =	sadd.s32 $0x85E00, s0;
	s11 =	smax.u32 s11, $0x1  }
0xe: {  	s21 =	sshll.u32 s19, $0x7;
	s22 =	sshll.u32 s20, $0x7;
	s19 =	sshll.u32 s19, $0x4  }
0xf: {  	s20 =	sshll.u32 s20, $0x4;
	s31 =	sadd.s32 s9, s26;
	s8 =	sadd.s32 s10, s26  }
0x10: {  	s9 =	sadd.s32 s9, s25;
	s10 =	sadd.s32 s10, s25;
	s12 =	sadd.s32 $0x4000, s6  }
0x11: {  	s13 =	sadd.s32 $0x8000, s6;
	s14 =	sadd.s32 $0xC000, s6;
	s15 =	sadd.s32 $0x10000, s6  }
0x12: {  	s23 =	sadd.s32 s21, s1;
	s24 =	sadd.s32 s22, s1;
	s25 =	sshll.u32 s7, $0x7  }
0x13: {  	s26 =	sshll.u32 s17, $0x7;
	s21 =	sshll.u32 s7, $0x4;
	s16 =	sadd.s32 s18, s0  }
.Ltmp0:
0x14: {  	s18 =	sadd.s32 s20, s0;
	[dreg:$0x4] =	wrdreg s31;
	(pc) =	sbr.rel .LBB2_1-.Ltmp0, $4  }
0x15: {  	s25 =	sadd.s32 s25, s1;
	s26 =	sadd.s32 s26, s1;
	s31 =	sshll.u32 s17, $0x4  }
0x16: {  	s17 =	sadd.s32 s19, s0;
	s19 =	sadd.s32 s21, s0;
	s21 =	simm.s32 $0x6800  }
0x17: {  	s22 =	sshrl.u32 s23, $0x3;
	s23 =	sshrl.u32 s24, $0x3;
	s20 =	sadd.s32 s31, s0  }
0x18: {  	s24 =	sshrl.u32 s25, $0x3;
	s25 =	sshrl.u32 s26, $0x3;
	s26 =	simm.s32 $0x1  }
.LBB2_7:
0x19: {  	s0 =	sshra.s32 s31, $0x2;
	[sflag:s26] =	ssyncadd.s32 $0xFFFFC000  }
0x1a: {  	[tilespmem:s21], [sflag:$0x1] =	stream.indirect.gather [hbm4b:s4+s29], $0x80, s0, s29, $0xb8;
	[tilespmem:$0x1E800] =	vst v63  }
0x1b: {  	_ =	swait.ge [sflag:s26], $0x4000  }
0x1c: {  	[sflag:s26] =	ssyncset.done $0x0  }
0x1d: {  	s0 =	sadd.s32 $0x3400, s0;
	[sflag:s26] =	ssyncadd.s32 $0xFFFFC000  }
0x1e: {  	[spmem:s1] =	stream.indirect.scatter.add.f32 [tilespmem:s21], [sflag:$0x1], $0x80, s0, s29, $0xb8;
	[tilespmem:$0x1E800] =	vst v63  }
0x1f: {  	_ =	swait.ge [sflag:s26], $0x4000  }
0x20: {  	[sflag:s26] =	ssyncset.done $0x0  }
0x21: {  	[sflag:s26] =	ssyncadd.s32 $0xFFFFC000  }
.LBB2_8:
0x22: {  	s0 =	sshll.u32 s3, $0x6  }
0x23: {  	[bflag:$0x0] =	sbarrier.arrive $0xFFFF;
	s2 =	sshrl.u32 s6, $0x3;
	s0 =	sor.u32 $0x1C01, s0  }
0x24: {  	[hbm:s16], [sflag:s0] =	dma.local [spmem:s2], $0x800  }
0x25: {  	_ =	swait.ge [sflag:s26], $0x800  }
0x26: {  	[sflag:s26] =	ssyncset.done $0x0  }
0x27: {  	[sflag:s26] =	ssyncadd.s32 $0xFFFFF800  }
0x28: {  	[hbm:s17], [sflag:s0] =	dma.local [spmem:s22], $0x800  }
0x29: {  	_ =	swait.ge [sflag:s26], $0x800  }
0x2a: {  	[sflag:s26] =	ssyncset.done $0x0  }
0x2b: {  	[sflag:s26] =	ssyncadd.s32 $0xFFFFF800  }
0x2c: {  	[hbm:s18], [sflag:s0] =	dma.local [spmem:s23], $0x800  }
0x2d: {  	_ =	swait.ge [sflag:s26], $0x800  }
0x2e: {  	[sflag:s26] =	ssyncset.done $0x0  }
0x2f: {  	[sflag:s26] =	ssyncadd.s32 $0xFFFFF800  }
0x30: {  	[hbm:s19], [sflag:s0] =	dma.local [spmem:s24], $0x800  }
0x31: {  	s30 =	sadd.s32 $0x1, s30;
	_ =	swait.ge [sflag:s26], $0x800  }
0x32: {  	p1 =	sne.s32 s30, s11;
	[sflag:s26] =	ssyncset.done $0x0  }
.Ltmp1:
0x33: {  	[sflag:s26] =	ssyncadd.s32 $0xFFFFF800;
	(pc) =	sbr.rel @!p1 .LBB2_9-.Ltmp1, $4  }
0x34: {  	[hbm:s20], [sflag:s0] =	dma.local [spmem:s25], $0x800  }
0x35: {  	_ =	swait.ge [sflag:s26], $0x800  }
0x36: {  	[sflag:s26] =	ssyncset.done $0x0  }
0x37: {  	[sflag:s26] =	ssyncadd.s32 $0xFFFFF800  }
.LBB2_1:
0x38: {  	s0 =	simm.s32 $0x0  }
0x39: {  	[tilespmem:s21], [sflag:$0x1] =	stream.linear.gather [hbm4b:s5+s0], $0x4000, $0x38;
	[tilespmem:$0x1E800] =	vst v63  }
0x3a: {  	_ =	swait.ge [sflag:s26], $0x4000  }
0x3b: {  	[sflag:s26] =	ssyncset.done $0x0  }
0x3c: {  	[sflag:s26] =	ssyncadd.s32 $0xFFFFC000  }
0x3d: {  	[spmem:s6] =	stream.linear.scatter [tilespmem:s21], [sflag:$0x1], $0x4000, $0x38;
	[tilespmem:$0x1E800] =	vst v63  }
0x3e: {  	_ =	swait.ge [sflag:s26], $0x4000  }
0x3f: {  	[sflag:s26] =	ssyncset.done $0x0  }
0x40: {  	[sflag:s26] =	ssyncadd.s32 $0xFFFFC000  }
0x41: {  	[spmem:s12] =	stream.linear.scatter [tilespmem:s21], [sflag:$0x1], $0x4000, $0x38;
	[tilespmem:$0x1E800] =	vst v63  }
0x42: {  	_ =	swait.ge [sflag:s26], $0x4000  }
0x43: {  	[sflag:s26] =	ssyncset.done $0x0  }
0x44: {  	[sflag:s26] =	ssyncadd.s32 $0xFFFFC000  }
0x45: {  	[spmem:s13] =	stream.linear.scatter [tilespmem:s21], [sflag:$0x1], $0x4000, $0x38;
	[tilespmem:$0x1E800] =	vst v63  }
0x46: {  	_ =	swait.ge [sflag:s26], $0x4000  }
0x47: {  	[sflag:s26] =	ssyncset.done $0x0  }
0x48: {  	[sflag:s26] =	ssyncadd.s32 $0xFFFFC000  }
0x49: {  	[spmem:s14] =	stream.linear.scatter [tilespmem:s21], [sflag:$0x1], $0x4000, $0x38;
	[tilespmem:$0x1E800] =	vst v63  }
0x4a: {  	_ =	swait.ge [sflag:s26], $0x4000  }
0x4b: {  	[sflag:s26] =	ssyncset.done $0x0  }
.Ltmp2:
0x4c: {  	[sflag:s26] =	ssyncadd.s32 $0xFFFFC000;
	(pc) =	sbr.rel @p0 .LBB2_5-.Ltmp2, $4  }
0x4d: {  	[spmem:s15] =	stream.linear.scatter [tilespmem:s21], [sflag:$0x1], $0x4000, $0x38;
	[tilespmem:$0x1E800] =	vst v63  }
0x4e: {  	_ =	swait.ge [sflag:s26], $0x4000  }
0x4f: {  	[sflag:s26] =	ssyncset.done $0x0  }
0x50: {  	s0 =	simm.s32 $0x0;
	[sflag:s26] =	ssyncadd.s32 $0xFFFFC000  }
0x51: {  	[tilespmem:s0], [sflag:$0x1] =	stream.linear.gather [hbm4b:s9+s0], $0x1C00, $0x38;
	[tilespmem:$0x1E800] =	vst v63  }
0x52: {  	_ =	swait.ge [sflag:s26], $0x1C00  }
0x53: {  	[sflag:s26] =	ssyncset.done $0x0  }
0x54: {  	[sflag:s26] =	ssyncadd.s32 $0xFFFFE400  }
0x55: {  	[tilespmem:s28], [sflag:$0x1] =	stream.linear.gather [hbm4b:s10+s0], $0x1C00, $0x38;
	[tilespmem:$0x1E800] =	vst v63  }
0x56: {  	_ =	swait.ge [sflag:s26], $0x1C00  }
0x57: {  	[sflag:s26] =	ssyncset.done $0x0  }
0x58: {  	[sflag:s26] =	ssyncadd.s32 $0xFFFFE400  }
0x59: {  	s2 =	simm.s32 $0x0;
	[bflag:$0x0] =	sbarrier.arrive $0xFFFF  }
0x5a: {  	[tilespmem:s21], [sflag:$0x1] =	stream.indirect.gather [hbm4b:s4+s29], $0x80, s2, s29, $0xb8;
	[tilespmem:$0x1E800] =	vst v63  }
0x5b: {  	_ =	swait.ge [sflag:s26], $0x4000  }
0x5c: {  	[sflag:s26] =	ssyncset.done $0x0  }
0x5d: {  	s7 =	simm.s32 $0x3400;
	[sflag:s26] =	ssyncadd.s32 $0xFFFFC000  }
0x5e: {  	[spmem:s1] =	stream.indirect.scatter.add.f32 [tilespmem:s21], [sflag:$0x1], $0x80, s7, s29, $0xb8;
	[tilespmem:$0x1E800] =	vst v63  }
0x5f: {  	_ =	swait.ge [sflag:s26], $0x4000  }
0x60: {  	s31 =	simm.s32 $0x200;
	s0 =	simm.s32 $0x400;
	[sflag:s26] =	ssyncset.done $0x0  }
.LBB2_3:
0x61: {  	s2 =	sshra.s32 s31, $0x2  }
0x62: {  	[sflag:s26] =	ssyncadd.s32 $0xFFFFC000;
	s31 =	smov.u32 s0;
	s7 =	sadd.s32 $0x200, s0  }
0x63: {  	[tilespmem:s21], [sflag:$0x1] =	stream.indirect.gather [hbm4b:s4+s29], $0x80, s2, s29, $0xb8;
	[tilespmem:$0x1E800] =	vst v63  }
0x64: {  	p1 =	seq.s32 s0, $0x6E00;
	_ =	swait.ge [sflag:s26], $0x4000  }
.Ltmp3:
0x65: {  	[sflag:s26] =	ssyncset.done $0x0;
	(pc) =	sbr.rel @!p1 .LBB2_3-.Ltmp3, $4  }
0x66: {  	s0 =	sadd.s32 $0x3400, s2;
	[sflag:s26] =	ssyncadd.s32 $0xFFFFC000  }
0x67: {  	[spmem:s1] =	stream.indirect.scatter.add.f32 [tilespmem:s21], [sflag:$0x1], $0x80, s0, s29, $0xb8;
	[tilespmem:$0x1E800] =	vst v63  }
0x68: {  	_ =	swait.ge [sflag:s26], $0x4000  }
0x69: {  	s0 =	smov.u32 s7;
	[sflag:s26] =	ssyncset.done $0x0  }
0x6a: {  	s0 =	sshra.s32 s31, $0x2;
	[sflag:s26] =	ssyncadd.s32 $0xFFFFC000  }
0x6b: {  	[tilespmem:s21], [sflag:$0x1] =	stream.indirect.gather [hbm4b:s4+s29], $0x80, s0, s29, $0xb8;
	[tilespmem:$0x1E800] =	vst v63  }
0x6c: {  	_ =	swait.ge [sflag:s26], $0x4000  }
0x6d: {  	[sflag:s26] =	ssyncset.done $0x0  }
.Ltmp4:
0x6e: {  	s0 =	sadd.s32 $0x3400, s0;
	[sflag:s26] =	ssyncadd.s32 $0xFFFFC000;
	(pc) =	sbr.rel .LBB2_8-.Ltmp4, $4  }
0x6f: {  	[spmem:s1] =	stream.indirect.scatter.add.f32 [tilespmem:s21], [sflag:$0x1], $0x80, s0, s29, $0xb8;
	[tilespmem:$0x1E800] =	vst v63  }
0x70: {  	_ =	swait.ge [sflag:s26], $0x4000  }
0x71: {  	[sflag:s26] =	ssyncset.done $0x0  }
0x72: {  	[sflag:s26] =	ssyncadd.s32 $0xFFFFC000  }
.LBB2_5:
0x73: {  	s2 =	rddreg [dreg:$0x4]  }
0x74: {  	[tilespmem:s0], [sflag:$0x1] =	stream.linear.gather [hbm4b:s2+s0], $0x3400, $0x38;
	[tilespmem:$0x1E800] =	vst v63  }
0x75: {  	_ =	swait.ge [sflag:s26], $0x3400  }
0x76: {  	[sflag:s26] =	ssyncset.done $0x0  }
0x77: {  	[sflag:s26] =	ssyncadd.s32 $0xFFFFCC00  }
0x78: {  	[tilespmem:s28], [sflag:$0x1] =	stream.linear.gather [hbm4b:s8+s0], $0x3400, $0x38;
	[tilespmem:$0x1E800] =	vst v63  }
0x79: {  	_ =	swait.ge [sflag:s26], $0x3400  }
0x7a: {  	[sflag:s26] =	ssyncset.done $0x0  }
0x7b: {  	[sflag:s26] =	ssyncadd.s32 $0xFFFFCC00  }
0x7c: {  	s2 =	simm.s32 $0x0;
	[bflag:$0x0] =	sbarrier.arrive $0xFFFF  }
0x7d: {  	[tilespmem:s21], [sflag:$0x1] =	stream.indirect.gather [hbm4b:s4+s29], $0x80, s2, s29, $0xb8;
	[tilespmem:$0x1E800] =	vst v63  }
0x7e: {  	_ =	swait.ge [sflag:s26], $0x4000  }
0x7f: {  	[sflag:s26] =	ssyncset.done $0x0  }
0x80: {  	s7 =	simm.s32 $0x3400;
	[sflag:s26] =	ssyncadd.s32 $0xFFFFC000  }
0x81: {  	[spmem:s1] =	stream.indirect.scatter.add.f32 [tilespmem:s21], [sflag:$0x1], $0x80, s7, s29, $0xb8;
	[tilespmem:$0x1E800] =	vst v63  }
0x82: {  	_ =	swait.ge [sflag:s26], $0x4000  }
0x83: {  	s31 =	simm.s32 $0x200;
	s0 =	simm.s32 $0x400;
	[sflag:s26] =	ssyncset.done $0x0  }
.LBB2_6:
0x84: {  	s2 =	sshra.s32 s31, $0x2  }
0x85: {  	[sflag:s26] =	ssyncadd.s32 $0xFFFFC000;
	s31 =	smov.u32 s0;
	s7 =	sadd.s32 $0x200, s0  }
0x86: {  	[tilespmem:s21], [sflag:$0x1] =	stream.indirect.gather [hbm4b:s4+s29], $0x80, s2, s29, $0xb8;
	[tilespmem:$0x1E800] =	vst v63  }
0x87: {  	p1 =	sne.s32 s0, $0xCE00;
	_ =	swait.ge [sflag:s26], $0x4000  }
.Ltmp5:
0x88: {  	[sflag:s26] =	ssyncset.done $0x0;
	(pc) =	sbr.rel @p1 .LBB2_6-.Ltmp5, $4  }
0x89: {  	s0 =	sadd.s32 $0x3400, s2;
	[sflag:s26] =	ssyncadd.s32 $0xFFFFC000  }
0x8a: {  	[spmem:s1] =	stream.indirect.scatter.add.f32 [tilespmem:s21], [sflag:$0x1], $0x80, s0, s29, $0xb8;
	[tilespmem:$0x1E800] =	vst v63  }
0x8b: {  	_ =	swait.ge [sflag:s26], $0x4000  }
0x8c: {  	s0 =	smov.u32 s7;
	[sflag:s26] =	ssyncset.done $0x0  }
.Ltmp6:
0x8d: {  	_ = 	snop;
	(pc) =	sbr.rel .LBB2_7-.Ltmp6, $1  }
0x8e: {  	_ =	sdelay $0x3  }
.LBB2_9:
0x8f: {  	_ =	sfence.sel $0x180000  }
0x90: {  	[bflag:$0x0] =	sbarrier.arrive $0xFFFF  }
0x91: {  	_ =	strace $0x90000050  }
0x92: {  	[bflag:$0x2] =	sbarrier.arrive $0xFFFF  }
0x93: {  	p0 =	sne.s32 s3, $0x0;
	s0 =	rddreg [dreg:$0x3]  }
0x94: {  	s0 =	sadd.s32 @!p0 $0x100000, s0  }
0x95: {  	[sflag:s0] =	ssyncadd.tile.s32 @!p0 $0x1;
	_ =	shalt  }
.Lfunc_end2:
_tile_overlayer_lowered:
.L_overlay_start_2:
0x96: {  	(tag) =	ssettag $0x2  }
0x97: {  	s0 =	rddreg [dreg:$0x0];
	s2 =	stileid.u32  }
0x98: {  	s1 =	rddreg [dreg:$0x1];
	p0 =	sne.s32 s2, $0x0  }
0x99: {  	s3 =	rddreg [dreg:$0x2];
	[bflag:$0x3] =	sbarrier.arrive $0xFFFF;
	s2 =	simm.s32 @!p0 $0x1C01  }
0x9a: {  	[timem:s3], [sflag:s2] =	dma.local @!p0 [hbm:s0], s1  }
0x9b: {  	s0 =	simm.s32 @!p0 $0x1  }
0x9c: {  	_ =	swait.ge @!p0 [sflag:s0], s1  }
0x9d: {  	s1 =	ssub.s32 @!p0 $0x0, s1;
	[sflag:s0] =	ssyncset.done @!p0 $0x0  }
0x9e: {  	[sflag:s0] =	ssyncadd.s32 @!p0 s1  }
0x9f: {  	[bflag:$0x3] =	sbarrier.arrive $0xFFFF  }
0xa0: {  	_ =	shalt  }

// kernel: kernel.24.cloned.1.call-start
scs
__scs_entry_jumppad:
0x0: {  	(pc) =	sbr.rel $0x88, $3  }
0x1: {  	(tag) =	ssettag $0x0;
	lr =	simm.s32 $0x1  }
0x2: {  	[smem:$0x3F9C] =	sst lr;
	_ =	strace $0xD0000000  }
0x3: {  	_ = 	snop  }
0x4: {  	_ = 	snop  }
0x5: {  	_ = 	snop  }
0x6: {  	_ = 	snop  }
0x7: {  	_ = 	snop  }
__scs_overlays_trampoline_lowered:
0x8: {  	[smem:$0x3FAB] =	sst s0  }
0x9: {  	[smem:$0x3FAC] =	sst s1  }
0xa: {  	[smem:$0x3FAD] =	sst s2  }
0xb: {  	[smem:$0x3FAE] =	sst s3  }
0xc: {  	[smem:$0x3FAF] =	sst s4  }
0xd: {  	[smem:$0x3FB0] =	sst s5  }
0xe: {  	[smem:$0x3FB1] =	sst s6  }
0xf: {  	[smem:$0x3FB2] =	sst s7  }
0x10: {  	[smem:$0x3FB3] =	sst s8  }
0x11: {  	[smem:$0x3FB4] =	sst s9;
	s0 =	simm.s32 @!p0 $0x0  }
0x12: {  	s1 =	sld [smem:$0x3F9A];
	s0 =	simm.s32 @p0 $0x1  }
0x13: {  	[smem:$0x3FB5] =	sst s0;
	s0 =	simm.s32 @!p1 $0x0  }
0x14: {  	s2 =	sld [smem:$0x3F99];
	s0 =	simm.s32 @p1 $0x1  }
0x15: {  	[smem:$0x3FB6] =	sst s0;
	s0 =	simm.s32 @!p2 $0x0  }
0x16: {  	s3 =	sld [smem:$0x3FDB];
	s0 =	simm.s32 @p2 $0x1  }
0x17: {  	s4 =	simm.s32 $0x1BF5;
	[smem:$0x3FB8] =	sst s0  }
0x18: {  	s0 =	sld [smem:$0x3F9B];
	_ =	swait.ge [sflag:s4], $0x0  }
0x19: {  	s7 =	sld [smem:$0x3F9C]  }
0x1a: {  	s8 =	sadd.s32 $0xFFFFE003, lr  }
0x1b: {  	s9 =	sadd.s32 $0xFFFFFEF7, lr;
	s5 =	simm.s32 $0xFFFFFFFF;
	p2 =	slt.u32 s8, $0xFFFFF086  }
0x1c: {  	p1 =	slt.u32 s9, $0xF7A;
	s5 =	simm.s32 @!p2 $0x0  }
0x1d: {  	s5 =	simm.s32 @p1 $0x1;
	p0 =	seq.s32 s7, s2  }
0x1e: {  	s7 =	smul.u32 @!p0 $0xF7A, s2;
	p2 =	seq.s32 @!p0 s5, $0x0  }
0x1f: {  	s9 =	smul.u32 $0xF7A, s1;
	s8 =	simm.s32 @!p0 $0x1BF5;
	p2 =	por !p2, p0  }
0x20: {  	[sflag:s8] =	ssyncset.s32 @!p0 $0xFFFFF086;
	s6 =	sadd.s32 @!p0 s3, s7;
	s7 =	simm.s32 @!p0 $0x108  }
0x21: {  	s3 =	sadd.s32 s3, s9;
	s6 =	sadd.s32 @!p0 $0x88, s6;
	s7 =	simm.s32 @p2 $0x1082  }
0x22: {  	[simem:s7], [sflag:s8] =	dma.local @!p0 [hbm:s6], $0xF7A  }
0x23: {  	s9 =	sor.u32 $0xD0000000, s2;
	s6 =	simm.s32 $0x108;
	_ =	swait.ge @!p0 [sflag:s8], $0x0  }
0x24: {  	s3 =	sadd.s32 $0x88, s3;
	s6 =	simm.s32 @!p1 $0x1082;
	[sflag:s4] =	ssyncset.s32 $0xFFFFF086  }
0x25: {  	[simem:s6], [sflag:s4] =	dma.local [hbm:s3], $0xF7A  }
0x26: {  	[smem:$0x3F9C] =	sst s1;
	(tag) =	ssettag s2;
	_ =	strace s9  }
0x27: {  	s1 =	sld [smem:$0x3FAC]  }
0x28: {  	s2 =	sld [smem:$0x3FAD]  }
0x29: {  	s4 =	sld [smem:$0x3FAF]  }
0x2a: {  	p0 =	seq.s32 s5, $0x0;
	s5 =	sld [smem:$0x3FB0]  }
0x2b: {  	s6 =	sld [smem:$0x3FB1]  }
0x2c: {  	s7 =	sld [smem:$0x3FB2]  }
0x2d: {  	s3 =	simm.s32 $0x108;
	s8 =	sld [smem:$0x3FB3]  }
0x2e: {  	s3 =	simm.s32 @!p0 $0x1082;
	s9 =	sld [smem:$0x3FB4]  }
0x2f: {  	lr =	sadd.s32 s0, s3;
	s0 =	sld [smem:$0x3FAB]  }
0x30: {  	s3 =	sld [smem:$0x3FAE]  }
0x31: {  	[smem:$0x3FB7] =	sst s10  }
0x32: {  	s10 =	sld [smem:$0x3FB5];
	_ =	sdelay $0x3  }
0x33: {  	p0 =	seq.s32 s10, $0x1;
	s10 =	sld [smem:$0x3FB7];
	_ =	sdelay $0x3  }
0x34: {  	[smem:$0x3FB7] =	sst s10  }
0x35: {  	s10 =	sld [smem:$0x3FB6];
	_ =	sdelay $0x3  }
0x36: {  	p1 =	seq.s32 s10, $0x1;
	s10 =	sld [smem:$0x3FB7];
	_ =	sdelay $0x3  }
0x37: {  	[smem:$0x3FB7] =	sst s10  }
0x38: {  	s10 =	sld [smem:$0x3FB8]  }
0x39: {  	_ = 	snop;
	(pc) =	sbr.ind lr, $3  }
0x3a: {  	_ = 	snop  }
0x3b: {  	_ = 	snop  }
0x3c: {  	p2 =	seq.s32 s10, $0x1;
	s10 =	sld [smem:$0x3FB7]  }
0x3d: {  	_ =	shalt  }
0x3e: {  	_ =	shalt  }
0x3f: {  	_ =	shalt  }
0x40: {  	_ =	shalt  }
0x41: {  	_ =	shalt  }
0x42: {  	_ =	shalt  }
0x43: {  	_ =	shalt  }
0x44: {  	_ =	shalt  }
0x45: {  	_ =	shalt  }
0x46: {  	_ =	shalt  }
0x47: {  	_ =	shalt  }
0x48: {  	_ =	shalt  }
0x49: {  	_ =	shalt  }
0x4a: {  	_ =	shalt  }
0x4b: {  	_ =	shalt  }
0x4c: {  	_ =	shalt  }
0x4d: {  	_ =	shalt  }
0x4e: {  	_ =	shalt  }
0x4f: {  	_ =	shalt  }
0x50: {  	_ =	shalt  }
0x51: {  	_ =	shalt  }
0x52: {  	_ =	shalt  }
0x53: {  	_ =	shalt  }
0x54: {  	_ =	shalt  }
0x55: {  	_ =	shalt  }
0x56: {  	_ =	shalt  }
0x57: {  	_ =	shalt  }
0x58: {  	_ =	shalt  }
0x59: {  	_ =	shalt  }
0x5a: {  	_ =	shalt  }
0x5b: {  	_ =	shalt  }
0x5c: {  	_ =	shalt  }
0x5d: {  	_ =	shalt  }
0x5e: {  	_ =	shalt  }
0x5f: {  	_ =	shalt  }
0x60: {  	_ =	shalt  }
0x61: {  	_ =	shalt  }
0x62: {  	_ =	shalt  }
0x63: {  	_ =	shalt  }
0x64: {  	_ =	shalt  }
0x65: {  	_ =	shalt  }
0x66: {  	_ =	shalt  }
0x67: {  	_ =	shalt  }
0x68: {  	_ =	shalt  }
0x69: {  	_ =	shalt  }
0x6a: {  	_ =	shalt  }
0x6b: {  	_ =	shalt  }
0x6c: {  	_ =	shalt  }
0x6d: {  	_ =	shalt  }
0x6e: {  	_ =	shalt  }
0x6f: {  	_ =	shalt  }
0x70: {  	_ =	shalt  }
0x71: {  	_ =	shalt  }
0x72: {  	_ =	shalt  }
0x73: {  	_ =	shalt  }
0x74: {  	_ =	shalt  }
0x75: {  	_ =	shalt  }
0x76: {  	_ =	shalt  }
0x77: {  	_ =	shalt  }
0x78: {  	_ =	shalt  }
0x79: {  	_ =	shalt  }
0x7a: {  	_ =	shalt  }
0x7b: {  	_ =	shalt  }
0x7c: {  	_ =	shalt  }
0x7d: {  	_ =	shalt  }
0x7e: {  	_ =	shalt  }
0x7f: {  	_ =	shalt  }
0x80: {  	_ =	shalt  }
0x81: {  	_ =	shalt  }
0x82: {  	_ =	shalt  }
0x83: {  	_ =	shalt  }
0x84: {  	_ =	shalt  }
0x85: {  	_ =	shalt  }
0x86: {  	_ =	shalt  }
0x87: {  	_ =	shalt  }
.Lfunc_end0:
.L_simem_size_0:
called_computation.4_lowered:
.L_overlay_start_0:
0x88: {  	s2 =	sld [smem:$0x3FD9]  }
0x89: {  	s3 =	sld [smem:$0x3FFE];
	_ =	sdelay $0x1  }
0x8a: {  	s1 =	srdreg.scid  }
0x8b: {  	s0 =	sand.u32 $0x1, s1  }
0x8c: {  	s17 =	sshll.u32 s0, $0xA;
	s2 =	sadd.s32 s3, s2  }
0x8d: {  	s2 =	sadd.s32 s2, s17  }
0x8e: {  	[smem:$0x3FC3] =	sst s2  }
0x8f: {  	_ = 	snop  }
0x90: {  	s2 =	sld [smem:$0x3FD0];
	(tm) =	ssettm $0x1  }
0x91: {  	s18 =	sld [smem:$0x3FFB];
	_ =	sdelay $0x3  }
0x92: {  	_ =	strace s18  }
0x93: {  	s3 =	sld [smem:$0x3FFC];
	_ =	sdelay $0x3  }
0x94: {  	_ =	strace s3  }
0x95: {  	s3 =	sld [smem:$0x3FFD];
	_ =	sdelay $0x3  }
0x96: {  	_ =	strace s3  }
0x97: {  	_ =	strace $0x8FFFFFFF  }
0x98: {  	s19 =	sld [smem:$0x3FDB];
	_ =	sdelay $0x1  }
0x99: {  	s4 =	simm.s32 $_scs_section_size  }
0x9a: {  	s5 =	simm.s32 $_size__tile_overlayer_lowered;
	s6 =	simm.s32 $_tile_overlayer_lowered  }
0x9b: {  	s22 =	simm.s32 $0x1BFF;
	s21 =	sshll.u32 s6, $0x1;
	s3 =	sadd.s32 s4, s19  }
0x9c: {  	s7 =	simm.s32 $0x0;
	s20 =	sshll.u32 s5, $0x1;
	s5 =	sadd.s32 s21, s3  }
0x9d: {  	[timem:s7], [sflag:s22] =	dma.local [hbm:s5], s20  }
0x9e: {  	_ =	swait.ge [sflag:s22], s20  }
0x9f: {  	s4 =	ssub.s32 $0x0, s20;
	[sflag:s22] =	ssyncset.done $0x0  }
0xa0: {  	[sflag:s22] =	ssyncadd.s32 s4;
	_ =	sdelay $0x1  }
0xa1: {  	s23 =	simm.s32 $0x1B8B  }
0xa2: {  	_ =	swait.ge [sflag:s23], $0x1  }
0xa3: {  	[sflag:s23] =	ssyncset.done $0x0  }
0xa4: {  	s25 =	simm.s32 $0x1B8E;
	s24 =	sld [smem:$0x3FFE];
	[sflag:s23] =	ssyncadd.s32 $0xFFFFFFFF  }
0xa5: {  	s26 =	simm.s32 $execute0_lowered;
	[smem:$0x3FD2] =	sst s25  }
0xa6: {  	s5 =	sshll.u32 s26, $0x1;
	_ =	strace $0x80000052;
	[dreg:$0x1] =	wrdreg $0xFFFFFFFF  }
0xa7: {  	s28 =	simm.s32 $_size_execute0_lowered;
	s3 =	sadd.s32 s3, s5;
	[dreg:$0x0] =	wrdreg $0x0  }
0xa8: {  	s5 =	sshll.u32 s28, $0x1;
	[dreg:$0x2] =	wrdreg s3  }
0xa9: {  	[dreg:$0x3] =	wrdreg s5  }
0xaa: {  	[dreg:$0x4] =	wrdreg $0xC0  }
0xab: {  	_ =	task [dreg:s7], $0x5FFFF  }
0xac: {  	[dreg:$0x1] =	wrdreg $0xFFFFFFFF  }
0xad: {  	[dreg:$0x0] =	wrdreg $0x60  }
0xae: {  	[dreg:$0x2] =	wrdreg s24  }
0xaf: {  	[dreg:$0x3] =	wrdreg s2  }
0xb0: {  	[dreg:$0x4] =	wrdreg $0xA8000  }
0xb1: {  	[dreg:$0x5] =	wrdreg $0x9  }
0xb2: {  	_ =	task.clear_ibuf [dreg:s7], $0x6FFFF;
	_ =	strace $0x90000052  }
0xb3: {  	s29 =	simm.s32 $0x9;
	_ =	strace $0x80000054  }
0xb4: {  	_ =	swait.ge [sflag:s29], $0x1  }
0xb5: {  	[sflag:s29] =	ssyncadd.s32 $0xFFFFFFFF  }
0xb6: {  	_ =	strace $0x90000054  }
0xb7: {  	_ =	sfence  }
0xb8: {  	s30 =	sld [smem:$0x0];
	_ =	sdelay $0x2  }
0xb9: {  	s31 =	sshll.u32 s1, $0xD;
	s1 =	sshrl.u32 s1, $0x2  }
0xba: {  	s3 =	sand.u32 $0x4000, s31;
	s1 =	sadd.s32 s1, s30  }
0xbb: {  	s0 =	sor.u32 s3, s0;
	s1 =	sshll.u32 s1, $0x11  }
0xbc: {  	s0 =	sor.u32 s1, s0  }
0xbd: {  	s0 =	sadd.s32 $0x8F2B, s0  }
0xbe: {  	[sflag:s0] =	ssyncadd.remote.s32 $0x1  }
0xbf: {  	_ =	sfence.sel $0xFFFF  }
0xc0: {  	[dreg:$0x0] =	wrdreg $0xFFFFFFFF;
	(pc) =	sbr.abs _section_cstart, $3  }
0xc1: {  	[dreg:$0x1] =	wrdreg $0xFFFFFFFF  }
0xc2: {  	_ =	task.clear_ibuf [dreg:s7], $0x2FFFF;
	_ =	strace $0x9FFFFFFF  }
0xc3: {  	(tm) =	ssettm $0x7FFFFFFF  }
tec
execute0_lowered:
.L_overlay_start_1:
0x0: {  	(tag) =	ssettag $0x1  }
0x1: {  	s0 =	rddreg [dreg:$0x0]  }
0x2: {  	s9 =	rddreg [dreg:$0x1];
	s3 =	srdreg.scid  }
0x3: {  	s1 =	rddreg [dreg:$0x2];
	s2 =	simm.s32 $0x0;
	s16 =	sand.u32 $0x1, s3  }
0x4: {  	s28 =	simm.s32 $0x3400;
	s3 =	stileid.u32;
	s6 =	smul.u32 $0x28000, s16  }
0x5: {  	s29 =	simm.s32 $0x80;
	s30 =	simm.s32 $0x0;
	s8 =	smul.u32 $0x50000, s3  }
0x6: {  	[smem:$0x7FF] =	sst s2;
	s4 =	sadd.s32 $0x5DE00, s0;
	s12 =	smul.u32 $0x3400, s3  }
0x7: {  	s10 =	sadd.s32 $0x2E00, s0;
	s5 =	sadd.s32 $0xCE00, s0;
	s25 =	smul.u32 $0x380, s3  }
0x8: {  	_ =	strace $0x80000053;
	s7 =	ssub.s32 $0x2, s16;
	s17 =	smul.u32 $0x280, s3  }
0x9: {  	s18 =	smul.u32 $0x2800, s3;
	p0 =	sne.s32 s16, $0x0;
	s11 =	sshrl.u32 s7, $0x1  }
0xa: {  	s0 =	sadd.s32 s6, s0;
	s11 =	ssub.s32 s7, s11;
	s23 =	sshrl.u32 s8, $0x2  }
0xb: {  	s24 =	sshrl.u32 s12, $0x3;
	s19 =	sadd.s32 $0x80, s17;
	s20 =	sadd.s32 $0x100, s17  }
0xc: {  	s7 =	sadd.s32 $0x180, s17;
	s17 =	sadd.s32 $0x200, s17;
	s6 =	sadd.s32 s23, s1  }
0xd: {  	s26 =	sadd.s32 $0x3800, s24;
	s0 =	sadd.s32 $0x85E00, s0;
	s11 =	smax.u32 s11, $0x1  }
0xe: {  	s21 =	sshll.u32 s19, $0x7;
	s22 =	sshll.u32 s20, $0x7;
	s19 =	sshll.u32 s19, $0x4  }
0xf: {  	s20 =	sshll.u32 s20, $0x4;
	s31 =	sadd.s32 s9, s26;
	s8 =	sadd.s32 s10, s26  }
0x10: {  	s9 =	sadd.s32 s9, s25;
	s10 =	sadd.s32 s10, s25;
	s12 =	sadd.s32 $0x4000, s6  }
0x11: {  	s13 =	sadd.s32 $0x8000, s6;
	s14 =	sadd.s32 $0xC000, s6;
	s15 =	sadd.s32 $0x10000, s6  }
0x12: {  	s23 =	sadd.s32 s21, s1;
	s24 =	sadd.s32 s22, s1;
	s25 =	sshll.u32 s7, $0x7  }
0x13: {  	s26 =	sshll.u32 s17, $0x7;
	s21 =	sshll.u32 s7, $0x4;
	s16 =	sadd.s32 s18, s0  }
.Ltmp0:
0x14: {  	s18 =	sadd.s32 s20, s0;
	[dreg:$0x4] =	wrdreg s31;
	(pc) =	sbr.rel .LBB2_1-.Ltmp0, $4  }
0x15: {  	s25 =	sadd.s32 s25, s1;
	s26 =	sadd.s32 s26, s1;
	s31 =	sshll.u32 s17, $0x4  }
0x16: {  	s17 =	sadd.s32 s19, s0;
	s19 =	sadd.s32 s21, s0;
	s21 =	simm.s32 $0x6800  }
0x17: {  	s22 =	sshrl.u32 s23, $0x3;
	s23 =	sshrl.u32 s24, $0x3;
	s20 =	sadd.s32 s31, s0  }
0x18: {  	s24 =	sshrl.u32 s25, $0x3;
	s25 =	sshrl.u32 s26, $0x3;
	s26 =	simm.s32 $0x1  }
.LBB2_7:
0x19: {  	s0 =	sshra.s32 s31, $0x2;
	[sflag:s26] =	ssyncadd.s32 $0xFFFFC000  }
0x1a: {  	[tilespmem:s21], [sflag:$0x1] =	stream.indirect.gather [hbm4b:s4+s29], $0x80, s0, s29, $0xb8;
	[tilespmem:$0x1E800] =	vst v63  }
0x1b: {  	_ =	swait.ge [sflag:s26], $0x4000  }
0x1c: {  	[sflag:s26] =	ssyncset.done $0x0  }
0x1d: {  	s0 =	sadd.s32 $0x3400, s0;
	[sflag:s26] =	ssyncadd.s32 $0xFFFFC000  }
0x1e: {  	[spmem:s1] =	stream.indirect.scatter.add.f32 [tilespmem:s21], [sflag:$0x1], $0x80, s0, s29, $0xb8;
	[tilespmem:$0x1E800] =	vst v63  }
0x1f: {  	_ =	swait.ge [sflag:s26], $0x4000  }
0x20: {  	[sflag:s26] =	ssyncset.done $0x0  }
0x21: {  	[sflag:s26] =	ssyncadd.s32 $0xFFFFC000  }
.LBB2_8:
0x22: {  	s0 =	sshll.u32 s3, $0x6  }
0x23: {  	[bflag:$0x0] =	sbarrier.arrive $0xFFFF;
	s2 =	sshrl.u32 s6, $0x3;
	s0 =	sor.u32 $0x1C01, s0  }
0x24: {  	[hbm:s16], [sflag:s0] =	dma.local [spmem:s2], $0x800  }
0x25: {  	_ =	swait.ge [sflag:s26], $0x800  }
0x26: {  	[sflag:s26] =	ssyncset.done $0x0  }
0x27: {  	[sflag:s26] =	ssyncadd.s32 $0xFFFFF800  }
0x28: {  	[hbm:s17], [sflag:s0] =	dma.local [spmem:s22], $0x800  }
0x29: {  	_ =	swait.ge [sflag:s26], $0x800  }
0x2a: {  	[sflag:s26] =	ssyncset.done $0x0  }
0x2b: {  	[sflag:s26] =	ssyncadd.s32 $0xFFFFF800  }
0x2c: {  	[hbm:s18], [sflag:s0] =	dma.local [spmem:s23], $0x800  }
0x2d: {  	_ =	swait.ge [sflag:s26], $0x800  }
0x2e: {  	[sflag:s26] =	ssyncset.done $0x0  }
0x2f: {  	[sflag:s26] =	ssyncadd.s32 $0xFFFFF800  }
0x30: {  	[hbm:s19], [sflag:s0] =	dma.local [spmem:s24], $0x800  }
0x31: {  	s30 =	sadd.s32 $0x1, s30;
	_ =	swait.ge [sflag:s26], $0x800  }
0x32: {  	p1 =	sne.s32 s30, s11;
	[sflag:s26] =	ssyncset.done $0x0  }
.Ltmp1:
0x33: {  	[sflag:s26] =	ssyncadd.s32 $0xFFFFF800;
	(pc) =	sbr.rel @!p1 .LBB2_9-.Ltmp1, $4  }
0x34: {  	[hbm:s20], [sflag:s0] =	dma.local [spmem:s25], $0x800  }
0x35: {  	_ =	swait.ge [sflag:s26], $0x800  }
0x36: {  	[sflag:s26] =	ssyncset.done $0x0  }
0x37: {  	[sflag:s26] =	ssyncadd.s32 $0xFFFFF800  }
.LBB2_1:
0x38: {  	s0 =	simm.s32 $0x0  }
0x39: {  	[tilespmem:s21], [sflag:$0x1] =	stream.linear.gather [hbm4b:s5+s0], $0x4000, $0x38;
	[tilespmem:$0x1E800] =	vst v63  }
0x3a: {  	_ =	swait.ge [sflag:s26], $0x4000  }
0x3b: {  	[sflag:s26] =	ssyncset.done $0x0  }
0x3c: {  	[sflag:s26] =	ssyncadd.s32 $0xFFFFC000  }
0x3d: {  	[spmem:s6] =	stream.linear.scatter [tilespmem:s21], [sflag:$0x1], $0x4000, $0x38;
	[tilespmem:$0x1E800] =	vst v63  }
0x3e: {  	_ =	swait.ge [sflag:s26], $0x4000  }
0x3f: {  	[sflag:s26] =	ssyncset.done $0x0  }
0x40: {  	[sflag:s26] =	ssyncadd.s32 $0xFFFFC000  }
0x41: {  	[spmem:s12] =	stream.linear.scatter [tilespmem:s21], [sflag:$0x1], $0x4000, $0x38;
	[tilespmem:$0x1E800] =	vst v63  }
0x42: {  	_ =	swait.ge [sflag:s26], $0x4000  }
0x43: {  	[sflag:s26] =	ssyncset.done $0x0  }
0x44: {  	[sflag:s26] =	ssyncadd.s32 $0xFFFFC000  }
0x45: {  	[spmem:s13] =	stream.linear.scatter [tilespmem:s21], [sflag:$0x1], $0x4000, $0x38;
	[tilespmem:$0x1E800] =	vst v63  }
0x46: {  	_ =	swait.ge [sflag:s26], $0x4000  }
0x47: {  	[sflag:s26] =	ssyncset.done $0x0  }
0x48: {  	[sflag:s26] =	ssyncadd.s32 $0xFFFFC000  }
0x49: {  	[spmem:s14] =	stream.linear.scatter [tilespmem:s21], [sflag:$0x1], $0x4000, $0x38;
	[tilespmem:$0x1E800] =	vst v63  }
0x4a: {  	_ =	swait.ge [sflag:s26], $0x4000  }
0x4b: {  	[sflag:s26] =	ssyncset.done $0x0  }
.Ltmp2:
0x4c: {  	[sflag:s26] =	ssyncadd.s32 $0xFFFFC000;
	(pc) =	sbr.rel @p0 .LBB2_5-.Ltmp2, $4  }
0x4d: {  	[spmem:s15] =	stream.linear.scatter [tilespmem:s21], [sflag:$0x1], $0x4000, $0x38;
	[tilespmem:$0x1E800] =	vst v63  }
0x4e: {  	_ =	swait.ge [sflag:s26], $0x4000  }
0x4f: {  	[sflag:s26] =	ssyncset.done $0x0  }
0x50: {  	s0 =	simm.s32 $0x0;
	[sflag:s26] =	ssyncadd.s32 $0xFFFFC000  }
0x51: {  	[tilespmem:s0], [sflag:$0x1] =	stream.linear.gather [hbm4b:s9+s0], $0x1C00, $0x38;
	[tilespmem:$0x1E800] =	vst v63  }
0x52: {  	_ =	swait.ge [sflag:s26], $0x1C00  }
0x53: {  	[sflag:s26] =	ssyncset.done $0x0  }
0x54: {  	[sflag:s26] =	ssyncadd.s32 $0xFFFFE400  }
0x55: {  	[tilespmem:s28], [sflag:$0x1] =	stream.linear.gather [hbm4b:s10+s0], $0x1C00, $0x38;
	[tilespmem:$0x1E800] =	vst v63  }
0x56: {  	_ =	swait.ge [sflag:s26], $0x1C00  }
0x57: {  	[sflag:s26] =	ssyncset.done $0x0  }
0x58: {  	[sflag:s26] =	ssyncadd.s32 $0xFFFFE400  }
0x59: {  	s2 =	simm.s32 $0x0;
	[bflag:$0x0] =	sbarrier.arrive $0xFFFF  }
0x5a: {  	[tilespmem:s21], [sflag:$0x1] =	stream.indirect.gather [hbm4b:s4+s29], $0x80, s2, s29, $0xb8;
	[tilespmem:$0x1E800] =	vst v63  }
0x5b: {  	_ =	swait.ge [sflag:s26], $0x4000  }
0x5c: {  	[sflag:s26] =	ssyncset.done $0x0  }
0x5d: {  	s7 =	simm.s32 $0x3400;
	[sflag:s26] =	ssyncadd.s32 $0xFFFFC000  }
0x5e: {  	[spmem:s1] =	stream.indirect.scatter.add.f32 [tilespmem:s21], [sflag:$0x1], $0x80, s7, s29, $0xb8;
	[tilespmem:$0x1E800] =	vst v63  }
0x5f: {  	_ =	swait.ge [sflag:s26], $0x4000  }
0x60: {  	s31 =	simm.s32 $0x200;
	s0 =	simm.s32 $0x400;
	[sflag:s26] =	ssyncset.done $0x0  }
.LBB2_3:
0x61: {  	s2 =	sshra.s32 s31, $0x2  }
0x62: {  	[sflag:s26] =	ssyncadd.s32 $0xFFFFC000;
	s31 =	smov.u32 s0;
	s7 =	sadd.s32 $0x200, s0  }
0x63: {  	[tilespmem:s21], [sflag:$0x1] =	stream.indirect.gather [hbm4b:s4+s29], $0x80, s2, s29, $0xb8;
	[tilespmem:$0x1E800] =	vst v63  }
0x64: {  	p1 =	seq.s32 s0, $0x6E00;
	_ =	swait.ge [sflag:s26], $0x4000  }
.Ltmp3:
0x65: {  	[sflag:s26] =	ssyncset.done $0x0;
	(pc) =	sbr.rel @!p1 .LBB2_3-.Ltmp3, $4  }
0x66: {  	s0 =	sadd.s32 $0x3400, s2;
	[sflag:s26] =	ssyncadd.s32 $0xFFFFC000  }
0x67: {  	[spmem:s1] =	stream.indirect.scatter.add.f32 [tilespmem:s21], [sflag:$0x1], $0x80, s0, s29, $0xb8;
	[tilespmem:$0x1E800] =	vst v63  }
0x68: {  	_ =	swait.ge [sflag:s26], $0x4000  }
0x69: {  	s0 =	smov.u32 s7;
	[sflag:s26] =	ssyncset.done $0x0  }
0x6a: {  	s0 =	sshra.s32 s31, $0x2;
	[sflag:s26] =	ssyncadd.s32 $0xFFFFC000  }
0x6b: {  	[tilespmem:s21], [sflag:$0x1] =	stream.indirect.gather [hbm4b:s4+s29], $0x80, s0, s29, $0xb8;
	[tilespmem:$0x1E800] =	vst v63  }
0x6c: {  	_ =	swait.ge [sflag:s26], $0x4000  }
0x6d: {  	[sflag:s26] =	ssyncset.done $0x0  }
.Ltmp4:
0x6e: {  	s0 =	sadd.s32 $0x3400, s0;
	[sflag:s26] =	ssyncadd.s32 $0xFFFFC000;
	(pc) =	sbr.rel .LBB2_8-.Ltmp4, $4  }
0x6f: {  	[spmem:s1] =	stream.indirect.scatter.add.f32 [tilespmem:s21], [sflag:$0x1], $0x80, s0, s29, $0xb8;
	[tilespmem:$0x1E800] =	vst v63  }
0x70: {  	_ =	swait.ge [sflag:s26], $0x4000  }
0x71: {  	[sflag:s26] =	ssyncset.done $0x0  }
0x72: {  	[sflag:s26] =	ssyncadd.s32 $0xFFFFC000  }
.LBB2_5:
0x73: {  	s2 =	rddreg [dreg:$0x4]  }
0x74: {  	[tilespmem:s0], [sflag:$0x1] =	stream.linear.gather [hbm4b:s2+s0], $0x3400, $0x38;
	[tilespmem:$0x1E800] =	vst v63  }
0x75: {  	_ =	swait.ge [sflag:s26], $0x3400  }
0x76: {  	[sflag:s26] =	ssyncset.done $0x0  }
0x77: {  	[sflag:s26] =	ssyncadd.s32 $0xFFFFCC00  }
0x78: {  	[tilespmem:s28], [sflag:$0x1] =	stream.linear.gather [hbm4b:s8+s0], $0x3400, $0x38;
	[tilespmem:$0x1E800] =	vst v63  }
0x79: {  	_ =	swait.ge [sflag:s26], $0x3400  }
0x7a: {  	[sflag:s26] =	ssyncset.done $0x0  }
0x7b: {  	[sflag:s26] =	ssyncadd.s32 $0xFFFFCC00  }
0x7c: {  	s2 =	simm.s32 $0x0;
	[bflag:$0x0] =	sbarrier.arrive $0xFFFF  }
0x7d: {  	[tilespmem:s21], [sflag:$0x1] =	stream.indirect.gather [hbm4b:s4+s29], $0x80, s2, s29, $0xb8;
	[tilespmem:$0x1E800] =	vst v63  }
0x7e: {  	_ =	swait.ge [sflag:s26], $0x4000  }
0x7f: {  	[sflag:s26] =	ssyncset.done $0x0  }
0x80: {  	s7 =	simm.s32 $0x3400;
	[sflag:s26] =	ssyncadd.s32 $0xFFFFC000  }
0x81: {  	[spmem:s1] =	stream.indirect.scatter.add.f32 [tilespmem:s21], [sflag:$0x1], $0x80, s7, s29, $0xb8;
	[tilespmem:$0x1E800] =	vst v63  }
0x82: {  	_ =	swait.ge [sflag:s26], $0x4000  }
0x83: {  	s31 =	simm.s32 $0x200;
	s0 =	simm.s32 $0x400;
	[sflag:s26] =	ssyncset.done $0x0  }
.LBB2_6:
0x84: {  	s2 =	sshra.s32 s31, $0x2  }
0x85: {  	[sflag:s26] =	ssyncadd.s32 $0xFFFFC000;
	s31 =	smov.u32 s0;
	s7 =	sadd.s32 $0x200, s0  }
0x86: {  	[tilespmem:s21], [sflag:$0x1] =	stream.indirect.gather [hbm4b:s4+s29], $0x80, s2, s29, $0xb8;
	[tilespmem:$0x1E800] =	vst v63  }
0x87: {  	p1 =	sne.s32 s0, $0xCE00;
	_ =	swait.ge [sflag:s26], $0x4000  }
.Ltmp5:
0x88: {  	[sflag:s26] =	ssyncset.done $0x0;
	(pc) =	sbr.rel @p1 .LBB2_6-.Ltmp5, $4  }
0x89: {  	s0 =	sadd.s32 $0x3400, s2;
	[sflag:s26] =	ssyncadd.s32 $0xFFFFC000  }
0x8a: {  	[spmem:s1] =	stream.indirect.scatter.add.f32 [tilespmem:s21], [sflag:$0x1], $0x80, s0, s29, $0xb8;
	[tilespmem:$0x1E800] =	vst v63  }
0x8b: {  	_ =	swait.ge [sflag:s26], $0x4000  }
0x8c: {  	s0 =	smov.u32 s7;
	[sflag:s26] =	ssyncset.done $0x0  }
.Ltmp6:
0x8d: {  	_ = 	snop;
	(pc) =	sbr.rel .LBB2_7-.Ltmp6, $1  }
0x8e: {  	_ =	sdelay $0x3  }
.LBB2_9:
0x8f: {  	_ =	sfence.sel $0x180000  }
0x90: {  	[bflag:$0x0] =	sbarrier.arrive $0xFFFF  }
0x91: {  	_ =	strace $0x90000053  }
0x92: {  	[bflag:$0x2] =	sbarrier.arrive $0xFFFF  }
0x93: {  	p0 =	sne.s32 s3, $0x0;
	s0 =	rddreg [dreg:$0x3]  }
0x94: {  	s0 =	sadd.s32 @!p0 $0x100000, s0  }
0x95: {  	[sflag:s0] =	ssyncadd.tile.s32 @!p0 $0x1;
	_ =	shalt  }
.Lfunc_end2:
_tile_overlayer_lowered:
.L_overlay_start_2:
0x96: {  	(tag) =	ssettag $0x2  }
0x97: {  	s0 =	rddreg [dreg:$0x0];
	s2 =	stileid.u32  }
0x98: {  	s1 =	rddreg [dreg:$0x1];
	p0 =	sne.s32 s2, $0x0  }
0x99: {  	s3 =	rddreg [dreg:$0x2];
	[bflag:$0x3] =	sbarrier.arrive $0xFFFF;
	s2 =	simm.s32 @!p0 $0x1C01  }
0x9a: {  	[timem:s3], [sflag:s2] =	dma.local @!p0 [hbm:s0], s1  }
0x9b: {  	s0 =	simm.s32 @!p0 $0x1  }
0x9c: {  	_ =	swait.ge @!p0 [sflag:s0], s1  }
0x9d: {  	s1 =	ssub.s32 @!p0 $0x0, s1;
	[sflag:s0] =	ssyncset.done @!p0 $0x0  }
0x9e: {  	[sflag:s0] =	ssyncadd.s32 @!p0 s1  }
0x9f: {  	[bflag:$0x3] =	sbarrier.arrive $0xFFFF  }
0xa0: {  	_ =	shalt  }

</sc_bundles>
